<compile_context>
chip_gen: v7x
topology: tpu7x:2x2x1
jax: 0.10.2.dev20260603
libtpu: 0.0.44.dev20260713+nightly
codegen_flags: <defaults>
</compile_context>

<pallas_src>
import jax
import jax.numpy as jnp
from jax.experimental import pallas as pl
from jax.experimental.pallas import tpu as pltpu

C_FEAT = 64
C_POS = 2
C_ALL = C_FEAT + C_POS
N_PIX = 50176
NSPIX = 512
N_ITER = 3
N_ADMM = 10
RHO = 1.0

NB = 1792
NBLK = N_PIX // NB

_INTERPRET = False


def _dotb(a, b, dims):
    return jax.lax.dot_general(a, b, dimension_numbers=(dims, ((), ())),
                               preferred_element_type=jnp.float32)


def _split3(v):
    vh = v.astype(jnp.bfloat16)
    r = v - vh.astype(jnp.float32)
    vm = r.astype(jnp.bfloat16)
    vl = (r - vm.astype(jnp.float32)).astype(jnp.bfloat16)
    return vh, vm, vl


def _dot(a, b, dims):
    ah, am, _ = _split3(a)
    bh, bm, _ = _split3(b)
    return (_dotb(ah, bh, dims) + _dotb(ah, bm, dims)
            + _dotb(am, bh, dims))


def _dot6(a, b, dims):
    ah, am, al = _split3(a)
    bh, bm, bl = _split3(b)
    return (((_dotb(ah, bh, dims) + _dotb(ah, bm, dims))
             + _dotb(am, bh, dims))
            + (_dotb(ah, bl, dims) + _dotb(al, bh, dims)
               + _dotb(am, bm, dims)))


def _dot01(a, b, dims):
    ah, am, al = _split3(a)
    bb = b.astype(jnp.bfloat16)
    return (_dotb(ah, bb, dims) + _dotb(am, bb, dims)
            + _dotb(al, bb, dims))


def _dot1(a, b, dims):
    return _dotb(a.astype(jnp.bfloat16), b.astype(jnp.bfloat16), dims)


def _mm1(a, b):
    return _dot1(a, b, ((a.ndim - 1,), (0,)))


def _logits(xt_blk, xf2, xp2, centers, cs, ps, temp):
    cf = centers[0:C_FEAT, :]
    cp = centers[C_FEAT:C_ALL, :]
    xf = xt_blk[:, 0:C_FEAT]
    xp = xt_blk[:, C_FEAT:C_ALL]
    cf2 = jnp.sum(cf * cf, axis=0, keepdims=True)
    cp2 = jnp.sum(cp * cp, axis=0, keepdims=True)
    dc = xf2 + cf2 - 2.0 * _mm1(xf, cf)
    dp = xp2 + cp2 - 2.0 * _mm1(xp, cp)
    return -(cs * dc + ps * dp) * temp


def _e_kernel(xt_ref, xf2_ref, xp2_ref, cent_ref, cs_ref, ps_ref, temp_ref,
              e_out_ref):
    l = _logits(xt_ref[...], xf2_ref[...], xp2_ref[...], cent_ref[...],
                cs_ref[...], ps_ref[...], temp_ref[0, 0])
    m = jnp.max(l, axis=1, keepdims=True)
    e_out_ref[...] = jnp.exp(l - m)


def _soft(v, t):
    return jnp.sign(v) * jnp.maximum(jnp.abs(v) - t, 0.0)


def _admm_kernel(aff_ref, cent_ref, lamda_ref, lab_out_ref, recon_out_ref,
                 snorm_out_ref, c_out_ref, z_out_ref, pres_ref):
    j = pl.program_id(0)

    @pl.when(j == 0)
    def _():
        pres_ref[...] = jnp.zeros_like(pres_ref)

    aff = aff_ref[...]
    labels = jnp.argmax(aff, axis=1).astype(jnp.int32)
    lab_out_ref[...] = labels[None, None, :]
    ki0 = jax.lax.broadcasted_iota(jnp.int32, (NB, NSPIX), 1)
    hit = (labels[:, None] == ki0).astype(jnp.float32)
    pres_ref[...] = jnp.maximum(pres_ref[...],
                                jnp.max(hit, axis=0, keepdims=True))

    @pl.when(j == NBLK - 1)
    def _():
        _admm_tail(cent_ref, lamda_ref, recon_out_ref, snorm_out_ref,
                   c_out_ref, z_out_ref, pres_ref)


def _admm_tail(cent_ref, lamda_ref, recon_out_ref, snorm_out_ref,
               c_out_ref, z_out_ref, pres_ref):
    centers = cent_ref[...]
    pres = pres_ref[...]
    ka = jax.lax.broadcasted_iota(jnp.int32, (NSPIX, NSPIX), 0)
    kb = jax.lax.broadcasted_iota(jnp.int32, (NSPIX, NSPIX), 1)
    lower = (ka <= kb).astype(jnp.float32)
    rank = _dotb(pres.astype(jnp.bfloat16), lower.astype(jnp.bfloat16),
                 ((1,), (0,))).astype(jnp.int32)
    npres = jnp.sum(pres, axis=1, keepdims=True).astype(jnp.int32)
    trow = jax.lax.broadcasted_iota(jnp.int32, (NSPIX, NSPIX), 0)
    klane = jax.lax.broadcasted_iota(jnp.int32, (NSPIX, NSPIX), 1)
    sel_t = jnp.where((pres > 0.5) & (rank - 1 == trow), 1.0, 0.0)
    pad_t = jnp.where((trow >= npres) & (klane == 0), 1.0, 0.0)
    sel = _dot01(centers, sel_t + pad_t, ((1,), (1,)))

    s = sel[0:C_FEAT, :]
    d = _dot1(s, s, ((0,), (0,)))
    m = _dot(s, s, ((1,), (1,)))
    ei = jax.lax.broadcasted_iota(jnp.int32, (C_FEAT, C_FEAT), 0)
    ej = jax.lax.broadcasted_iota(jnp.int32, (C_FEAT, C_FEAT), 1)
    eye64 = (ei == ej).astype(jnp.float32)
    m = m + RHO * eye64

    def gj_step(k, carry):
        mat, inv = carry
        lane = jax.lax.broadcasted_iota(jnp.int32, (C_FEAT, C_FEAT), 1)
        sub = jax.lax.broadcasted_iota(jnp.int32, (C_FEAT, C_FEAT), 0)
        colk = jnp.sum(jnp.where(lane == k, mat, 0.0), axis=1, keepdims=True)
        rowk_m = jnp.sum(jnp.where(sub == k, mat, 0.0), axis=0, keepdims=True)
        rowk_i = jnp.sum(jnp.where(sub == k, inv, 0.0), axis=0, keepdims=True)
        pivot = jnp.sum(jnp.where(lane[0:1, :] == k, rowk_m, 0.0), axis=1,
                        keepdims=True)
        rowk_m = rowk_m / pivot
        rowk_i = rowk_i / pivot
        mat2 = mat - colk * rowk_m
        inv2 = inv - colk * rowk_i
        mat2 = jnp.where(sub == k, rowk_m, mat2)
        inv2 = jnp.where(sub == k, rowk_i, inv2)
        return mat2, inv2

    _, minv = jax.lax.fori_loop(0, C_FEAT, gj_step, (m, eye64))

    t1 = _dot(minv, s, ((1,), (0,)))
    ainv_lr = _dot(s, t1, ((0,), (0,)))
    ki2 = jax.lax.broadcasted_iota(jnp.int32, (NSPIX, NSPIX), 0)
    kj2 = jax.lax.broadcasted_iota(jnp.int32, (NSPIX, NSPIX), 1)
    eyek = (ki2 == kj2).astype(jnp.float32)
    ainv = (eyek - ainv_lr) / RHO
    a_mat = d + RHO * eyek
    for _ in range(6):
        t = _dot6(a_mat, ainv, ((1,), (0,)))
        ainv = _dot6(ainv, 2.0 * eyek - t, ((1,), (0,)))

    lam = jnp.mean(jnp.exp(lamda_ref[...]))
    thr = lam / RHO

    c = jnp.zeros((NSPIX, NSPIX), jnp.float32)
    z = jnp.zeros_like(c)
    u = jnp.zeros_like(c)
    for _ in range(N_ADMM):
        c = _mm1(ainv, d + RHO * (z - u))
        z = _soft(c + u, thr)
        u = u + c - z

    recon = _mm1(s, z)
    rn = jnp.sqrt(jnp.sum(recon * recon, axis=0, keepdims=True))
    sn = jnp.sqrt(jnp.sum(s * s, axis=0, keepdims=True))
    recon_out_ref[...] = recon / (rn + 1e-8)
    snorm_out_ref[...] = s / (sn + 1e-8)
    c_out_ref[...] = c
    z_out_ref[...] = z


def kernel(Feature, coordinate, a, lamda, noise, temp):
    f32 = jnp.float32
    x = jnp.concatenate([Feature, coordinate], axis=0) + noise
    xt = x.T
    color_scale = jax.nn.sigmoid(a) * 0.8 + 0.1
    pos_scale = 1.0 - color_scale
    cs = color_scale[None, :]
    ps = pos_scale[None, :]
    temp2d = jnp.asarray(temp, f32).reshape(1, 1)

    xf = x[:C_FEAT]
    xp = x[C_FEAT:]
    xf2 = jnp.sum(xf * xf, axis=0)[:, None]
    xp2 = jnp.sum(xp * xp, axis=0)[:, None]

    init_labels = (jnp.arange(N_PIX) * NSPIX) // N_PIX
    cnt = jax.ops.segment_sum(jnp.ones((N_PIX,), f32), init_labels,
                              num_segments=NSPIX)
    centers = jax.ops.segment_sum(xt, init_labels,
                                  num_segments=NSPIX).T / (cnt[None, :] + 1e-8)

    e_call = pl.pallas_call(
        _e_kernel,
        grid=(NBLK,),
        in_specs=[
            pl.BlockSpec((NB, C_ALL), lambda j: (j, 0)),
            pl.BlockSpec((NB, 1), lambda j: (j, 0)),
            pl.BlockSpec((NB, 1), lambda j: (j, 0)),
            pl.BlockSpec((C_ALL, NSPIX), lambda j: (0, 0)),
            pl.BlockSpec((1, NSPIX), lambda j: (0, 0)),
            pl.BlockSpec((1, NSPIX), lambda j: (0, 0)),
            pl.BlockSpec((1, 1), lambda j: (0, 0)),
        ],
        out_specs=pl.BlockSpec((NB, NSPIX), lambda j: (j, 0)),
        out_shape=jax.ShapeDtypeStruct((N_PIX, NSPIX), f32),
        compiler_params=pltpu.CompilerParams(
            dimension_semantics=("arbitrary",)),
        interpret=_INTERPRET,
    )

    aff = None
    for _ in range(N_ITER):
        e = e_call(xt, xf2, xp2, centers, cs, ps, temp2d)
        aff = e / jnp.sum(e, axis=1, keepdims=True)
        w = jnp.sum(aff, axis=0)
        centers = (x @ aff) / (w[None, :] + 1e-8)

    affinity = aff
    centers3 = centers

    admm = pl.pallas_call(
        _admm_kernel,
        grid=(NBLK,),
        in_specs=[
            pl.BlockSpec((NB, NSPIX), lambda j: (j, 0)),
            pl.BlockSpec((C_ALL, NSPIX), lambda j: (0, 0)),
            pl.BlockSpec((1, 25), lambda j: (0, 0)),
        ],
        out_specs=[
            pl.BlockSpec((1, 1, NB), lambda j: (j, 0, 0)),
            pl.BlockSpec((C_FEAT, NSPIX), lambda j: (0, 0)),
            pl.BlockSpec((C_FEAT, NSPIX), lambda j: (0, 0)),
            pl.BlockSpec((NSPIX, NSPIX), lambda j: (0, 0)),
            pl.BlockSpec((NSPIX, NSPIX), lambda j: (0, 0)),
        ],
        out_shape=[
            jax.ShapeDtypeStruct((NBLK, 1, NB), jnp.int32),
            jax.ShapeDtypeStruct((C_FEAT, NSPIX), f32),
            jax.ShapeDtypeStruct((C_FEAT, NSPIX), f32),
            jax.ShapeDtypeStruct((NSPIX, NSPIX), f32),
            jax.ShapeDtypeStruct((NSPIX, NSPIX), f32),
        ],
        scratch_shapes=[pltpu.VMEM((1, NSPIX), f32)],
        compiler_params=pltpu.CompilerParams(
            dimension_semantics=("arbitrary",)),
        interpret=_INTERPRET,
    )
    labels3, recon_norm, s_norm, c_i, z_t = admm(affinity, centers3,
                                                 lamda[None, :])
    hard_labels = labels3.reshape(N_PIX)

    return (affinity, hard_labels, centers3, recon_norm, c_i, z_t, s_norm,
            affinity)

# --- scband reference (transcript-rebuilt; emitter-appended) ---
"""Pipeline reference for scband-ssnmodel-33646773797630 (READ-ONLY COPY).

The authoritative reference and input builder live on the scoring server;
editing this copy changes nothing except your own understanding.
"""

import jax, jax.numpy as jnp
import numpy as np

C_FEAT = 64
C_POS = 2
N_PIX = 50176
NSPIX = 512
N_ITER = 3
N_ADMM = 10
RHO = 1.0


def setup_inputs(seed: int = 0) -> dict:
    key = jax.random.key(seed)
    k1, k2 = jax.random.split(key)
    Feature = jax.random.normal(k1, (C_FEAT, N_PIX), dtype=jnp.float32)
    coordinate = jax.random.uniform(k2, (C_POS, N_PIX), dtype=jnp.float32)
    # learned parameters (per __init__)
    a = jnp.zeros((NSPIX,), dtype=jnp.float32)
    lamda = jnp.ones((25,), dtype=jnp.float32) * -5.0
    noise = jnp.zeros((C_FEAT + C_POS, N_PIX), dtype=jnp.float32)
    temp = jnp.float32(1.0)
    return {"Feature": Feature, "coordinate": coordinate, "a": a, "lamda": lamda, "noise": noise, "temp": temp}


def _ssn_iter(x, color_scale, pos_scale, temp):
    # x: [C, N] (features + coords), soft k-means / SSN EM iterations
    N = x.shape[1]
    K = NSPIX
    init_labels = (jnp.arange(N) * K) // N
    cnt = jax.ops.segment_sum(jnp.ones((N,), x.dtype), init_labels, num_segments=K)
    centers = jax.ops.segment_sum(x.T, init_labels, num_segments=K).T / (cnt[None, :] + 1e-8)
    xf = x[:C_FEAT]
    xp = x[C_FEAT:]
    xf2 = jnp.sum(xf * xf, axis=0)
    xp2 = jnp.sum(xp * xp, axis=0)
    affinity = None
    for _ in range(N_ITER):
        cf = centers[:C_FEAT]
        cp = centers[C_FEAT:]
        dc = xf2[:, None] + jnp.sum(cf * cf, axis=0)[None, :] - 2.0 * (xf.T @ cf)  # [N, K]
        dp = xp2[:, None] + jnp.sum(cp * cp, axis=0)[None, :] - 2.0 * (xp.T @ cp)  # [N, K]
        dist = color_scale[None, :] * dc + pos_scale[None, :] * dp
        affinity = jax.nn.softmax(-dist * temp, axis=1)  # [N, K]
        w = jnp.sum(affinity, axis=0)
        centers = (x @ affinity) / (w[None, :] + 1e-8)
    hard_labels = jnp.argmax(affinity, axis=1)
    return affinity, hard_labels, centers, affinity, x


def _soft_threshold(v, t):
    return jnp.sign(v) * jnp.maximum(jnp.abs(v) - t, 0.0)


def _unfold_admm(S, lamda):
    # unrolled ADMM for sparse self-representation: min ||S - S C||^2 + lam ||C||_1
    K = S.shape[1]
    D = S.T @ S
    lam = jnp.mean(jnp.exp(lamda))
    A = D + RHO * jnp.eye(K, dtype=S.dtype)
    Ainv = jnp.linalg.inv(A)
    C = jnp.zeros((K, K), S.dtype)
    Z = jnp.zeros_like(C)
    U = jnp.zeros_like(C)
    for _ in range(N_ADMM):
        C = Ainv @ (D + RHO * (Z - U))
        Z = _soft_threshold(C + U, lam / RHO)
        U = U + C - Z
    recon = S @ Z
    recon_norm = recon / (jnp.linalg.norm(recon, axis=0, keepdims=True) + 1e-8)
    S_norm = S / (jnp.linalg.norm(S, axis=0, keepdims=True) + 1e-8)
    return recon_norm, S_norm, C, Z


def reference(Feature, coordinate, a, lamda, noise, temp):
    color_scale = jax.nn.sigmoid(a) * 0.8 + 0.1
    pos_scale = 1.0 - color_scale
    x = jnp.concatenate([Feature, coordinate], axis=0) + noise
    abs_affinity, hard_labels, spixel_features, affinity_matrix, pixel_features = _ssn_iter(
        x, color_scale, pos_scale, temp)
    sp_indices = jnp.unique(hard_labels, size=NSPIX, fill_value=0)
    spixel_features_selected = spixel_features[:, sp_indices]
    superpixel_feature = spixel_features_selected[:C_FEAT, :]
    superpixel_recon_norm, superpixel_norm, c_i, z_t = _unfold_admm(superpixel_feature, lamda)
    return (abs_affinity, hard_labels, spixel_features, superpixel_recon_norm, c_i, z_t, superpixel_norm, affinity_matrix)

if __name__ == "__main__":
    import jax
    _d = setup_inputs()
    print(jax.jit(kernel)(*tuple(_d.values())))

</pallas_src>

<mosaic_0001>
module attributes {stable_mosaic.version = 14 : i64} {
  func.func @_e_kernel(%arg0: i32, %arg1: memref<1792x66xf32, #tpu.memory_space<vmem>>, %arg2: memref<1792x1xf32, #tpu.memory_space<vmem>>, %arg3: memref<1792x1xf32, #tpu.memory_space<vmem>>, %arg4: memref<66x512xf32, #tpu.memory_space<vmem>>, %arg5: memref<1x512xf32, #tpu.memory_space<vmem>>, %arg6: memref<1x512xf32, #tpu.memory_space<vmem>>, %arg7: memref<1x1xf32, #tpu.memory_space<vmem>>, %arg8: memref<1792x512xf32, #tpu.memory_space<vmem>>) attributes {dimension_semantics = [#tpu.dimension_semantics<arbitrary>], iteration_bounds = array<i64: 28>, scalar_prefetch = 0 : i64, scratch_operands = 0 : i64, tpu.core_type = #tpu.core_type<tc>, window_params = [{transform_indices = @transform_0, window_bounds = array<i64: 1792, 66>}, {transform_indices = @transform_1, window_bounds = array<i64: 1792, 1>}, {transform_indices = @transform_2, window_bounds = array<i64: 1792, 1>}, {pipeline_mode = #tpu.pipeline_mode<synchronous>, transform_indices = @transform_3, window_bounds = array<i64: 66, 512>}, {pipeline_mode = #tpu.pipeline_mode<synchronous>, transform_indices = @transform_4, window_bounds = array<i64: 1, 512>}, {pipeline_mode = #tpu.pipeline_mode<synchronous>, transform_indices = @transform_5, window_bounds = array<i64: 1, 512>}, {pipeline_mode = #tpu.pipeline_mode<synchronous>, transform_indices = @transform_6, window_bounds = array<i64: 1, 1>}, {transform_indices = @transform_7, window_bounds = array<i64: 1792, 512>}]} {
    %get3A = arith.constant 0 : index
    %get3A_0 = arith.constant 0 : index
    %get3A_1 = vector.load %arg1[%get3A, %get3A_0] : memref<1792x66xf32, #tpu.memory_space<vmem>>, vector<1792x66xf32>
    %get3A_2 = arith.constant 0 : index
    %get3A_3 = arith.constant 0 : index
    %get3A_4 = vector.load %arg2[%get3A_2, %get3A_3] : memref<1792x1xf32, #tpu.memory_space<vmem>>, vector<1792x1xf32>
    %get3A_5 = arith.constant 0 : index
    %get3A_6 = arith.constant 0 : index
    %get3A_7 = vector.load %arg3[%get3A_5, %get3A_6] : memref<1792x1xf32, #tpu.memory_space<vmem>>, vector<1792x1xf32>
    %get3A_8 = arith.constant 0 : index
    %get3A_9 = arith.constant 0 : index
    %get3A_10 = vector.load %arg4[%get3A_8, %get3A_9] : memref<66x512xf32, #tpu.memory_space<vmem>>, vector<66x512xf32>
    %get3A_11 = arith.constant 0 : index
    %get3A_12 = arith.constant 0 : index
    %get3A_13 = vector.load %arg5[%get3A_11, %get3A_12] : memref<1x512xf32, #tpu.memory_space<vmem>>, vector<1x512xf32>
    %get3A_14 = arith.constant 0 : index
    %get3A_15 = arith.constant 0 : index
    %get3A_16 = vector.load %arg6[%get3A_14, %get3A_15] : memref<1x512xf32, #tpu.memory_space<vmem>>, vector<1x512xf32>
    %get3A_17 = arith.constant 0 : index
    %get3A_18 = arith.constant 0 : index
    %get3A_19 = vector.load %arg7[%get3A_17, %get3A_18] : memref<1x1xf32, #tpu.memory_space<vmem>>, vector<1x1xf32>
    %get3A_20 = vector.extract %get3A_19[0, 0] : f32 from vector<1x1xf32>
    %slice3A = vector.extract_strided_slice %get3A_10 {offsets = [0, 0], sizes = [64, 512], strides = [1, 1]} : vector<66x512xf32> to vector<64x512xf32>
    %slice3A_21 = vector.extract_strided_slice %get3A_10 {offsets = [64, 0], sizes = [2, 512], strides = [1, 1]} : vector<66x512xf32> to vector<2x512xf32>
    %slice3A_22 = vector.extract_strided_slice %get3A_1 {offsets = [0, 0], sizes = [1792, 64], strides = [1, 1]} : vector<1792x66xf32> to vector<1792x64xf32>
    %slice3A_23 = vector.extract_strided_slice %get3A_1 {offsets = [0, 64], sizes = [1792, 2], strides = [1, 1]} : vector<1792x66xf32> to vector<1792x2xf32>
    %mul3A = arith.mulf %slice3A, %slice3A : vector<64x512xf32>
    %reduce_sum3A = arith.constant dense<0.000000e+00> : vector<512xf32>
    %reduce_sum3A_24 = vector.multi_reduction <add>, %mul3A, %reduce_sum3A [0] : vector<64x512xf32> to vector<512xf32>
    %broadcast_in_dim3A = vector.shape_cast %reduce_sum3A_24 : vector<512xf32> to vector<1x512xf32>
    %mul3A_25 = arith.mulf %slice3A_21, %slice3A_21 : vector<2x512xf32>
    %reduce_sum3A_26 = arith.constant dense<0.000000e+00> : vector<512xf32>
    %reduce_sum3A_27 = vector.multi_reduction <add>, %mul3A_25, %reduce_sum3A_26 [0] : vector<2x512xf32> to vector<512xf32>
    %broadcast_in_dim3A_28 = vector.shape_cast %reduce_sum3A_27 : vector<512xf32> to vector<1x512xf32>
    %add3A = vector.broadcast %get3A_4 : vector<1792x1xf32> to vector<1792x512xf32>
    %add3A_29 = vector.broadcast %broadcast_in_dim3A : vector<1x512xf32> to vector<1792x512xf32>
    %add3A_30 = arith.addf %add3A, %add3A_29 : vector<1792x512xf32>
    %convert_element_type3A = arith.truncf %slice3A_22 : vector<1792x64xf32> to vector<1792x64xbf16>
    %convert_element_type3A_31 = arith.truncf %slice3A : vector<64x512xf32> to vector<64x512xbf16>
    %dot_general3A = arith.constant dense<0.000000e+00> : vector<1792x512xf32>
    %dot_general3A_32 = tpu.matmul %convert_element_type3A, %convert_element_type3A_31, %dot_general3A {dimension_numbers = #tpu.dot_dimension_numbers<[1], [0], [0], [1], [0, 0, 1, 1], [], []>, transpose_lhs_hint = false} : vector<1792x64xbf16>, vector<64x512xbf16>, vector<1792x512xf32> -> vector<1792x512xf32>
    %mul3A_33 = arith.constant 2.000000e+00 : f32
    %mul3A_34 = vector.broadcast %mul3A_33 : f32 to vector<1792x512xf32>
    %mul3A_35 = arith.mulf %mul3A_34, %dot_general3A_32 : vector<1792x512xf32>
    %sub3A = arith.subf %add3A_30, %mul3A_35 : vector<1792x512xf32>
    %add3A_36 = vector.broadcast %get3A_7 : vector<1792x1xf32> to vector<1792x512xf32>
    %add3A_37 = vector.broadcast %broadcast_in_dim3A_28 : vector<1x512xf32> to vector<1792x512xf32>
    %add3A_38 = arith.addf %add3A_36, %add3A_37 : vector<1792x512xf32>
    %convert_element_type3A_39 = arith.truncf %slice3A_23 : vector<1792x2xf32> to vector<1792x2xbf16>
    %convert_element_type3A_40 = arith.truncf %slice3A_21 : vector<2x512xf32> to vector<2x512xbf16>
    %dot_general3A_41 = arith.constant dense<0.000000e+00> : vector<1792x512xf32>
    %dot_general3A_42 = tpu.matmul %convert_element_type3A_39, %convert_element_type3A_40, %dot_general3A_41 {dimension_numbers = #tpu.dot_dimension_numbers<[1], [0], [0], [1], [0, 0, 1, 1], [], []>, transpose_lhs_hint = false} : vector<1792x2xbf16>, vector<2x512xbf16>, vector<1792x512xf32> -> vector<1792x512xf32>
    %mul3A_43 = arith.constant 2.000000e+00 : f32
    %mul3A_44 = vector.broadcast %mul3A_43 : f32 to vector<1792x512xf32>
    %mul3A_45 = arith.mulf %mul3A_44, %dot_general3A_42 : vector<1792x512xf32>
    %sub3A_46 = arith.subf %add3A_38, %mul3A_45 : vector<1792x512xf32>
    %mul3A_47 = vector.broadcast %get3A_13 : vector<1x512xf32> to vector<1792x512xf32>
    %mul3A_48 = arith.mulf %mul3A_47, %sub3A : vector<1792x512xf32>
    %mul3A_49 = vector.broadcast %get3A_16 : vector<1x512xf32> to vector<1792x512xf32>
    %mul3A_50 = arith.mulf %mul3A_49, %sub3A_46 : vector<1792x512xf32>
    %add3A_51 = arith.addf %mul3A_48, %mul3A_50 : vector<1792x512xf32>
    %neg3A = arith.constant 0.000000e+00 : f32
    %neg3A_52 = vector.broadcast %neg3A : f32 to vector<1792x512xf32>
    %neg3A_53 = arith.subf %neg3A_52, %add3A_51 : vector<1792x512xf32>
    %mul3A_54 = vector.broadcast %get3A_20 : f32 to vector<1792x512xf32>
    %mul3A_55 = arith.mulf %neg3A_53, %mul3A_54 : vector<1792x512xf32>
    %reduce_max3A = arith.constant dense<0xFF800000> : vector<1792xf32>
    %reduce_max3A_56 = vector.multi_reduction <maximumf>, %mul3A_55, %reduce_max3A [1] : vector<1792x512xf32> to vector<1792xf32>
    %broadcast_in_dim3A_57 = vector.shape_cast %reduce_max3A_56 : vector<1792xf32> to vector<1792x1xf32>
    %sub3A_58 = vector.broadcast %broadcast_in_dim3A_57 : vector<1792x1xf32> to vector<1792x512xf32>
    %sub3A_59 = arith.subf %mul3A_55, %sub3A_58 : vector<1792x512xf32>
    %exp3A = math.exp %sub3A_59 : vector<1792x512xf32>
    %swap3A = arith.constant 0 : index
    %swap3A_60 = arith.constant 0 : index
    %swap3A_61 = vector.load %arg8[%swap3A, %swap3A_60] : memref<1792x512xf32, #tpu.memory_space<vmem>>, vector<1792x512xf32>
    tpu.vector_store %arg8[%swap3A, %swap3A_60], %exp3A {strides = array<i32>} : memref<1792x512xf32, #tpu.memory_space<vmem>>, vector<1792x512xf32>,
    return
  }
  func.func @transform_0(%arg0: i32) -> (i32, i32) {
    %c0_i32 = arith.constant 0 : i32
    %c0_i32_0 = arith.constant 0 : i32
    return %arg0, %c0_i32 : i32, i32
  }
  func.func @transform_1(%arg0: i32) -> (i32, i32) {
    %c0_i32 = arith.constant 0 : i32
    %c0_i32_0 = arith.constant 0 : i32
    return %arg0, %c0_i32 : i32, i32
  }
  func.func @transform_2(%arg0: i32) -> (i32, i32) {
    %c0_i32 = arith.constant 0 : i32
    %c0_i32_0 = arith.constant 0 : i32
    return %arg0, %c0_i32 : i32, i32
  }
  func.func @transform_3(%arg0: i32) -> (i32, i32) {
    %c0_i32 = arith.constant 0 : i32
    %c0_i32_0 = arith.constant 0 : i32
    %c0_i32_1 = arith.constant 0 : i32
    return %c0_i32, %c0_i32_0 : i32, i32
  }
  func.func @transform_4(%arg0: i32) -> (i32, i32) {
    %c0_i32 = arith.constant 0 : i32
    %c0_i32_0 = arith.constant 0 : i32
    %c0_i32_1 = arith.constant 0 : i32
    return %c0_i32, %c0_i32_0 : i32, i32
  }
  func.func @transform_5(%arg0: i32) -> (i32, i32) {
    %c0_i32 = arith.constant 0 : i32
    %c0_i32_0 = arith.constant 0 : i32
    %c0_i32_1 = arith.constant 0 : i32
    return %c0_i32, %c0_i32_0 : i32, i32
  }
  func.func @transform_6(%arg0: i32) -> (i32, i32) {
    %c0_i32 = arith.constant 0 : i32
    %c0_i32_0 = arith.constant 0 : i32
    %c0_i32_1 = arith.constant 0 : i32
    return %c0_i32, %c0_i32_0 : i32, i32
  }
  func.func @transform_7(%arg0: i32) -> (i32, i32) {
    %c0_i32 = arith.constant 0 : i32
    %c0_i32_0 = arith.constant 0 : i32
    return %arg0, %c0_i32 : i32, i32
  }
}

module attributes {stable_mosaic.version = 14 : i64} {
  func.func @_admm_kernel(%arg0: i32, %arg1: memref<1792x512xf32, #tpu.memory_space<vmem>>, %arg2: memref<66x512xf32, #tpu.memory_space<vmem>>, %arg3: memref<1x25xf32, #tpu.memory_space<vmem>>, %arg4: memref<1x1x1792xi32, #tpu.memory_space<vmem>>, %arg5: memref<64x512xf32, #tpu.memory_space<vmem>>, %arg6: memref<64x512xf32, #tpu.memory_space<vmem>>, %arg7: memref<512x512xf32, #tpu.memory_space<vmem>>, %arg8: memref<512x512xf32, #tpu.memory_space<vmem>>, %arg9: memref<1x512xf32, #tpu.memory_space<vmem>>) attributes {dimension_semantics = [#tpu.dimension_semantics<arbitrary>], iteration_bounds = array<i64: 28>, scalar_prefetch = 0 : i64, scratch_operands = 1 : i64, tpu.core_type = #tpu.core_type<tc>, window_params = [{transform_indices = @transform_0, window_bounds = array<i64: 1792, 512>}, {pipeline_mode = #tpu.pipeline_mode<synchronous>, transform_indices = @transform_1, window_bounds = array<i64: 66, 512>}, {pipeline_mode = #tpu.pipeline_mode<synchronous>, transform_indices = @transform_2, window_bounds = array<i64: 1, 25>}, {transform_indices = @transform_3, window_bounds = array<i64: 1, 1, 1792>}, {pipeline_mode = #tpu.pipeline_mode<synchronous>, transform_indices = @transform_4, window_bounds = array<i64: 64, 512>}, {pipeline_mode = #tpu.pipeline_mode<synchronous>, transform_indices = @transform_5, window_bounds = array<i64: 64, 512>}, {pipeline_mode = #tpu.pipeline_mode<synchronous>, transform_indices = @transform_6, window_bounds = array<i64: 512, 512>}, {pipeline_mode = #tpu.pipeline_mode<synchronous>, transform_indices = @transform_7, window_bounds = array<i64: 512, 512>}]} {
    %eq3A = arith.constant 0 : i32
    %eq3A_0 = arith.cmpi eq, %arg0, %eq3A : i32
    %convert_element_type3A = arith.extui %eq3A_0 : i1 to i32
    %cond3A = arith.constant 0 : i32
    %cond3A_1 = arith.cmpi ne, %convert_element_type3A, %cond3A : i32
    scf.if %cond3A_1 {
      %broadcast_in_dim3A_25 = arith.constant 0.000000e+00 : f32
      %broadcast_in_dim3A_26 = vector.broadcast %broadcast_in_dim3A_25 : f32 to vector<1x512xf32>
      %swap3A_27 = arith.constant 0 : index
      %swap3A_28 = arith.constant 0 : index
      %swap3A_29 = vector.load %arg9[%swap3A_27, %swap3A_28] : memref<1x512xf32, #tpu.memory_space<vmem>>, vector<1x512xf32>
      tpu.vector_store %arg9[%swap3A_27, %swap3A_28], %broadcast_in_dim3A_26 {strides = array<i32>} : memref<1x512xf32, #tpu.memory_space<vmem>>, vector<1x512xf32>,
    } else {
    }
    %get3A = arith.constant 0 : index
    %get3A_2 = arith.constant 0 : index
    %get3A_3 = vector.load %arg1[%get3A, %get3A_2] : memref<1792x512xf32, #tpu.memory_space<vmem>>, vector<1792x512xf32>
    %argmax3A = tpu.reduce_index %get3A_3 {axis = 1 : i32, kind = #tpu.reduction_kind<arg_max>} : vector<1792x512xf32> -> vector<1792xi32>
    %broadcast_in_dim3A = vector.shape_cast %argmax3A : vector<1792xi32> to vector<1x1x1792xi32>
    %swap3A = arith.constant 0 : index
    %swap3A_4 = arith.constant 0 : index
    %swap3A_5 = arith.constant 0 : index
    %swap3A_6 = vector.load %arg4[%swap3A, %swap3A_4, %swap3A_5] : memref<1x1x1792xi32, #tpu.memory_space<vmem>>, vector<1x1x1792xi32>
    tpu.vector_store %arg4[%swap3A, %swap3A_4, %swap3A_5], %broadcast_in_dim3A {strides = array<i32>} : memref<1x1x1792xi32, #tpu.memory_space<vmem>>, vector<1x1x1792xi32>,
    %iota3A = tpu.iota {dimensions = array<i32: 1>} : vector<1792x512xi32>
    %broadcast_in_dim3A_7 = vector.shape_cast %argmax3A : vector<1792xi32> to vector<1792x1xi32>
    %eq3A_8 = vector.broadcast %broadcast_in_dim3A_7 : vector<1792x1xi32> to vector<1792x512xi32>
    %eq3A_9 = arith.cmpi eq, %eq3A_8, %iota3A : vector<1792x512xi32>
    %convert_element_type3A_10 = arith.extui %eq3A_9 : vector<1792x512xi1> to vector<1792x512xi32>
    %convert_element_type3A_11 = arith.sitofp %convert_element_type3A_10 : vector<1792x512xi32> to vector<1792x512xf32>
    %get3A_12 = arith.constant 0 : index
    %get3A_13 = arith.constant 0 : index
    %get3A_14 = vector.load %arg9[%get3A_12, %get3A_13] : memref<1x512xf32, #tpu.memory_space<vmem>>, vector<1x512xf32>
    %reduce_max3A = arith.constant dense<0xFF800000> : vector<512xf32>
    %reduce_max3A_15 = vector.multi_reduction <maximumf>, %convert_element_type3A_11, %reduce_max3A [0] : vector<1792x512xf32> to vector<512xf32>
    %broadcast_in_dim3A_16 = vector.shape_cast %reduce_max3A_15 : vector<512xf32> to vector<1x512xf32>
    %max3A = arith.maximumf %get3A_14, %broadcast_in_dim3A_16 : vector<1x512xf32>
    %swap3A_17 = arith.constant 0 : index
    %swap3A_18 = arith.constant 0 : index
    %swap3A_19 = vector.load %arg9[%swap3A_17, %swap3A_18] : memref<1x512xf32, #tpu.memory_space<vmem>>, vector<1x512xf32>
    tpu.vector_store %arg9[%swap3A_17, %swap3A_18], %max3A {strides = array<i32>} : memref<1x512xf32, #tpu.memory_space<vmem>>, vector<1x512xf32>,
    %eq3A_20 = arith.constant 27 : i32
    %eq3A_21 = arith.cmpi eq, %arg0, %eq3A_20 : i32
    %convert_element_type3A_22 = arith.extui %eq3A_21 : i1 to i32
    %cond3A_23 = arith.constant 0 : i32
    %cond3A_24 = arith.cmpi ne, %convert_element_type3A_22, %cond3A_23 : i32
    scf.if %cond3A_24 {
      %get3A_25 = arith.constant 0 : index
      %get3A_26 = arith.constant 0 : index
      %get3A_27 = vector.load %arg2[%get3A_25, %get3A_26] : memref<66x512xf32, #tpu.memory_space<vmem>>, vector<66x512xf32>
      %get3A_28 = arith.constant 0 : index
      %get3A_29 = arith.constant 0 : index
      %get3A_30 = vector.load %arg9[%get3A_28, %get3A_29] : memref<1x512xf32, #tpu.memory_space<vmem>>, vector<1x512xf32>
      %iota3A_31 = tpu.iota {dimensions = array<i32: 0>} : vector<512x512xi32>
      %iota3A_32 = tpu.iota {dimensions = array<i32: 1>} : vector<512x512xi32>
      %le3A = arith.cmpi sle, %iota3A_31, %iota3A_32 : vector<512x512xi32>
      %convert_element_type3A_33 = arith.extui %le3A : vector<512x512xi1> to vector<512x512xi32>
      %convert_element_type3A_34 = arith.sitofp %convert_element_type3A_33 : vector<512x512xi32> to vector<512x512xf32>
      %convert_element_type3A_35 = arith.truncf %get3A_30 : vector<1x512xf32> to vector<1x512xbf16>
      %convert_element_type3A_36 = arith.truncf %convert_element_type3A_34 : vector<512x512xf32> to vector<512x512xbf16>
      %dot_general3A = arith.constant dense<0.000000e+00> : vector<1x512xf32>
      %dot_general3A_37 = tpu.matmul %convert_element_type3A_35, %convert_element_type3A_36, %dot_general3A {dimension_numbers = #tpu.dot_dimension_numbers<[1], [0], [0], [1], [0, 0, 1, 1], [], []>, transpose_lhs_hint = false} : vector<1x512xbf16>, vector<512x512xbf16>, vector<1x512xf32> -> vector<1x512xf32>
      %convert_element_type3A_38 = arith.fptosi %dot_general3A_37 : vector<1x512xf32> to vector<1x512xi32>
      %reduce_sum3A = arith.constant dense<0.000000e+00> : vector<1xf32>
      %reduce_sum3A_39 = vector.multi_reduction <add>, %get3A_30, %reduce_sum3A [1] : vector<1x512xf32> to vector<1xf32>
      %broadcast_in_dim3A_40 = vector.shape_cast %reduce_sum3A_39 : vector<1xf32> to vector<1x1xf32>
      %convert_element_type3A_41 = arith.fptosi %broadcast_in_dim3A_40 : vector<1x1xf32> to vector<1x1xi32>
      %iota3A_42 = tpu.iota {dimensions = array<i32: 0>} : vector<512x512xi32>
      %iota3A_43 = tpu.iota {dimensions = array<i32: 1>} : vector<512x512xi32>
      %gt3A = arith.constant 5.000000e-01 : f32
      %gt3A_44 = vector.broadcast %gt3A : f32 to vector<1x512xf32>
      %gt3A_45 = arith.cmpf ogt, %get3A_30, %gt3A_44 : vector<1x512xf32>
      %sub3A = arith.constant 1 : i32
      %sub3A_46 = vector.broadcast %sub3A : i32 to vector<1x512xi32>
      %sub3A_47 = arith.subi %convert_element_type3A_38, %sub3A_46 : vector<1x512xi32>
      %eq3A_48 = vector.broadcast %sub3A_47 : vector<1x512xi32> to vector<512x512xi32>
      %eq3A_49 = arith.cmpi eq, %eq3A_48, %iota3A_42 : vector<512x512xi32>
      %and3A = vector.broadcast %gt3A_45 : vector<1x512xi1> to vector<512x512xi1>
      %and3A_50 = arith.andi %and3A, %eq3A_49 : vector<512x512xi1>
      %jit3A = arith.constant 1.000000e+00 : f32
      %jit3A_51 = arith.constant 0.000000e+00 : f32
      %broadcast_in_dim3A_52 = vector.broadcast %jit3A : f32 to vector<512x512xf32>
      %broadcast_in_dim3A_53 = vector.broadcast %jit3A_51 : f32 to vector<512x512xf32>
      %select_n3A = arith.select %and3A_50, %broadcast_in_dim3A_52, %broadcast_in_dim3A_53 : vector<512x512xi1>, vector<512x512xf32>
      %ge3A = vector.broadcast %convert_element_type3A_41 : vector<1x1xi32> to vector<512x512xi32>
      %ge3A_54 = arith.cmpi sge, %iota3A_42, %ge3A : vector<512x512xi32>
      %eq3A_55 = arith.constant 0 : i32
      %eq3A_56 = vector.broadcast %eq3A_55 : i32 to vector<512x512xi32>
      %eq3A_57 = arith.cmpi eq, %iota3A_43, %eq3A_56 : vector<512x512xi32>
      %and3A_58 = arith.andi %ge3A_54, %eq3A_57 : vector<512x512xi1>
      %jit3A_59 = arith.constant 1.000000e+00 : f32
      %jit3A_60 = arith.constant 0.000000e+00 : f32
      %broadcast_in_dim3A_61 = vector.broadcast %jit3A_59 : f32 to vector<512x512xf32>
      %broadcast_in_dim3A_62 = vector.broadcast %jit3A_60 : f32 to vector<512x512xf32>
      %select_n3A_63 = arith.select %and3A_58, %broadcast_in_dim3A_61, %broadcast_in_dim3A_62 : vector<512x512xi1>, vector<512x512xf32>
      %add3A = arith.addf %select_n3A, %select_n3A_63 : vector<512x512xf32>
      %convert_element_type3A_64 = arith.truncf %get3A_27 : vector<66x512xf32> to vector<66x512xbf16>
      %convert_element_type3A_65 = arith.extf %convert_element_type3A_64 : vector<66x512xbf16> to vector<66x512xf32>
      %sub3A_66 = arith.subf %get3A_27, %convert_element_type3A_65 : vector<66x512xf32>
      %convert_element_type3A_67 = arith.truncf %sub3A_66 : vector<66x512xf32> to vector<66x512xbf16>
      %convert_element_type3A_68 = arith.extf %convert_element_type3A_67 : vector<66x512xbf16> to vector<66x512xf32>
      %sub3A_69 = arith.subf %sub3A_66, %convert_element_type3A_68 : vector<66x512xf32>
      %convert_element_type3A_70 = arith.truncf %sub3A_69 : vector<66x512xf32> to vector<66x512xbf16>
      %convert_element_type3A_71 = arith.truncf %add3A : vector<512x512xf32> to vector<512x512xbf16>
      %dot_general3A_72 = arith.constant dense<0.000000e+00> : vector<66x512xf32>
      %dot_general3A_73 = tpu.matmul %convert_element_type3A_64, %convert_element_type3A_71, %dot_general3A_72 {dimension_numbers = #tpu.dot_dimension_numbers<[1], [1], [0], [0], [0, 0, 1, 0], [], []>, transpose_lhs_hint = false} : vector<66x512xbf16>, vector<512x512xbf16>, vector<66x512xf32> -> vector<66x512xf32>
      %dot_general3A_74 = arith.constant dense<0.000000e+00> : vector<66x512xf32>
      %dot_general3A_75 = tpu.matmul %convert_element_type3A_67, %convert_element_type3A_71, %dot_general3A_74 {dimension_numbers = #tpu.dot_dimension_numbers<[1], [1], [0], [0], [0, 0, 1, 0], [], []>, transpose_lhs_hint = false} : vector<66x512xbf16>, vector<512x512xbf16>, vector<66x512xf32> -> vector<66x512xf32>
      %add3A_76 = arith.addf %dot_general3A_73, %dot_general3A_75 : vector<66x512xf32>
      %dot_general3A_77 = arith.constant dense<0.000000e+00> : vector<66x512xf32>
      %dot_general3A_78 = tpu.matmul %convert_element_type3A_70, %convert_element_type3A_71, %dot_general3A_77 {dimension_numbers = #tpu.dot_dimension_numbers<[1], [1], [0], [0], [0, 0, 1, 0], [], []>, transpose_lhs_hint = false} : vector<66x512xbf16>, vector<512x512xbf16>, vector<66x512xf32> -> vector<66x512xf32>
      %add3A_79 = arith.addf %add3A_76, %dot_general3A_78 : vector<66x512xf32>
      %slice3A = vector.extract_strided_slice %add3A_79 {offsets = [0, 0], sizes = [64, 512], strides = [1, 1]} : vector<66x512xf32> to vector<64x512xf32>
      %convert_element_type3A_80 = arith.truncf %slice3A : vector<64x512xf32> to vector<64x512xbf16>
      %convert_element_type3A_81 = arith.truncf %slice3A : vector<64x512xf32> to vector<64x512xbf16>
      %dot_general3A_82 = arith.constant dense<0.000000e+00> : vector<512x512xf32>
      %dot_general3A_83 = tpu.matmul %convert_element_type3A_80, %convert_element_type3A_81, %dot_general3A_82 {dimension_numbers = #tpu.dot_dimension_numbers<[0], [0], [1], [1], [0, 1, 1, 1], [], []>, transpose_lhs_hint = false} : vector<64x512xbf16>, vector<64x512xbf16>, vector<512x512xf32> -> vector<512x512xf32>
      %convert_element_type3A_84 = arith.truncf %slice3A : vector<64x512xf32> to vector<64x512xbf16>
      %convert_element_type3A_85 = arith.extf %convert_element_type3A_84 : vector<64x512xbf16> to vector<64x512xf32>
      %sub3A_86 = arith.subf %slice3A, %convert_element_type3A_85 : vector<64x512xf32>
      %convert_element_type3A_87 = arith.truncf %sub3A_86 : vector<64x512xf32> to vector<64x512xbf16>
      %convert_element_type3A_88 = arith.truncf %slice3A : vector<64x512xf32> to vector<64x512xbf16>
      %convert_element_type3A_89 = arith.extf %convert_element_type3A_88 : vector<64x512xbf16> to vector<64x512xf32>
      %sub3A_90 = arith.subf %slice3A, %convert_element_type3A_89 : vector<64x512xf32>
      %convert_element_type3A_91 = arith.truncf %sub3A_90 : vector<64x512xf32> to vector<64x512xbf16>
      %dot_general3A_92 = arith.constant dense<0.000000e+00> : vector<64x64xf32>
      %dot_general3A_93 = tpu.matmul %convert_element_type3A_84, %convert_element_type3A_88, %dot_general3A_92 {dimension_numbers = #tpu.dot_dimension_numbers<[1], [1], [0], [0], [0, 0, 1, 0], [], []>, transpose_lhs_hint = false} : vector<64x512xbf16>, vector<64x512xbf16>, vector<64x64xf32> -> vector<64x64xf32>
      %dot_general3A_94 = arith.constant dense<0.000000e+00> : vector<64x64xf32>
      %dot_general3A_95 = tpu.matmul %convert_element_type3A_84, %convert_element_type3A_91, %dot_general3A_94 {dimension_numbers = #tpu.dot_dimension_numbers<[1], [1], [0], [0], [0, 0, 1, 0], [], []>, transpose_lhs_hint = false} : vector<64x512xbf16>, vector<64x512xbf16>, vector<64x64xf32> -> vector<64x64xf32>
      %add3A_96 = arith.addf %dot_general3A_93, %dot_general3A_95 : vector<64x64xf32>
      %dot_general3A_97 = arith.constant dense<0.000000e+00> : vector<64x64xf32>
      %dot_general3A_98 = tpu.matmul %convert_element_type3A_87, %convert_element_type3A_88, %dot_general3A_97 {dimension_numbers = #tpu.dot_dimension_numbers<[1], [1], [0], [0], [0, 0, 1, 0], [], []>, transpose_lhs_hint = false} : vector<64x512xbf16>, vector<64x512xbf16>, vector<64x64xf32> -> vector<64x64xf32>
      %add3A_99 = arith.addf %add3A_96, %dot_general3A_98 : vector<64x64xf32>
      %iota3A_100 = tpu.iota {dimensions = array<i32: 0>} : vector<64x64xi32>
      %iota3A_101 = tpu.iota {dimensions = array<i32: 1>} : vector<64x64xi32>
      %eq3A_102 = arith.cmpi eq, %iota3A_100, %iota3A_101 : vector<64x64xi32>
      %convert_element_type3A_103 = arith.extui %eq3A_102 : vector<64x64xi1> to vector<64x64xi32>
      %convert_element_type3A_104 = arith.sitofp %convert_element_type3A_103 : vector<64x64xi32> to vector<64x64xf32>
      %mul3A = arith.constant 1.000000e+00 : f32
      %mul3A_105 = vector.broadcast %mul3A : f32 to vector<64x64xf32>
      %mul3A_106 = arith.mulf %mul3A_105, %convert_element_type3A_104 : vector<64x64xf32>
      %add3A_107 = arith.addf %add3A_99, %mul3A_106 : vector<64x64xf32>
      %scan3A = arith.constant 0 : i32
      %scan3A_108 = arith.constant 64 : i32
      %scan3A_109 = arith.addi %scan3A, %scan3A_108 : i32
      %scan3A_110 = arith.constant 1 : i32
      %scan3A_111:2 = scf.for %scan3A_920 = %scan3A to %scan3A_109 step %scan3A_110 iter_args(%scan3A_921 = %add3A_107, %scan3A_922 = %convert_element_type3A_104) -> (vector<64x64xf32>, vector<64x64xf32>)  : i32 {
        %iota3A_923 = tpu.iota {dimensions = array<i32: 1>} : vector<64x64xi32>
        %iota3A_924 = tpu.iota {dimensions = array<i32: 0>} : vector<64x64xi32>
        %eq3A_925 = vector.broadcast %scan3A_920 : i32 to vector<64x64xi32>
        %eq3A_926 = arith.cmpi eq, %iota3A_923, %eq3A_925 : vector<64x64xi32>
        %jit3A_927 = arith.constant 0.000000e+00 : f32
        %broadcast_in_dim3A_928 = vector.broadcast %jit3A_927 : f32 to vector<64x64xf32>
        %select_n3A_929 = arith.select %eq3A_926, %scan3A_921, %broadcast_in_dim3A_928 : vector<64x64xi1>, vector<64x64xf32>
        %reduce_sum3A_930 = arith.constant dense<0.000000e+00> : vector<64xf32>
        %reduce_sum3A_931 = vector.multi_reduction <add>, %select_n3A_929, %reduce_sum3A_930 [1] : vector<64x64xf32> to vector<64xf32>
        %broadcast_in_dim3A_932 = vector.shape_cast %reduce_sum3A_931 : vector<64xf32> to vector<64x1xf32>
        %eq3A_933 = vector.broadcast %scan3A_920 : i32 to vector<64x64xi32>
        %eq3A_934 = arith.cmpi eq, %iota3A_924, %eq3A_933 : vector<64x64xi32>
        %jit3A_935 = arith.constant 0.000000e+00 : f32
        %broadcast_in_dim3A_936 = vector.broadcast %jit3A_935 : f32 to vector<64x64xf32>
        %select_n3A_937 = arith.select %eq3A_934, %scan3A_921, %broadcast_in_dim3A_936 : vector<64x64xi1>, vector<64x64xf32>
        %reduce_sum3A_938 = arith.constant dense<0.000000e+00> : vector<64xf32>
        %reduce_sum3A_939 = vector.multi_reduction <add>, %select_n3A_937, %reduce_sum3A_938 [0] : vector<64x64xf32> to vector<64xf32>
        %broadcast_in_dim3A_940 = vector.shape_cast %reduce_sum3A_939 : vector<64xf32> to vector<1x64xf32>
        %eq3A_941 = vector.broadcast %scan3A_920 : i32 to vector<64x64xi32>
        %eq3A_942 = arith.cmpi eq, %iota3A_924, %eq3A_941 : vector<64x64xi32>
        %jit3A_943 = arith.constant 0.000000e+00 : f32
        %broadcast_in_dim3A_944 = vector.broadcast %jit3A_943 : f32 to vector<64x64xf32>
        %select_n3A_945 = arith.select %eq3A_942, %scan3A_922, %broadcast_in_dim3A_944 : vector<64x64xi1>, vector<64x64xf32>
        %reduce_sum3A_946 = arith.constant dense<0.000000e+00> : vector<64xf32>
        %reduce_sum3A_947 = vector.multi_reduction <add>, %select_n3A_945, %reduce_sum3A_946 [0] : vector<64x64xf32> to vector<64xf32>
        %broadcast_in_dim3A_948 = vector.shape_cast %reduce_sum3A_947 : vector<64xf32> to vector<1x64xf32>
        %slice3A_949 = vector.extract_strided_slice %iota3A_923 {offsets = [0, 0], sizes = [1, 64], strides = [1, 1]} : vector<64x64xi32> to vector<1x64xi32>
        %eq3A_950 = vector.broadcast %scan3A_920 : i32 to vector<1x64xi32>
        %eq3A_951 = arith.cmpi eq, %slice3A_949, %eq3A_950 : vector<1x64xi32>
        %jit3A_952 = arith.constant 0.000000e+00 : f32
        %broadcast_in_dim3A_953 = vector.broadcast %jit3A_952 : f32 to vector<1x64xf32>
        %select_n3A_954 = arith.select %eq3A_951, %broadcast_in_dim3A_940, %broadcast_in_dim3A_953 : vector<1x64xi1>, vector<1x64xf32>
        %reduce_sum3A_955 = arith.constant dense<0.000000e+00> : vector<1xf32>
        %reduce_sum3A_956 = vector.multi_reduction <add>, %select_n3A_954, %reduce_sum3A_955 [1] : vector<1x64xf32> to vector<1xf32>
        %broadcast_in_dim3A_957 = vector.shape_cast %reduce_sum3A_956 : vector<1xf32> to vector<1x1xf32>
        %div3A_958 = vector.broadcast %broadcast_in_dim3A_957 : vector<1x1xf32> to vector<1x64xf32>
        %div3A_959 = arith.divf %broadcast_in_dim3A_940, %div3A_958 : vector<1x64xf32>
        %div3A_960 = vector.broadcast %broadcast_in_dim3A_957 : vector<1x1xf32> to vector<1x64xf32>
        %div3A_961 = arith.divf %broadcast_in_dim3A_948, %div3A_960 : vector<1x64xf32>
        %mul3A_962 = vector.broadcast %broadcast_in_dim3A_932 : vector<64x1xf32> to vector<64x64xf32>
        %mul3A_963 = vector.broadcast %div3A_959 : vector<1x64xf32> to vector<64x64xf32>
        %mul3A_964 = arith.mulf %mul3A_962, %mul3A_963 : vector<64x64xf32>
        %sub3A_965 = arith.subf %scan3A_921, %mul3A_964 : vector<64x64xf32>
        %mul3A_966 = vector.broadcast %broadcast_in_dim3A_932 : vector<64x1xf32> to vector<64x64xf32>
        %mul3A_967 = vector.broadcast %div3A_961 : vector<1x64xf32> to vector<64x64xf32>
        %mul3A_968 = arith.mulf %mul3A_966, %mul3A_967 : vector<64x64xf32>
        %sub3A_969 = arith.subf %scan3A_922, %mul3A_968 : vector<64x64xf32>
        %eq3A_970 = vector.broadcast %scan3A_920 : i32 to vector<64x64xi32>
        %eq3A_971 = arith.cmpi eq, %iota3A_924, %eq3A_970 : vector<64x64xi32>
        %broadcast_in_dim3A_972 = vector.shape_cast %div3A_959 : vector<1x64xf32> to vector<1x64xf32>
        %broadcast_in_dim3A_973 = vector.broadcast %broadcast_in_dim3A_972 : vector<1x64xf32> to vector<64x64xf32>
        %select_n3A_974 = arith.select %eq3A_971, %broadcast_in_dim3A_973, %sub3A_965 : vector<64x64xi1>, vector<64x64xf32>
        %eq3A_975 = vector.broadcast %scan3A_920 : i32 to vector<64x64xi32>
        %eq3A_976 = arith.cmpi eq, %iota3A_924, %eq3A_975 : vector<64x64xi32>
        %broadcast_in_dim3A_977 = vector.shape_cast %div3A_961 : vector<1x64xf32> to vector<1x64xf32>
        %broadcast_in_dim3A_978 = vector.broadcast %broadcast_in_dim3A_977 : vector<1x64xf32> to vector<64x64xf32>
        %select_n3A_979 = arith.select %eq3A_976, %broadcast_in_dim3A_978, %sub3A_969 : vector<64x64xi1>, vector<64x64xf32>
        scf.yield %select_n3A_974, %select_n3A_979 : vector<64x64xf32>, vector<64x64xf32>
      }
      %scan3A_112 = arith.constant 64 : i32
      %convert_element_type3A_113 = arith.truncf %scan3A_111#1 : vector<64x64xf32> to vector<64x64xbf16>
      %convert_element_type3A_114 = arith.extf %convert_element_type3A_113 : vector<64x64xbf16> to vector<64x64xf32>
      %sub3A_115 = arith.subf %scan3A_111#1, %convert_element_type3A_114 : vector<64x64xf32>
      %convert_element_type3A_116 = arith.truncf %sub3A_115 : vector<64x64xf32> to vector<64x64xbf16>
      %convert_element_type3A_117 = arith.truncf %slice3A : vector<64x512xf32> to vector<64x512xbf16>
      %convert_element_type3A_118 = arith.extf %convert_element_type3A_117 : vector<64x512xbf16> to vector<64x512xf32>
      %sub3A_119 = arith.subf %slice3A, %convert_element_type3A_118 : vector<64x512xf32>
      %convert_element_type3A_120 = arith.truncf %sub3A_119 : vector<64x512xf32> to vector<64x512xbf16>
      %dot_general3A_121 = arith.constant dense<0.000000e+00> : vector<64x512xf32>
      %dot_general3A_122 = tpu.matmul %convert_element_type3A_113, %convert_element_type3A_117, %dot_general3A_121 {dimension_numbers = #tpu.dot_dimension_numbers<[1], [0], [0], [1], [0, 0, 1, 1], [], []>, transpose_lhs_hint = false} : vector<64x64xbf16>, vector<64x512xbf16>, vector<64x512xf32> -> vector<64x512xf32>
      %dot_general3A_123 = arith.constant dense<0.000000e+00> : vector<64x512xf32>
      %dot_general3A_124 = tpu.matmul %convert_element_type3A_113, %convert_element_type3A_120, %dot_general3A_123 {dimension_numbers = #tpu.dot_dimension_numbers<[1], [0], [0], [1], [0, 0, 1, 1], [], []>, transpose_lhs_hint = false} : vector<64x64xbf16>, vector<64x512xbf16>, vector<64x512xf32> -> vector<64x512xf32>
      %add3A_125 = arith.addf %dot_general3A_122, %dot_general3A_124 : vector<64x512xf32>
      %dot_general3A_126 = arith.constant dense<0.000000e+00> : vector<64x512xf32>
      %dot_general3A_127 = tpu.matmul %convert_element_type3A_116, %convert_element_type3A_117, %dot_general3A_126 {dimension_numbers = #tpu.dot_dimension_numbers<[1], [0], [0], [1], [0, 0, 1, 1], [], []>, transpose_lhs_hint = false} : vector<64x64xbf16>, vector<64x512xbf16>, vector<64x512xf32> -> vector<64x512xf32>
      %add3A_128 = arith.addf %add3A_125, %dot_general3A_127 : vector<64x512xf32>
      %convert_element_type3A_129 = arith.truncf %slice3A : vector<64x512xf32> to vector<64x512xbf16>
      %convert_element_type3A_130 = arith.extf %convert_element_type3A_129 : vector<64x512xbf16> to vector<64x512xf32>
      %sub3A_131 = arith.subf %slice3A, %convert_element_type3A_130 : vector<64x512xf32>
      %convert_element_type3A_132 = arith.truncf %sub3A_131 : vector<64x512xf32> to vector<64x512xbf16>
      %convert_element_type3A_133 = arith.truncf %add3A_128 : vector<64x512xf32> to vector<64x512xbf16>
      %convert_element_type3A_134 = arith.extf %convert_element_type3A_133 : vector<64x512xbf16> to vector<64x512xf32>
      %sub3A_135 = arith.subf %add3A_128, %convert_element_type3A_134 : vector<64x512xf32>
      %convert_element_type3A_136 = arith.truncf %sub3A_135 : vector<64x512xf32> to vector<64x512xbf16>
      %dot_general3A_137 = arith.constant dense<0.000000e+00> : vector<512x512xf32>
      %dot_general3A_138 = tpu.matmul %convert_element_type3A_129, %convert_element_type3A_133, %dot_general3A_137 {dimension_numbers = #tpu.dot_dimension_numbers<[0], [0], [1], [1], [0, 1, 1, 1], [], []>, transpose_lhs_hint = false} : vector<64x512xbf16>, vector<64x512xbf16>, vector<512x512xf32> -> vector<512x512xf32>
      %dot_general3A_139 = arith.constant dense<0.000000e+00> : vector<512x512xf32>
      %dot_general3A_140 = tpu.matmul %convert_element_type3A_129, %convert_element_type3A_136, %dot_general3A_139 {dimension_numbers = #tpu.dot_dimension_numbers<[0], [0], [1], [1], [0, 1, 1, 1], [], []>, transpose_lhs_hint = false} : vector<64x512xbf16>, vector<64x512xbf16>, vector<512x512xf32> -> vector<512x512xf32>
      %add3A_141 = arith.addf %dot_general3A_138, %dot_general3A_140 : vector<512x512xf32>
      %dot_general3A_142 = arith.constant dense<0.000000e+00> : vector<512x512xf32>
      %dot_general3A_143 = tpu.matmul %convert_element_type3A_132, %convert_element_type3A_133, %dot_general3A_142 {dimension_numbers = #tpu.dot_dimension_numbers<[0], [0], [1], [1], [0, 1, 1, 1], [], []>, transpose_lhs_hint = false} : vector<64x512xbf16>, vector<64x512xbf16>, vector<512x512xf32> -> vector<512x512xf32>
      %add3A_144 = arith.addf %add3A_141, %dot_general3A_143 : vector<512x512xf32>
      %iota3A_145 = tpu.iota {dimensions = array<i32: 0>} : vector<512x512xi32>
      %iota3A_146 = tpu.iota {dimensions = array<i32: 1>} : vector<512x512xi32>
      %eq3A_147 = arith.cmpi eq, %iota3A_145, %iota3A_146 : vector<512x512xi32>
      %convert_element_type3A_148 = arith.extui %eq3A_147 : vector<512x512xi1> to vector<512x512xi32>
      %convert_element_type3A_149 = arith.sitofp %convert_element_type3A_148 : vector<512x512xi32> to vector<512x512xf32>
      %sub3A_150 = arith.subf %convert_element_type3A_149, %add3A_144 : vector<512x512xf32>
      %div3A = arith.constant 1.000000e+00 : f32
      %div3A_151 = vector.broadcast %div3A : f32 to vector<512x512xf32>
      %div3A_152 = arith.divf %sub3A_150, %div3A_151 : vector<512x512xf32>
      %mul3A_153 = arith.constant 1.000000e+00 : f32
      %mul3A_154 = vector.broadcast %mul3A_153 : f32 to vector<512x512xf32>
      %mul3A_155 = arith.mulf %mul3A_154, %convert_element_type3A_149 : vector<512x512xf32>
      %add3A_156 = arith.addf %dot_general3A_83, %mul3A_155 : vector<512x512xf32>
      %convert_element_type3A_157 = arith.truncf %add3A_156 : vector<512x512xf32> to vector<512x512xbf16>
      %convert_element_type3A_158 = arith.extf %convert_element_type3A_157 : vector<512x512xbf16> to vector<512x512xf32>
      %sub3A_159 = arith.subf %add3A_156, %convert_element_type3A_158 : vector<512x512xf32>
      %convert_element_type3A_160 = arith.truncf %sub3A_159 : vector<512x512xf32> to vector<512x512xbf16>
      %convert_element_type3A_161 = arith.extf %convert_element_type3A_160 : vector<512x512xbf16> to vector<512x512xf32>
      %sub3A_162 = arith.subf %sub3A_159, %convert_element_type3A_161 : vector<512x512xf32>
      %convert_element_type3A_163 = arith.truncf %sub3A_162 : vector<512x512xf32> to vector<512x512xbf16>
      %convert_element_type3A_164 = arith.truncf %div3A_152 : vector<512x512xf32> to vector<512x512xbf16>
      %convert_element_type3A_165 = arith.extf %convert_element_type3A_164 : vector<512x512xbf16> to vector<512x512xf32>
      %sub3A_166 = arith.subf %div3A_152, %convert_element_type3A_165 : vector<512x512xf32>
      %convert_element_type3A_167 = arith.truncf %sub3A_166 : vector<512x512xf32> to vector<512x512xbf16>
      %convert_element_type3A_168 = arith.extf %convert_element_type3A_167 : vector<512x512xbf16> to vector<512x512xf32>
      %sub3A_169 = arith.subf %sub3A_166, %convert_element_type3A_168 : vector<512x512xf32>
      %convert_element_type3A_170 = arith.truncf %sub3A_169 : vector<512x512xf32> to vector<512x512xbf16>
      %dot_general3A_171 = arith.constant dense<0.000000e+00> : vector<512x512xf32>
      %dot_general3A_172 = tpu.matmul %convert_element_type3A_157, %convert_element_type3A_164, %dot_general3A_171 {dimension_numbers = #tpu.dot_dimension_numbers<[1], [0], [0], [1], [0, 0, 1, 1], [], []>, transpose_lhs_hint = false} : vector<512x512xbf16>, vector<512x512xbf16>, vector<512x512xf32> -> vector<512x512xf32>
      %dot_general3A_173 = arith.constant dense<0.000000e+00> : vector<512x512xf32>
      %dot_general3A_174 = tpu.matmul %convert_element_type3A_157, %convert_element_type3A_167, %dot_general3A_173 {dimension_numbers = #tpu.dot_dimension_numbers<[1], [0], [0], [1], [0, 0, 1, 1], [], []>, transpose_lhs_hint = false} : vector<512x512xbf16>, vector<512x512xbf16>, vector<512x512xf32> -> vector<512x512xf32>
      %add3A_175 = arith.addf %dot_general3A_172, %dot_general3A_174 : vector<512x512xf32>
      %dot_general3A_176 = arith.constant dense<0.000000e+00> : vector<512x512xf32>
      %dot_general3A_177 = tpu.matmul %convert_element_type3A_160, %convert_element_type3A_164, %dot_general3A_176 {dimension_numbers = #tpu.dot_dimension_numbers<[1], [0], [0], [1], [0, 0, 1, 1], [], []>, transpose_lhs_hint = false} : vector<512x512xbf16>, vector<512x512xbf16>, vector<512x512xf32> -> vector<512x512xf32>
      %add3A_178 = arith.addf %add3A_175, %dot_general3A_177 : vector<512x512xf32>
      %dot_general3A_179 = arith.constant dense<0.000000e+00> : vector<512x512xf32>
      %dot_general3A_180 = tpu.matmul %convert_element_type3A_157, %convert_element_type3A_170, %dot_general3A_179 {dimension_numbers = #tpu.dot_dimension_numbers<[1], [0], [0], [1], [0, 0, 1, 1], [], []>, transpose_lhs_hint = false} : vector<512x512xbf16>, vector<512x512xbf16>, vector<512x512xf32> -> vector<512x512xf32>
      %dot_general3A_181 = arith.constant dense<0.000000e+00> : vector<512x512xf32>
      %dot_general3A_182 = tpu.matmul %convert_element_type3A_163, %convert_element_type3A_164, %dot_general3A_181 {dimension_numbers = #tpu.dot_dimension_numbers<[1], [0], [0], [1], [0, 0, 1, 1], [], []>, transpose_lhs_hint = false} : vector<512x512xbf16>, vector<512x512xbf16>, vector<512x512xf32> -> vector<512x512xf32>
      %add3A_183 = arith.addf %dot_general3A_180, %dot_general3A_182 : vector<512x512xf32>
      %dot_general3A_184 = arith.constant dense<0.000000e+00> : vector<512x512xf32>
      %dot_general3A_185 = tpu.matmul %convert_element_type3A_160, %convert_element_type3A_167, %dot_general3A_184 {dimension_numbers = #tpu.dot_dimension_numbers<[1], [0], [0], [1], [0, 0, 1, 1], [], []>, transpose_lhs_hint = false} : vector<512x512xbf16>, vector<512x512xbf16>, vector<512x512xf32> -> vector<512x512xf32>
      %add3A_186 = arith.addf %add3A_183, %dot_general3A_185 : vector<512x512xf32>
      %add3A_187 = arith.addf %add3A_178, %add3A_186 : vector<512x512xf32>
      %mul3A_188 = arith.constant 2.000000e+00 : f32
      %mul3A_189 = vector.broadcast %mul3A_188 : f32 to vector<512x512xf32>
      %mul3A_190 = arith.mulf %mul3A_189, %convert_element_type3A_149 : vector<512x512xf32>
      %sub3A_191 = arith.subf %mul3A_190, %add3A_187 : vector<512x512xf32>
      %convert_element_type3A_192 = arith.truncf %div3A_152 : vector<512x512xf32> to vector<512x512xbf16>
      %convert_element_type3A_193 = arith.extf %convert_element_type3A_192 : vector<512x512xbf16> to vector<512x512xf32>
      %sub3A_194 = arith.subf %div3A_152, %convert_element_type3A_193 : vector<512x512xf32>
      %convert_element_type3A_195 = arith.truncf %sub3A_194 : vector<512x512xf32> to vector<512x512xbf16>
      %convert_element_type3A_196 = arith.extf %convert_element_type3A_195 : vector<512x512xbf16> to vector<512x512xf32>
      %sub3A_197 = arith.subf %sub3A_194, %convert_element_type3A_196 : vector<512x512xf32>
      %convert_element_type3A_198 = arith.truncf %sub3A_197 : vector<512x512xf32> to vector<512x512xbf16>
      %convert_element_type3A_199 = arith.truncf %sub3A_191 : vector<512x512xf32> to vector<512x512xbf16>
      %convert_element_type3A_200 = arith.extf %convert_element_type3A_199 : vector<512x512xbf16> to vector<512x512xf32>
      %sub3A_201 = arith.subf %sub3A_191, %convert_element_type3A_200 : vector<512x512xf32>
      %convert_element_type3A_202 = arith.truncf %sub3A_201 : vector<512x512xf32> to vector<512x512xbf16>
      %convert_element_type3A_203 = arith.extf %convert_element_type3A_202 : vector<512x512xbf16> to vector<512x512xf32>
      %sub3A_204 = arith.subf %sub3A_201, %convert_element_type3A_203 : vector<512x512xf32>
      %convert_element_type3A_205 = arith.truncf %sub3A_204 : vector<512x512xf32> to vector<512x512xbf16>
      %dot_general3A_206 = arith.constant dense<0.000000e+00> : vector<512x512xf32>
      %dot_general3A_207 = tpu.matmul %convert_element_type3A_192, %convert_element_type3A_199, %dot_general3A_206 {dimension_numbers = #tpu.dot_dimension_numbers<[1], [0], [0], [1], [0, 0, 1, 1], [], []>, transpose_lhs_hint = false} : vector<512x512xbf16>, vector<512x512xbf16>, vector<512x512xf32> -> vector<512x512xf32>
      %dot_general3A_208 = arith.constant dense<0.000000e+00> : vector<512x512xf32>
      %dot_general3A_209 = tpu.matmul %convert_element_type3A_192, %convert_element_type3A_202, %dot_general3A_208 {dimension_numbers = #tpu.dot_dimension_numbers<[1], [0], [0], [1], [0, 0, 1, 1], [], []>, transpose_lhs_hint = false} : vector<512x512xbf16>, vector<512x512xbf16>, vector<512x512xf32> -> vector<512x512xf32>
      %add3A_210 = arith.addf %dot_general3A_207, %dot_general3A_209 : vector<512x512xf32>
      %dot_general3A_211 = arith.constant dense<0.000000e+00> : vector<512x512xf32>
      %dot_general3A_212 = tpu.matmul %convert_element_type3A_195, %convert_element_type3A_199, %dot_general3A_211 {dimension_numbers = #tpu.dot_dimension_numbers<[1], [0], [0], [1], [0, 0, 1, 1], [], []>, transpose_lhs_hint = false} : vector<512x512xbf16>, vector<512x512xbf16>, vector<512x512xf32> -> vector<512x512xf32>
      %add3A_213 = arith.addf %add3A_210, %dot_general3A_212 : vector<512x512xf32>
      %dot_general3A_214 = arith.constant dense<0.000000e+00> : vector<512x512xf32>
      %dot_general3A_215 = tpu.matmul %convert_element_type3A_192, %convert_element_type3A_205, %dot_general3A_214 {dimension_numbers = #tpu.dot_dimension_numbers<[1], [0], [0], [1], [0, 0, 1, 1], [], []>, transpose_lhs_hint = false} : vector<512x512xbf16>, vector<512x512xbf16>, vector<512x512xf32> -> vector<512x512xf32>
      %dot_general3A_216 = arith.constant dense<0.000000e+00> : vector<512x512xf32>
      %dot_general3A_217 = tpu.matmul %convert_element_type3A_198, %convert_element_type3A_199, %dot_general3A_216 {dimension_numbers = #tpu.dot_dimension_numbers<[1], [0], [0], [1], [0, 0, 1, 1], [], []>, transpose_lhs_hint = false} : vector<512x512xbf16>, vector<512x512xbf16>, vector<512x512xf32> -> vector<512x512xf32>
      %add3A_218 = arith.addf %dot_general3A_215, %dot_general3A_217 : vector<512x512xf32>
      %dot_general3A_219 = arith.constant dense<0.000000e+00> : vector<512x512xf32>
      %dot_general3A_220 = tpu.matmul %convert_element_type3A_195, %convert_element_type3A_202, %dot_general3A_219 {dimension_numbers = #tpu.dot_dimension_numbers<[1], [0], [0], [1], [0, 0, 1, 1], [], []>, transpose_lhs_hint = false} : vector<512x512xbf16>, vector<512x512xbf16>, vector<512x512xf32> -> vector<512x512xf32>
      %add3A_221 = arith.addf %add3A_218, %dot_general3A_220 : vector<512x512xf32>
      %add3A_222 = arith.addf %add3A_213, %add3A_221 : vector<512x512xf32>
      %convert_element_type3A_223 = arith.truncf %add3A_156 : vector<512x512xf32> to vector<512x512xbf16>
      %convert_element_type3A_224 = arith.extf %convert_element_type3A_223 : vector<512x512xbf16> to vector<512x512xf32>
      %sub3A_225 = arith.subf %add3A_156, %convert_element_type3A_224 : vector<512x512xf32>
      %convert_element_type3A_226 = arith.truncf %sub3A_225 : vector<512x512xf32> to vector<512x512xbf16>
      %convert_element_type3A_227 = arith.extf %convert_element_type3A_226 : vector<512x512xbf16> to vector<512x512xf32>
      %sub3A_228 = arith.subf %sub3A_225, %convert_element_type3A_227 : vector<512x512xf32>
      %convert_element_type3A_229 = arith.truncf %sub3A_228 : vector<512x512xf32> to vector<512x512xbf16>
      %convert_element_type3A_230 = arith.truncf %add3A_222 : vector<512x512xf32> to vector<512x512xbf16>
      %convert_element_type3A_231 = arith.extf %convert_element_type3A_230 : vector<512x512xbf16> to vector<512x512xf32>
      %sub3A_232 = arith.subf %add3A_222, %convert_element_type3A_231 : vector<512x512xf32>
      %convert_element_type3A_233 = arith.truncf %sub3A_232 : vector<512x512xf32> to vector<512x512xbf16>
      %convert_element_type3A_234 = arith.extf %convert_element_type3A_233 : vector<512x512xbf16> to vector<512x512xf32>
      %sub3A_235 = arith.subf %sub3A_232, %convert_element_type3A_234 : vector<512x512xf32>
      %convert_element_type3A_236 = arith.truncf %sub3A_235 : vector<512x512xf32> to vector<512x512xbf16>
      %dot_general3A_237 = arith.constant dense<0.000000e+00> : vector<512x512xf32>
      %dot_general3A_238 = tpu.matmul %convert_element_type3A_223, %convert_element_type3A_230, %dot_general3A_237 {dimension_numbers = #tpu.dot_dimension_numbers<[1], [0], [0], [1], [0, 0, 1, 1], [], []>, transpose_lhs_hint = false} : vector<512x512xbf16>, vector<512x512xbf16>, vector<512x512xf32> -> vector<512x512xf32>
      %dot_general3A_239 = arith.constant dense<0.000000e+00> : vector<512x512xf32>
      %dot_general3A_240 = tpu.matmul %convert_element_type3A_223, %convert_element_type3A_233, %dot_general3A_239 {dimension_numbers = #tpu.dot_dimension_numbers<[1], [0], [0], [1], [0, 0, 1, 1], [], []>, transpose_lhs_hint = false} : vector<512x512xbf16>, vector<512x512xbf16>, vector<512x512xf32> -> vector<512x512xf32>
      %add3A_241 = arith.addf %dot_general3A_238, %dot_general3A_240 : vector<512x512xf32>
      %dot_general3A_242 = arith.constant dense<0.000000e+00> : vector<512x512xf32>
      %dot_general3A_243 = tpu.matmul %convert_element_type3A_226, %convert_element_type3A_230, %dot_general3A_242 {dimension_numbers = #tpu.dot_dimension_numbers<[1], [0], [0], [1], [0, 0, 1, 1], [], []>, transpose_lhs_hint = false} : vector<512x512xbf16>, vector<512x512xbf16>, vector<512x512xf32> -> vector<512x512xf32>
      %add3A_244 = arith.addf %add3A_241, %dot_general3A_243 : vector<512x512xf32>
      %dot_general3A_245 = arith.constant dense<0.000000e+00> : vector<512x512xf32>
      %dot_general3A_246 = tpu.matmul %convert_element_type3A_223, %convert_element_type3A_236, %dot_general3A_245 {dimension_numbers = #tpu.dot_dimension_numbers<[1], [0], [0], [1], [0, 0, 1, 1], [], []>, transpose_lhs_hint = false} : vector<512x512xbf16>, vector<512x512xbf16>, vector<512x512xf32> -> vector<512x512xf32>
      %dot_general3A_247 = arith.constant dense<0.000000e+00> : vector<512x512xf32>
      %dot_general3A_248 = tpu.matmul %convert_element_type3A_229, %convert_element_type3A_230, %dot_general3A_247 {dimension_numbers = #tpu.dot_dimension_numbers<[1], [0], [0], [1], [0, 0, 1, 1], [], []>, transpose_lhs_hint = false} : vector<512x512xbf16>, vector<512x512xbf16>, vector<512x512xf32> -> vector<512x512xf32>
      %add3A_249 = arith.addf %dot_general3A_246, %dot_general3A_248 : vector<512x512xf32>
      %dot_general3A_250 = arith.constant dense<0.000000e+00> : vector<512x512xf32>
      %dot_general3A_251 = tpu.matmul %convert_element_type3A_226, %convert_element_type3A_233, %dot_general3A_250 {dimension_numbers = #tpu.dot_dimension_numbers<[1], [0], [0], [1], [0, 0, 1, 1], [], []>, transpose_lhs_hint = false} : vector<512x512xbf16>, vector<512x512xbf16>, vector<512x512xf32> -> vector<512x512xf32>
      %add3A_252 = arith.addf %add3A_249, %dot_general3A_251 : vector<512x512xf32>
      %add3A_253 = arith.addf %add3A_244, %add3A_252 : vector<512x512xf32>
      %mul3A_254 = arith.constant 2.000000e+00 : f32
      %mul3A_255 = vector.broadcast %mul3A_254 : f32 to vector<512x512xf32>
      %mul3A_256 = arith.mulf %mul3A_255, %convert_element_type3A_149 : vector<512x512xf32>
      %sub3A_257 = arith.subf %mul3A_256, %add3A_253 : vector<512x512xf32>
      %convert_element_type3A_258 = arith.truncf %add3A_222 : vector<512x512xf32> to vector<512x512xbf16>
      %convert_element_type3A_259 = arith.extf %convert_element_type3A_258 : vector<512x512xbf16> to vector<512x512xf32>
      %sub3A_260 = arith.subf %add3A_222, %convert_element_type3A_259 : vector<512x512xf32>
      %convert_element_type3A_261 = arith.truncf %sub3A_260 : vector<512x512xf32> to vector<512x512xbf16>
      %convert_element_type3A_262 = arith.extf %convert_element_type3A_261 : vector<512x512xbf16> to vector<512x512xf32>
      %sub3A_263 = arith.subf %sub3A_260, %convert_element_type3A_262 : vector<512x512xf32>
      %convert_element_type3A_264 = arith.truncf %sub3A_263 : vector<512x512xf32> to vector<512x512xbf16>
      %convert_element_type3A_265 = arith.truncf %sub3A_257 : vector<512x512xf32> to vector<512x512xbf16>
      %convert_element_type3A_266 = arith.extf %convert_element_type3A_265 : vector<512x512xbf16> to vector<512x512xf32>
      %sub3A_267 = arith.subf %sub3A_257, %convert_element_type3A_266 : vector<512x512xf32>
      %convert_element_type3A_268 = arith.truncf %sub3A_267 : vector<512x512xf32> to vector<512x512xbf16>
      %convert_element_type3A_269 = arith.extf %convert_element_type3A_268 : vector<512x512xbf16> to vector<512x512xf32>
      %sub3A_270 = arith.subf %sub3A_267, %convert_element_type3A_269 : vector<512x512xf32>
      %convert_element_type3A_271 = arith.truncf %sub3A_270 : vector<512x512xf32> to vector<512x512xbf16>
      %dot_general3A_272 = arith.constant dense<0.000000e+00> : vector<512x512xf32>
      %dot_general3A_273 = tpu.matmul %convert_element_type3A_258, %convert_element_type3A_265, %dot_general3A_272 {dimension_numbers = #tpu.dot_dimension_numbers<[1], [0], [0], [1], [0, 0, 1, 1], [], []>, transpose_lhs_hint = false} : vector<512x512xbf16>, vector<512x512xbf16>, vector<512x512xf32> -> vector<512x512xf32>
      %dot_general3A_274 = arith.constant dense<0.000000e+00> : vector<512x512xf32>
      %dot_general3A_275 = tpu.matmul %convert_element_type3A_258, %convert_element_type3A_268, %dot_general3A_274 {dimension_numbers = #tpu.dot_dimension_numbers<[1], [0], [0], [1], [0, 0, 1, 1], [], []>, transpose_lhs_hint = false} : vector<512x512xbf16>, vector<512x512xbf16>, vector<512x512xf32> -> vector<512x512xf32>
      %add3A_276 = arith.addf %dot_general3A_273, %dot_general3A_275 : vector<512x512xf32>
      %dot_general3A_277 = arith.constant dense<0.000000e+00> : vector<512x512xf32>
      %dot_general3A_278 = tpu.matmul %convert_element_type3A_261, %convert_element_type3A_265, %dot_general3A_277 {dimension_numbers = #tpu.dot_dimension_numbers<[1], [0], [0], [1], [0, 0, 1, 1], [], []>, transpose_lhs_hint = false} : vector<512x512xbf16>, vector<512x512xbf16>, vector<512x512xf32> -> vector<512x512xf32>
      %add3A_279 = arith.addf %add3A_276, %dot_general3A_278 : vector<512x512xf32>
      %dot_general3A_280 = arith.constant dense<0.000000e+00> : vector<512x512xf32>
      %dot_general3A_281 = tpu.matmul %convert_element_type3A_258, %convert_element_type3A_271, %dot_general3A_280 {dimension_numbers = #tpu.dot_dimension_numbers<[1], [0], [0], [1], [0, 0, 1, 1], [], []>, transpose_lhs_hint = false} : vector<512x512xbf16>, vector<512x512xbf16>, vector<512x512xf32> -> vector<512x512xf32>
      %dot_general3A_282 = arith.constant dense<0.000000e+00> : vector<512x512xf32>
      %dot_general3A_283 = tpu.matmul %convert_element_type3A_264, %convert_element_type3A_265, %dot_general3A_282 {dimension_numbers = #tpu.dot_dimension_numbers<[1], [0], [0], [1], [0, 0, 1, 1], [], []>, transpose_lhs_hint = false} : vector<512x512xbf16>, vector<512x512xbf16>, vector<512x512xf32> -> vector<512x512xf32>
      %add3A_284 = arith.addf %dot_general3A_281, %dot_general3A_283 : vector<512x512xf32>
      %dot_general3A_285 = arith.constant dense<0.000000e+00> : vector<512x512xf32>
      %dot_general3A_286 = tpu.matmul %convert_element_type3A_261, %convert_element_type3A_268, %dot_general3A_285 {dimension_numbers = #tpu.dot_dimension_numbers<[1], [0], [0], [1], [0, 0, 1, 1], [], []>, transpose_lhs_hint = false} : vector<512x512xbf16>, vector<512x512xbf16>, vector<512x512xf32> -> vector<512x512xf32>
      %add3A_287 = arith.addf %add3A_284, %dot_general3A_286 : vector<512x512xf32>
      %add3A_288 = arith.addf %add3A_279, %add3A_287 : vector<512x512xf32>
      %convert_element_type3A_289 = arith.truncf %add3A_156 : vector<512x512xf32> to vector<512x512xbf16>
      %convert_element_type3A_290 = arith.extf %convert_element_type3A_289 : vector<512x512xbf16> to vector<512x512xf32>
      %sub3A_291 = arith.subf %add3A_156, %convert_element_type3A_290 : vector<512x512xf32>
      %convert_element_type3A_292 = arith.truncf %sub3A_291 : vector<512x512xf32> to vector<512x512xbf16>
      %convert_element_type3A_293 = arith.extf %convert_element_type3A_292 : vector<512x512xbf16> to vector<512x512xf32>
      %sub3A_294 = arith.subf %sub3A_291, %convert_element_type3A_293 : vector<512x512xf32>
      %convert_element_type3A_295 = arith.truncf %sub3A_294 : vector<512x512xf32> to vector<512x512xbf16>
      %convert_element_type3A_296 = arith.truncf %add3A_288 : vector<512x512xf32> to vector<512x512xbf16>
      %convert_element_type3A_297 = arith.extf %convert_element_type3A_296 : vector<512x512xbf16> to vector<512x512xf32>
      %sub3A_298 = arith.subf %add3A_288, %convert_element_type3A_297 : vector<512x512xf32>
      %convert_element_type3A_299 = arith.truncf %sub3A_298 : vector<512x512xf32> to vector<512x512xbf16>
      %convert_element_type3A_300 = arith.extf %convert_element_type3A_299 : vector<512x512xbf16> to vector<512x512xf32>
      %sub3A_301 = arith.subf %sub3A_298, %convert_element_type3A_300 : vector<512x512xf32>
      %convert_element_type3A_302 = arith.truncf %sub3A_301 : vector<512x512xf32> to vector<512x512xbf16>
      %dot_general3A_303 = arith.constant dense<0.000000e+00> : vector<512x512xf32>
      %dot_general3A_304 = tpu.matmul %convert_element_type3A_289, %convert_element_type3A_296, %dot_general3A_303 {dimension_numbers = #tpu.dot_dimension_numbers<[1], [0], [0], [1], [0, 0, 1, 1], [], []>, transpose_lhs_hint = false} : vector<512x512xbf16>, vector<512x512xbf16>, vector<512x512xf32> -> vector<512x512xf32>
      %dot_general3A_305 = arith.constant dense<0.000000e+00> : vector<512x512xf32>
      %dot_general3A_306 = tpu.matmul %convert_element_type3A_289, %convert_element_type3A_299, %dot_general3A_305 {dimension_numbers = #tpu.dot_dimension_numbers<[1], [0], [0], [1], [0, 0, 1, 1], [], []>, transpose_lhs_hint = false} : vector<512x512xbf16>, vector<512x512xbf16>, vector<512x512xf32> -> vector<512x512xf32>
      %add3A_307 = arith.addf %dot_general3A_304, %dot_general3A_306 : vector<512x512xf32>
      %dot_general3A_308 = arith.constant dense<0.000000e+00> : vector<512x512xf32>
      %dot_general3A_309 = tpu.matmul %convert_element_type3A_292, %convert_element_type3A_296, %dot_general3A_308 {dimension_numbers = #tpu.dot_dimension_numbers<[1], [0], [0], [1], [0, 0, 1, 1], [], []>, transpose_lhs_hint = false} : vector<512x512xbf16>, vector<512x512xbf16>, vector<512x512xf32> -> vector<512x512xf32>
      %add3A_310 = arith.addf %add3A_307, %dot_general3A_309 : vector<512x512xf32>
      %dot_general3A_311 = arith.constant dense<0.000000e+00> : vector<512x512xf32>
      %dot_general3A_312 = tpu.matmul %convert_element_type3A_289, %convert_element_type3A_302, %dot_general3A_311 {dimension_numbers = #tpu.dot_dimension_numbers<[1], [0], [0], [1], [0, 0, 1, 1], [], []>, transpose_lhs_hint = false} : vector<512x512xbf16>, vector<512x512xbf16>, vector<512x512xf32> -> vector<512x512xf32>
      %dot_general3A_313 = arith.constant dense<0.000000e+00> : vector<512x512xf32>
      %dot_general3A_314 = tpu.matmul %convert_element_type3A_295, %convert_element_type3A_296, %dot_general3A_313 {dimension_numbers = #tpu.dot_dimension_numbers<[1], [0], [0], [1], [0, 0, 1, 1], [], []>, transpose_lhs_hint = false} : vector<512x512xbf16>, vector<512x512xbf16>, vector<512x512xf32> -> vector<512x512xf32>
      %add3A_315 = arith.addf %dot_general3A_312, %dot_general3A_314 : vector<512x512xf32>
      %dot_general3A_316 = arith.constant dense<0.000000e+00> : vector<512x512xf32>
      %dot_general3A_317 = tpu.matmul %convert_element_type3A_292, %convert_element_type3A_299, %dot_general3A_316 {dimension_numbers = #tpu.dot_dimension_numbers<[1], [0], [0], [1], [0, 0, 1, 1], [], []>, transpose_lhs_hint = false} : vector<512x512xbf16>, vector<512x512xbf16>, vector<512x512xf32> -> vector<512x512xf32>
      %add3A_318 = arith.addf %add3A_315, %dot_general3A_317 : vector<512x512xf32>
      %add3A_319 = arith.addf %add3A_310, %add3A_318 : vector<512x512xf32>
      %mul3A_320 = arith.constant 2.000000e+00 : f32
      %mul3A_321 = vector.broadcast %mul3A_320 : f32 to vector<512x512xf32>
      %mul3A_322 = arith.mulf %mul3A_321, %convert_element_type3A_149 : vector<512x512xf32>
      %sub3A_323 = arith.subf %mul3A_322, %add3A_319 : vector<512x512xf32>
      %convert_element_type3A_324 = arith.truncf %add3A_288 : vector<512x512xf32> to vector<512x512xbf16>
      %convert_element_type3A_325 = arith.extf %convert_element_type3A_324 : vector<512x512xbf16> to vector<512x512xf32>
      %sub3A_326 = arith.subf %add3A_288, %convert_element_type3A_325 : vector<512x512xf32>
      %convert_element_type3A_327 = arith.truncf %sub3A_326 : vector<512x512xf32> to vector<512x512xbf16>
      %convert_element_type3A_328 = arith.extf %convert_element_type3A_327 : vector<512x512xbf16> to vector<512x512xf32>
      %sub3A_329 = arith.subf %sub3A_326, %convert_element_type3A_328 : vector<512x512xf32>
      %convert_element_type3A_330 = arith.truncf %sub3A_329 : vector<512x512xf32> to vector<512x512xbf16>
      %convert_element_type3A_331 = arith.truncf %sub3A_323 : vector<512x512xf32> to vector<512x512xbf16>
      %convert_element_type3A_332 = arith.extf %convert_element_type3A_331 : vector<512x512xbf16> to vector<512x512xf32>
      %sub3A_333 = arith.subf %sub3A_323, %convert_element_type3A_332 : vector<512x512xf32>
      %convert_element_type3A_334 = arith.truncf %sub3A_333 : vector<512x512xf32> to vector<512x512xbf16>
      %convert_element_type3A_335 = arith.extf %convert_element_type3A_334 : vector<512x512xbf16> to vector<512x512xf32>
      %sub3A_336 = arith.subf %sub3A_333, %convert_element_type3A_335 : vector<512x512xf32>
      %convert_element_type3A_337 = arith.truncf %sub3A_336 : vector<512x512xf32> to vector<512x512xbf16>
      %dot_general3A_338 = arith.constant dense<0.000000e+00> : vector<512x512xf32>
      %dot_general3A_339 = tpu.matmul %convert_element_type3A_324, %convert_element_type3A_331, %dot_general3A_338 {dimension_numbers = #tpu.dot_dimension_numbers<[1], [0], [0], [1], [0, 0, 1, 1], [], []>, transpose_lhs_hint = false} : vector<512x512xbf16>, vector<512x512xbf16>, vector<512x512xf32> -> vector<512x512xf32>
      %dot_general3A_340 = arith.constant dense<0.000000e+00> : vector<512x512xf32>
      %dot_general3A_341 = tpu.matmul %convert_element_type3A_324, %convert_element_type3A_334, %dot_general3A_340 {dimension_numbers = #tpu.dot_dimension_numbers<[1], [0], [0], [1], [0, 0, 1, 1], [], []>, transpose_lhs_hint = false} : vector<512x512xbf16>, vector<512x512xbf16>, vector<512x512xf32> -> vector<512x512xf32>
      %add3A_342 = arith.addf %dot_general3A_339, %dot_general3A_341 : vector<512x512xf32>
      %dot_general3A_343 = arith.constant dense<0.000000e+00> : vector<512x512xf32>
      %dot_general3A_344 = tpu.matmul %convert_element_type3A_327, %convert_element_type3A_331, %dot_general3A_343 {dimension_numbers = #tpu.dot_dimension_numbers<[1], [0], [0], [1], [0, 0, 1, 1], [], []>, transpose_lhs_hint = false} : vector<512x512xbf16>, vector<512x512xbf16>, vector<512x512xf32> -> vector<512x512xf32>
      %add3A_345 = arith.addf %add3A_342, %dot_general3A_344 : vector<512x512xf32>
      %dot_general3A_346 = arith.constant dense<0.000000e+00> : vector<512x512xf32>
      %dot_general3A_347 = tpu.matmul %convert_element_type3A_324, %convert_element_type3A_337, %dot_general3A_346 {dimension_numbers = #tpu.dot_dimension_numbers<[1], [0], [0], [1], [0, 0, 1, 1], [], []>, transpose_lhs_hint = false} : vector<512x512xbf16>, vector<512x512xbf16>, vector<512x512xf32> -> vector<512x512xf32>
      %dot_general3A_348 = arith.constant dense<0.000000e+00> : vector<512x512xf32>
      %dot_general3A_349 = tpu.matmul %convert_element_type3A_330, %convert_element_type3A_331, %dot_general3A_348 {dimension_numbers = #tpu.dot_dimension_numbers<[1], [0], [0], [1], [0, 0, 1, 1], [], []>, transpose_lhs_hint = false} : vector<512x512xbf16>, vector<512x512xbf16>, vector<512x512xf32> -> vector<512x512xf32>
      %add3A_350 = arith.addf %dot_general3A_347, %dot_general3A_349 : vector<512x512xf32>
      %dot_general3A_351 = arith.constant dense<0.000000e+00> : vector<512x512xf32>
      %dot_general3A_352 = tpu.matmul %convert_element_type3A_327, %convert_element_type3A_334, %dot_general3A_351 {dimension_numbers = #tpu.dot_dimension_numbers<[1], [0], [0], [1], [0, 0, 1, 1], [], []>, transpose_lhs_hint = false} : vector<512x512xbf16>, vector<512x512xbf16>, vector<512x512xf32> -> vector<512x512xf32>
      %add3A_353 = arith.addf %add3A_350, %dot_general3A_352 : vector<512x512xf32>
      %add3A_354 = arith.addf %add3A_345, %add3A_353 : vector<512x512xf32>
      %convert_element_type3A_355 = arith.truncf %add3A_156 : vector<512x512xf32> to vector<512x512xbf16>
      %convert_element_type3A_356 = arith.extf %convert_element_type3A_355 : vector<512x512xbf16> to vector<512x512xf32>
      %sub3A_357 = arith.subf %add3A_156, %convert_element_type3A_356 : vector<512x512xf32>
      %convert_element_type3A_358 = arith.truncf %sub3A_357 : vector<512x512xf32> to vector<512x512xbf16>
      %convert_element_type3A_359 = arith.extf %convert_element_type3A_358 : vector<512x512xbf16> to vector<512x512xf32>
      %sub3A_360 = arith.subf %sub3A_357, %convert_element_type3A_359 : vector<512x512xf32>
      %convert_element_type3A_361 = arith.truncf %sub3A_360 : vector<512x512xf32> to vector<512x512xbf16>
      %convert_element_type3A_362 = arith.truncf %add3A_354 : vector<512x512xf32> to vector<512x512xbf16>
      %convert_element_type3A_363 = arith.extf %convert_element_type3A_362 : vector<512x512xbf16> to vector<512x512xf32>
      %sub3A_364 = arith.subf %add3A_354, %convert_element_type3A_363 : vector<512x512xf32>
      %convert_element_type3A_365 = arith.truncf %sub3A_364 : vector<512x512xf32> to vector<512x512xbf16>
      %convert_element_type3A_366 = arith.extf %convert_element_type3A_365 : vector<512x512xbf16> to vector<512x512xf32>
      %sub3A_367 = arith.subf %sub3A_364, %convert_element_type3A_366 : vector<512x512xf32>
      %convert_element_type3A_368 = arith.truncf %sub3A_367 : vector<512x512xf32> to vector<512x512xbf16>
      %dot_general3A_369 = arith.constant dense<0.000000e+00> : vector<512x512xf32>
      %dot_general3A_370 = tpu.matmul %convert_element_type3A_355, %convert_element_type3A_362, %dot_general3A_369 {dimension_numbers = #tpu.dot_dimension_numbers<[1], [0], [0], [1], [0, 0, 1, 1], [], []>, transpose_lhs_hint = false} : vector<512x512xbf16>, vector<512x512xbf16>, vector<512x512xf32> -> vector<512x512xf32>
      %dot_general3A_371 = arith.constant dense<0.000000e+00> : vector<512x512xf32>
      %dot_general3A_372 = tpu.matmul %convert_element_type3A_355, %convert_element_type3A_365, %dot_general3A_371 {dimension_numbers = #tpu.dot_dimension_numbers<[1], [0], [0], [1], [0, 0, 1, 1], [], []>, transpose_lhs_hint = false} : vector<512x512xbf16>, vector<512x512xbf16>, vector<512x512xf32> -> vector<512x512xf32>
      %add3A_373 = arith.addf %dot_general3A_370, %dot_general3A_372 : vector<512x512xf32>
      %dot_general3A_374 = arith.constant dense<0.000000e+00> : vector<512x512xf32>
      %dot_general3A_375 = tpu.matmul %convert_element_type3A_358, %convert_element_type3A_362, %dot_general3A_374 {dimension_numbers = #tpu.dot_dimension_numbers<[1], [0], [0], [1], [0, 0, 1, 1], [], []>, transpose_lhs_hint = false} : vector<512x512xbf16>, vector<512x512xbf16>, vector<512x512xf32> -> vector<512x512xf32>
      %add3A_376 = arith.addf %add3A_373, %dot_general3A_375 : vector<512x512xf32>
      %dot_general3A_377 = arith.constant dense<0.000000e+00> : vector<512x512xf32>
      %dot_general3A_378 = tpu.matmul %convert_element_type3A_355, %convert_element_type3A_368, %dot_general3A_377 {dimension_numbers = #tpu.dot_dimension_numbers<[1], [0], [0], [1], [0, 0, 1, 1], [], []>, transpose_lhs_hint = false} : vector<512x512xbf16>, vector<512x512xbf16>, vector<512x512xf32> -> vector<512x512xf32>
      %dot_general3A_379 = arith.constant dense<0.000000e+00> : vector<512x512xf32>
      %dot_general3A_380 = tpu.matmul %convert_element_type3A_361, %convert_element_type3A_362, %dot_general3A_379 {dimension_numbers = #tpu.dot_dimension_numbers<[1], [0], [0], [1], [0, 0, 1, 1], [], []>, transpose_lhs_hint = false} : vector<512x512xbf16>, vector<512x512xbf16>, vector<512x512xf32> -> vector<512x512xf32>
      %add3A_381 = arith.addf %dot_general3A_378, %dot_general3A_380 : vector<512x512xf32>
      %dot_general3A_382 = arith.constant dense<0.000000e+00> : vector<512x512xf32>
      %dot_general3A_383 = tpu.matmul %convert_element_type3A_358, %convert_element_type3A_365, %dot_general3A_382 {dimension_numbers = #tpu.dot_dimension_numbers<[1], [0], [0], [1], [0, 0, 1, 1], [], []>, transpose_lhs_hint = false} : vector<512x512xbf16>, vector<512x512xbf16>, vector<512x512xf32> -> vector<512x512xf32>
      %add3A_384 = arith.addf %add3A_381, %dot_general3A_383 : vector<512x512xf32>
      %add3A_385 = arith.addf %add3A_376, %add3A_384 : vector<512x512xf32>
      %mul3A_386 = arith.constant 2.000000e+00 : f32
      %mul3A_387 = vector.broadcast %mul3A_386 : f32 to vector<512x512xf32>
      %mul3A_388 = arith.mulf %mul3A_387, %convert_element_type3A_149 : vector<512x512xf32>
      %sub3A_389 = arith.subf %mul3A_388, %add3A_385 : vector<512x512xf32>
      %convert_element_type3A_390 = arith.truncf %add3A_354 : vector<512x512xf32> to vector<512x512xbf16>
      %convert_element_type3A_391 = arith.extf %convert_element_type3A_390 : vector<512x512xbf16> to vector<512x512xf32>
      %sub3A_392 = arith.subf %add3A_354, %convert_element_type3A_391 : vector<512x512xf32>
      %convert_element_type3A_393 = arith.truncf %sub3A_392 : vector<512x512xf32> to vector<512x512xbf16>
      %convert_element_type3A_394 = arith.extf %convert_element_type3A_393 : vector<512x512xbf16> to vector<512x512xf32>
      %sub3A_395 = arith.subf %sub3A_392, %convert_element_type3A_394 : vector<512x512xf32>
      %convert_element_type3A_396 = arith.truncf %sub3A_395 : vector<512x512xf32> to vector<512x512xbf16>
      %convert_element_type3A_397 = arith.truncf %sub3A_389 : vector<512x512xf32> to vector<512x512xbf16>
      %convert_element_type3A_398 = arith.extf %convert_element_type3A_397 : vector<512x512xbf16> to vector<512x512xf32>
      %sub3A_399 = arith.subf %sub3A_389, %convert_element_type3A_398 : vector<512x512xf32>
      %convert_element_type3A_400 = arith.truncf %sub3A_399 : vector<512x512xf32> to vector<512x512xbf16>
      %convert_element_type3A_401 = arith.extf %convert_element_type3A_400 : vector<512x512xbf16> to vector<512x512xf32>
      %sub3A_402 = arith.subf %sub3A_399, %convert_element_type3A_401 : vector<512x512xf32>
      %convert_element_type3A_403 = arith.truncf %sub3A_402 : vector<512x512xf32> to vector<512x512xbf16>
      %dot_general3A_404 = arith.constant dense<0.000000e+00> : vector<512x512xf32>
      %dot_general3A_405 = tpu.matmul %convert_element_type3A_390, %convert_element_type3A_397, %dot_general3A_404 {dimension_numbers = #tpu.dot_dimension_numbers<[1], [0], [0], [1], [0, 0, 1, 1], [], []>, transpose_lhs_hint = false} : vector<512x512xbf16>, vector<512x512xbf16>, vector<512x512xf32> -> vector<512x512xf32>
      %dot_general3A_406 = arith.constant dense<0.000000e+00> : vector<512x512xf32>
      %dot_general3A_407 = tpu.matmul %convert_element_type3A_390, %convert_element_type3A_400, %dot_general3A_406 {dimension_numbers = #tpu.dot_dimension_numbers<[1], [0], [0], [1], [0, 0, 1, 1], [], []>, transpose_lhs_hint = false} : vector<512x512xbf16>, vector<512x512xbf16>, vector<512x512xf32> -> vector<512x512xf32>
      %add3A_408 = arith.addf %dot_general3A_405, %dot_general3A_407 : vector<512x512xf32>
      %dot_general3A_409 = arith.constant dense<0.000000e+00> : vector<512x512xf32>
      %dot_general3A_410 = tpu.matmul %convert_element_type3A_393, %convert_element_type3A_397, %dot_general3A_409 {dimension_numbers = #tpu.dot_dimension_numbers<[1], [0], [0], [1], [0, 0, 1, 1], [], []>, transpose_lhs_hint = false} : vector<512x512xbf16>, vector<512x512xbf16>, vector<512x512xf32> -> vector<512x512xf32>
      %add3A_411 = arith.addf %add3A_408, %dot_general3A_410 : vector<512x512xf32>
      %dot_general3A_412 = arith.constant dense<0.000000e+00> : vector<512x512xf32>
      %dot_general3A_413 = tpu.matmul %convert_element_type3A_390, %convert_element_type3A_403, %dot_general3A_412 {dimension_numbers = #tpu.dot_dimension_numbers<[1], [0], [0], [1], [0, 0, 1, 1], [], []>, transpose_lhs_hint = false} : vector<512x512xbf16>, vector<512x512xbf16>, vector<512x512xf32> -> vector<512x512xf32>
      %dot_general3A_414 = arith.constant dense<0.000000e+00> : vector<512x512xf32>
      %dot_general3A_415 = tpu.matmul %convert_element_type3A_396, %convert_element_type3A_397, %dot_general3A_414 {dimension_numbers = #tpu.dot_dimension_numbers<[1], [0], [0], [1], [0, 0, 1, 1], [], []>, transpose_lhs_hint = false} : vector<512x512xbf16>, vector<512x512xbf16>, vector<512x512xf32> -> vector<512x512xf32>
      %add3A_416 = arith.addf %dot_general3A_413, %dot_general3A_415 : vector<512x512xf32>
      %dot_general3A_417 = arith.constant dense<0.000000e+00> : vector<512x512xf32>
      %dot_general3A_418 = tpu.matmul %convert_element_type3A_393, %convert_element_type3A_400, %dot_general3A_417 {dimension_numbers = #tpu.dot_dimension_numbers<[1], [0], [0], [1], [0, 0, 1, 1], [], []>, transpose_lhs_hint = false} : vector<512x512xbf16>, vector<512x512xbf16>, vector<512x512xf32> -> vector<512x512xf32>
      %add3A_419 = arith.addf %add3A_416, %dot_general3A_418 : vector<512x512xf32>
      %add3A_420 = arith.addf %add3A_411, %add3A_419 : vector<512x512xf32>
      %convert_element_type3A_421 = arith.truncf %add3A_156 : vector<512x512xf32> to vector<512x512xbf16>
      %convert_element_type3A_422 = arith.extf %convert_element_type3A_421 : vector<512x512xbf16> to vector<512x512xf32>
      %sub3A_423 = arith.subf %add3A_156, %convert_element_type3A_422 : vector<512x512xf32>
      %convert_element_type3A_424 = arith.truncf %sub3A_423 : vector<512x512xf32> to vector<512x512xbf16>
      %convert_element_type3A_425 = arith.extf %convert_element_type3A_424 : vector<512x512xbf16> to vector<512x512xf32>
      %sub3A_426 = arith.subf %sub3A_423, %convert_element_type3A_425 : vector<512x512xf32>
      %convert_element_type3A_427 = arith.truncf %sub3A_426 : vector<512x512xf32> to vector<512x512xbf16>
      %convert_element_type3A_428 = arith.truncf %add3A_420 : vector<512x512xf32> to vector<512x512xbf16>
      %convert_element_type3A_429 = arith.extf %convert_element_type3A_428 : vector<512x512xbf16> to vector<512x512xf32>
      %sub3A_430 = arith.subf %add3A_420, %convert_element_type3A_429 : vector<512x512xf32>
      %convert_element_type3A_431 = arith.truncf %sub3A_430 : vector<512x512xf32> to vector<512x512xbf16>
      %convert_element_type3A_432 = arith.extf %convert_element_type3A_431 : vector<512x512xbf16> to vector<512x512xf32>
      %sub3A_433 = arith.subf %sub3A_430, %convert_element_type3A_432 : vector<512x512xf32>
      %convert_element_type3A_434 = arith.truncf %sub3A_433 : vector<512x512xf32> to vector<512x512xbf16>
      %dot_general3A_435 = arith.constant dense<0.000000e+00> : vector<512x512xf32>
      %dot_general3A_436 = tpu.matmul %convert_element_type3A_421, %convert_element_type3A_428, %dot_general3A_435 {dimension_numbers = #tpu.dot_dimension_numbers<[1], [0], [0], [1], [0, 0, 1, 1], [], []>, transpose_lhs_hint = false} : vector<512x512xbf16>, vector<512x512xbf16>, vector<512x512xf32> -> vector<512x512xf32>
      %dot_general3A_437 = arith.constant dense<0.000000e+00> : vector<512x512xf32>
      %dot_general3A_438 = tpu.matmul %convert_element_type3A_421, %convert_element_type3A_431, %dot_general3A_437 {dimension_numbers = #tpu.dot_dimension_numbers<[1], [0], [0], [1], [0, 0, 1, 1], [], []>, transpose_lhs_hint = false} : vector<512x512xbf16>, vector<512x512xbf16>, vector<512x512xf32> -> vector<512x512xf32>
      %add3A_439 = arith.addf %dot_general3A_436, %dot_general3A_438 : vector<512x512xf32>
      %dot_general3A_440 = arith.constant dense<0.000000e+00> : vector<512x512xf32>
      %dot_general3A_441 = tpu.matmul %convert_element_type3A_424, %convert_element_type3A_428, %dot_general3A_440 {dimension_numbers = #tpu.dot_dimension_numbers<[1], [0], [0], [1], [0, 0, 1, 1], [], []>, transpose_lhs_hint = false} : vector<512x512xbf16>, vector<512x512xbf16>, vector<512x512xf32> -> vector<512x512xf32>
      %add3A_442 = arith.addf %add3A_439, %dot_general3A_441 : vector<512x512xf32>
      %dot_general3A_443 = arith.constant dense<0.000000e+00> : vector<512x512xf32>
      %dot_general3A_444 = tpu.matmul %convert_element_type3A_421, %convert_element_type3A_434, %dot_general3A_443 {dimension_numbers = #tpu.dot_dimension_numbers<[1], [0], [0], [1], [0, 0, 1, 1], [], []>, transpose_lhs_hint = false} : vector<512x512xbf16>, vector<512x512xbf16>, vector<512x512xf32> -> vector<512x512xf32>
      %dot_general3A_445 = arith.constant dense<0.000000e+00> : vector<512x512xf32>
      %dot_general3A_446 = tpu.matmul %convert_element_type3A_427, %convert_element_type3A_428, %dot_general3A_445 {dimension_numbers = #tpu.dot_dimension_numbers<[1], [0], [0], [1], [0, 0, 1, 1], [], []>, transpose_lhs_hint = false} : vector<512x512xbf16>, vector<512x512xbf16>, vector<512x512xf32> -> vector<512x512xf32>
      %add3A_447 = arith.addf %dot_general3A_444, %dot_general3A_446 : vector<512x512xf32>
      %dot_general3A_448 = arith.constant dense<0.000000e+00> : vector<512x512xf32>
      %dot_general3A_449 = tpu.matmul %convert_element_type3A_424, %convert_element_type3A_431, %dot_general3A_448 {dimension_numbers = #tpu.dot_dimension_numbers<[1], [0], [0], [1], [0, 0, 1, 1], [], []>, transpose_lhs_hint = false} : vector<512x512xbf16>, vector<512x512xbf16>, vector<512x512xf32> -> vector<512x512xf32>
      %add3A_450 = arith.addf %add3A_447, %dot_general3A_449 : vector<512x512xf32>
      %add3A_451 = arith.addf %add3A_442, %add3A_450 : vector<512x512xf32>
      %mul3A_452 = arith.constant 2.000000e+00 : f32
      %mul3A_453 = vector.broadcast %mul3A_452 : f32 to vector<512x512xf32>
      %mul3A_454 = arith.mulf %mul3A_453, %convert_element_type3A_149 : vector<512x512xf32>
      %sub3A_455 = arith.subf %mul3A_454, %add3A_451 : vector<512x512xf32>
      %convert_element_type3A_456 = arith.truncf %add3A_420 : vector<512x512xf32> to vector<512x512xbf16>
      %convert_element_type3A_457 = arith.extf %convert_element_type3A_456 : vector<512x512xbf16> to vector<512x512xf32>
      %sub3A_458 = arith.subf %add3A_420, %convert_element_type3A_457 : vector<512x512xf32>
      %convert_element_type3A_459 = arith.truncf %sub3A_458 : vector<512x512xf32> to vector<512x512xbf16>
      %convert_element_type3A_460 = arith.extf %convert_element_type3A_459 : vector<512x512xbf16> to vector<512x512xf32>
      %sub3A_461 = arith.subf %sub3A_458, %convert_element_type3A_460 : vector<512x512xf32>
      %convert_element_type3A_462 = arith.truncf %sub3A_461 : vector<512x512xf32> to vector<512x512xbf16>
      %convert_element_type3A_463 = arith.truncf %sub3A_455 : vector<512x512xf32> to vector<512x512xbf16>
      %convert_element_type3A_464 = arith.extf %convert_element_type3A_463 : vector<512x512xbf16> to vector<512x512xf32>
      %sub3A_465 = arith.subf %sub3A_455, %convert_element_type3A_464 : vector<512x512xf32>
      %convert_element_type3A_466 = arith.truncf %sub3A_465 : vector<512x512xf32> to vector<512x512xbf16>
      %convert_element_type3A_467 = arith.extf %convert_element_type3A_466 : vector<512x512xbf16> to vector<512x512xf32>
      %sub3A_468 = arith.subf %sub3A_465, %convert_element_type3A_467 : vector<512x512xf32>
      %convert_element_type3A_469 = arith.truncf %sub3A_468 : vector<512x512xf32> to vector<512x512xbf16>
      %dot_general3A_470 = arith.constant dense<0.000000e+00> : vector<512x512xf32>
      %dot_general3A_471 = tpu.matmul %convert_element_type3A_456, %convert_element_type3A_463, %dot_general3A_470 {dimension_numbers = #tpu.dot_dimension_numbers<[1], [0], [0], [1], [0, 0, 1, 1], [], []>, transpose_lhs_hint = false} : vector<512x512xbf16>, vector<512x512xbf16>, vector<512x512xf32> -> vector<512x512xf32>
      %dot_general3A_472 = arith.constant dense<0.000000e+00> : vector<512x512xf32>
      %dot_general3A_473 = tpu.matmul %convert_element_type3A_456, %convert_element_type3A_466, %dot_general3A_472 {dimension_numbers = #tpu.dot_dimension_numbers<[1], [0], [0], [1], [0, 0, 1, 1], [], []>, transpose_lhs_hint = false} : vector<512x512xbf16>, vector<512x512xbf16>, vector<512x512xf32> -> vector<512x512xf32>
      %add3A_474 = arith.addf %dot_general3A_471, %dot_general3A_473 : vector<512x512xf32>
      %dot_general3A_475 = arith.constant dense<0.000000e+00> : vector<512x512xf32>
      %dot_general3A_476 = tpu.matmul %convert_element_type3A_459, %convert_element_type3A_463, %dot_general3A_475 {dimension_numbers = #tpu.dot_dimension_numbers<[1], [0], [0], [1], [0, 0, 1, 1], [], []>, transpose_lhs_hint = false} : vector<512x512xbf16>, vector<512x512xbf16>, vector<512x512xf32> -> vector<512x512xf32>
      %add3A_477 = arith.addf %add3A_474, %dot_general3A_476 : vector<512x512xf32>
      %dot_general3A_478 = arith.constant dense<0.000000e+00> : vector<512x512xf32>
      %dot_general3A_479 = tpu.matmul %convert_element_type3A_456, %convert_element_type3A_469, %dot_general3A_478 {dimension_numbers = #tpu.dot_dimension_numbers<[1], [0], [0], [1], [0, 0, 1, 1], [], []>, transpose_lhs_hint = false} : vector<512x512xbf16>, vector<512x512xbf16>, vector<512x512xf32> -> vector<512x512xf32>
      %dot_general3A_480 = arith.constant dense<0.000000e+00> : vector<512x512xf32>
      %dot_general3A_481 = tpu.matmul %convert_element_type3A_462, %convert_element_type3A_463, %dot_general3A_480 {dimension_numbers = #tpu.dot_dimension_numbers<[1], [0], [0], [1], [0, 0, 1, 1], [], []>, transpose_lhs_hint = false} : vector<512x512xbf16>, vector<512x512xbf16>, vector<512x512xf32> -> vector<512x512xf32>
      %add3A_482 = arith.addf %dot_general3A_479, %dot_general3A_481 : vector<512x512xf32>
      %dot_general3A_483 = arith.constant dense<0.000000e+00> : vector<512x512xf32>
      %dot_general3A_484 = tpu.matmul %convert_element_type3A_459, %convert_element_type3A_466, %dot_general3A_483 {dimension_numbers = #tpu.dot_dimension_numbers<[1], [0], [0], [1], [0, 0, 1, 1], [], []>, transpose_lhs_hint = false} : vector<512x512xbf16>, vector<512x512xbf16>, vector<512x512xf32> -> vector<512x512xf32>
      %add3A_485 = arith.addf %add3A_482, %dot_general3A_484 : vector<512x512xf32>
      %add3A_486 = arith.addf %add3A_477, %add3A_485 : vector<512x512xf32>
      %convert_element_type3A_487 = arith.truncf %add3A_156 : vector<512x512xf32> to vector<512x512xbf16>
      %convert_element_type3A_488 = arith.extf %convert_element_type3A_487 : vector<512x512xbf16> to vector<512x512xf32>
      %sub3A_489 = arith.subf %add3A_156, %convert_element_type3A_488 : vector<512x512xf32>
      %convert_element_type3A_490 = arith.truncf %sub3A_489 : vector<512x512xf32> to vector<512x512xbf16>
      %convert_element_type3A_491 = arith.extf %convert_element_type3A_490 : vector<512x512xbf16> to vector<512x512xf32>
      %sub3A_492 = arith.subf %sub3A_489, %convert_element_type3A_491 : vector<512x512xf32>
      %convert_element_type3A_493 = arith.truncf %sub3A_492 : vector<512x512xf32> to vector<512x512xbf16>
      %convert_element_type3A_494 = arith.truncf %add3A_486 : vector<512x512xf32> to vector<512x512xbf16>
      %convert_element_type3A_495 = arith.extf %convert_element_type3A_494 : vector<512x512xbf16> to vector<512x512xf32>
      %sub3A_496 = arith.subf %add3A_486, %convert_element_type3A_495 : vector<512x512xf32>
      %convert_element_type3A_497 = arith.truncf %sub3A_496 : vector<512x512xf32> to vector<512x512xbf16>
      %convert_element_type3A_498 = arith.extf %convert_element_type3A_497 : vector<512x512xbf16> to vector<512x512xf32>
      %sub3A_499 = arith.subf %sub3A_496, %convert_element_type3A_498 : vector<512x512xf32>
      %convert_element_type3A_500 = arith.truncf %sub3A_499 : vector<512x512xf32> to vector<512x512xbf16>
      %dot_general3A_501 = arith.constant dense<0.000000e+00> : vector<512x512xf32>
      %dot_general3A_502 = tpu.matmul %convert_element_type3A_487, %convert_element_type3A_494, %dot_general3A_501 {dimension_numbers = #tpu.dot_dimension_numbers<[1], [0], [0], [1], [0, 0, 1, 1], [], []>, transpose_lhs_hint = false} : vector<512x512xbf16>, vector<512x512xbf16>, vector<512x512xf32> -> vector<512x512xf32>
      %dot_general3A_503 = arith.constant dense<0.000000e+00> : vector<512x512xf32>
      %dot_general3A_504 = tpu.matmul %convert_element_type3A_487, %convert_element_type3A_497, %dot_general3A_503 {dimension_numbers = #tpu.dot_dimension_numbers<[1], [0], [0], [1], [0, 0, 1, 1], [], []>, transpose_lhs_hint = false} : vector<512x512xbf16>, vector<512x512xbf16>, vector<512x512xf32> -> vector<512x512xf32>
      %add3A_505 = arith.addf %dot_general3A_502, %dot_general3A_504 : vector<512x512xf32>
      %dot_general3A_506 = arith.constant dense<0.000000e+00> : vector<512x512xf32>
      %dot_general3A_507 = tpu.matmul %convert_element_type3A_490, %convert_element_type3A_494, %dot_general3A_506 {dimension_numbers = #tpu.dot_dimension_numbers<[1], [0], [0], [1], [0, 0, 1, 1], [], []>, transpose_lhs_hint = false} : vector<512x512xbf16>, vector<512x512xbf16>, vector<512x512xf32> -> vector<512x512xf32>
      %add3A_508 = arith.addf %add3A_505, %dot_general3A_507 : vector<512x512xf32>
      %dot_general3A_509 = arith.constant dense<0.000000e+00> : vector<512x512xf32>
      %dot_general3A_510 = tpu.matmul %convert_element_type3A_487, %convert_element_type3A_500, %dot_general3A_509 {dimension_numbers = #tpu.dot_dimension_numbers<[1], [0], [0], [1], [0, 0, 1, 1], [], []>, transpose_lhs_hint = false} : vector<512x512xbf16>, vector<512x512xbf16>, vector<512x512xf32> -> vector<512x512xf32>
      %dot_general3A_511 = arith.constant dense<0.000000e+00> : vector<512x512xf32>
      %dot_general3A_512 = tpu.matmul %convert_element_type3A_493, %convert_element_type3A_494, %dot_general3A_511 {dimension_numbers = #tpu.dot_dimension_numbers<[1], [0], [0], [1], [0, 0, 1, 1], [], []>, transpose_lhs_hint = false} : vector<512x512xbf16>, vector<512x512xbf16>, vector<512x512xf32> -> vector<512x512xf32>
      %add3A_513 = arith.addf %dot_general3A_510, %dot_general3A_512 : vector<512x512xf32>
      %dot_general3A_514 = arith.constant dense<0.000000e+00> : vector<512x512xf32>
      %dot_general3A_515 = tpu.matmul %convert_element_type3A_490, %convert_element_type3A_497, %dot_general3A_514 {dimension_numbers = #tpu.dot_dimension_numbers<[1], [0], [0], [1], [0, 0, 1, 1], [], []>, transpose_lhs_hint = false} : vector<512x512xbf16>, vector<512x512xbf16>, vector<512x512xf32> -> vector<512x512xf32>
      %add3A_516 = arith.addf %add3A_513, %dot_general3A_515 : vector<512x512xf32>
      %add3A_517 = arith.addf %add3A_508, %add3A_516 : vector<512x512xf32>
      %mul3A_518 = arith.constant 2.000000e+00 : f32
      %mul3A_519 = vector.broadcast %mul3A_518 : f32 to vector<512x512xf32>
      %mul3A_520 = arith.mulf %mul3A_519, %convert_element_type3A_149 : vector<512x512xf32>
      %sub3A_521 = arith.subf %mul3A_520, %add3A_517 : vector<512x512xf32>
      %convert_element_type3A_522 = arith.truncf %add3A_486 : vector<512x512xf32> to vector<512x512xbf16>
      %convert_element_type3A_523 = arith.extf %convert_element_type3A_522 : vector<512x512xbf16> to vector<512x512xf32>
      %sub3A_524 = arith.subf %add3A_486, %convert_element_type3A_523 : vector<512x512xf32>
      %convert_element_type3A_525 = arith.truncf %sub3A_524 : vector<512x512xf32> to vector<512x512xbf16>
      %convert_element_type3A_526 = arith.extf %convert_element_type3A_525 : vector<512x512xbf16> to vector<512x512xf32>
      %sub3A_527 = arith.subf %sub3A_524, %convert_element_type3A_526 : vector<512x512xf32>
      %convert_element_type3A_528 = arith.truncf %sub3A_527 : vector<512x512xf32> to vector<512x512xbf16>
      %convert_element_type3A_529 = arith.truncf %sub3A_521 : vector<512x512xf32> to vector<512x512xbf16>
      %convert_element_type3A_530 = arith.extf %convert_element_type3A_529 : vector<512x512xbf16> to vector<512x512xf32>
      %sub3A_531 = arith.subf %sub3A_521, %convert_element_type3A_530 : vector<512x512xf32>
      %convert_element_type3A_532 = arith.truncf %sub3A_531 : vector<512x512xf32> to vector<512x512xbf16>
      %convert_element_type3A_533 = arith.extf %convert_element_type3A_532 : vector<512x512xbf16> to vector<512x512xf32>
      %sub3A_534 = arith.subf %sub3A_531, %convert_element_type3A_533 : vector<512x512xf32>
      %convert_element_type3A_535 = arith.truncf %sub3A_534 : vector<512x512xf32> to vector<512x512xbf16>
      %dot_general3A_536 = arith.constant dense<0.000000e+00> : vector<512x512xf32>
      %dot_general3A_537 = tpu.matmul %convert_element_type3A_522, %convert_element_type3A_529, %dot_general3A_536 {dimension_numbers = #tpu.dot_dimension_numbers<[1], [0], [0], [1], [0, 0, 1, 1], [], []>, transpose_lhs_hint = false} : vector<512x512xbf16>, vector<512x512xbf16>, vector<512x512xf32> -> vector<512x512xf32>
      %dot_general3A_538 = arith.constant dense<0.000000e+00> : vector<512x512xf32>
      %dot_general3A_539 = tpu.matmul %convert_element_type3A_522, %convert_element_type3A_532, %dot_general3A_538 {dimension_numbers = #tpu.dot_dimension_numbers<[1], [0], [0], [1], [0, 0, 1, 1], [], []>, transpose_lhs_hint = false} : vector<512x512xbf16>, vector<512x512xbf16>, vector<512x512xf32> -> vector<512x512xf32>
      %add3A_540 = arith.addf %dot_general3A_537, %dot_general3A_539 : vector<512x512xf32>
      %dot_general3A_541 = arith.constant dense<0.000000e+00> : vector<512x512xf32>
      %dot_general3A_542 = tpu.matmul %convert_element_type3A_525, %convert_element_type3A_529, %dot_general3A_541 {dimension_numbers = #tpu.dot_dimension_numbers<[1], [0], [0], [1], [0, 0, 1, 1], [], []>, transpose_lhs_hint = false} : vector<512x512xbf16>, vector<512x512xbf16>, vector<512x512xf32> -> vector<512x512xf32>
      %add3A_543 = arith.addf %add3A_540, %dot_general3A_542 : vector<512x512xf32>
      %dot_general3A_544 = arith.constant dense<0.000000e+00> : vector<512x512xf32>
      %dot_general3A_545 = tpu.matmul %convert_element_type3A_522, %convert_element_type3A_535, %dot_general3A_544 {dimension_numbers = #tpu.dot_dimension_numbers<[1], [0], [0], [1], [0, 0, 1, 1], [], []>, transpose_lhs_hint = false} : vector<512x512xbf16>, vector<512x512xbf16>, vector<512x512xf32> -> vector<512x512xf32>
      %dot_general3A_546 = arith.constant dense<0.000000e+00> : vector<512x512xf32>
      %dot_general3A_547 = tpu.matmul %convert_element_type3A_528, %convert_element_type3A_529, %dot_general3A_546 {dimension_numbers = #tpu.dot_dimension_numbers<[1], [0], [0], [1], [0, 0, 1, 1], [], []>, transpose_lhs_hint = false} : vector<512x512xbf16>, vector<512x512xbf16>, vector<512x512xf32> -> vector<512x512xf32>
      %add3A_548 = arith.addf %dot_general3A_545, %dot_general3A_547 : vector<512x512xf32>
      %dot_general3A_549 = arith.constant dense<0.000000e+00> : vector<512x512xf32>
      %dot_general3A_550 = tpu.matmul %convert_element_type3A_525, %convert_element_type3A_532, %dot_general3A_549 {dimension_numbers = #tpu.dot_dimension_numbers<[1], [0], [0], [1], [0, 0, 1, 1], [], []>, transpose_lhs_hint = false} : vector<512x512xbf16>, vector<512x512xbf16>, vector<512x512xf32> -> vector<512x512xf32>
      %add3A_551 = arith.addf %add3A_548, %dot_general3A_550 : vector<512x512xf32>
      %add3A_552 = arith.addf %add3A_543, %add3A_551 : vector<512x512xf32>
      %get3A_553 = arith.constant 0 : index
      %get3A_554 = arith.constant 0 : index
      %get3A_555 = vector.load %arg3[%get3A_553, %get3A_554] : memref<1x25xf32, #tpu.memory_space<vmem>>, vector<1x25xf32>
      %exp3A = math.exp %get3A_555 : vector<1x25xf32>
      %reduce_sum3A_556 = vector.shape_cast %exp3A : vector<1x25xf32> to vector<1x1x25xf32>
      %reduce_sum3A_557 = arith.constant dense<0.000000e+00> : vector<1xf32>
      %reduce_sum3A_558 = vector.multi_reduction <add>, %reduce_sum3A_556, %reduce_sum3A_557 [1, 2] : vector<1x1x25xf32> to vector<1xf32>
      %reduce_sum3A_559 = vector.shape_cast %reduce_sum3A_558 : vector<1xf32> to vector<1x1x1xf32>
      %reduce_sum3A_560 = vector.extract %reduce_sum3A_559[0, 0, 0] : f32 from vector<1x1x1xf32>
      %div3A_561 = arith.constant 2.500000e+01 : f32
      %div3A_562 = arith.divf %reduce_sum3A_560, %div3A_561 : f32
      %div3A_563 = arith.constant 1.000000e+00 : f32
      %div3A_564 = arith.divf %div3A_562, %div3A_563 : f32
      %broadcast_in_dim3A_565 = arith.constant 0.000000e+00 : f32
      %broadcast_in_dim3A_566 = vector.broadcast %broadcast_in_dim3A_565 : f32 to vector<512x512xf32>
      %broadcast_in_dim3A_567 = arith.constant 0.000000e+00 : f32
      %broadcast_in_dim3A_568 = vector.broadcast %broadcast_in_dim3A_567 : f32 to vector<512x512xf32>
      %sub3A_569 = arith.subf %broadcast_in_dim3A_566, %broadcast_in_dim3A_568 : vector<512x512xf32>
      %mul3A_570 = arith.constant 1.000000e+00 : f32
      %mul3A_571 = vector.broadcast %mul3A_570 : f32 to vector<512x512xf32>
      %mul3A_572 = arith.mulf %mul3A_571, %sub3A_569 : vector<512x512xf32>
      %add3A_573 = arith.addf %dot_general3A_83, %mul3A_572 : vector<512x512xf32>
      %convert_element_type3A_574 = arith.truncf %add3A_552 : vector<512x512xf32> to vector<512x512xbf16>
      %convert_element_type3A_575 = arith.truncf %add3A_573 : vector<512x512xf32> to vector<512x512xbf16>
      %dot_general3A_576 = arith.constant dense<0.000000e+00> : vector<512x512xf32>
      %dot_general3A_577 = tpu.matmul %convert_element_type3A_574, %convert_element_type3A_575, %dot_general3A_576 {dimension_numbers = #tpu.dot_dimension_numbers<[1], [0], [0], [1], [0, 0, 1, 1], [], []>, transpose_lhs_hint = false} : vector<512x512xbf16>, vector<512x512xbf16>, vector<512x512xf32> -> vector<512x512xf32>
      %add3A_578 = arith.addf %dot_general3A_577, %broadcast_in_dim3A_568 : vector<512x512xf32>
      %sign3A = tpu.bitcast %add3A_578 : vector<512x512xf32> -> vector<512x512xi32>
      %sign3A_579 = arith.constant -2147483648 : i32
      %sign3A_580 = vector.broadcast %sign3A_579 : i32 to vector<512x512xi32>
      %sign3A_581 = arith.andi %sign3A, %sign3A_580 : vector<512x512xi32>
      %sign3A_582 = arith.constant 1065353216 : i32
      %sign3A_583 = vector.broadcast %sign3A_582 : i32 to vector<512x512xi32>
      %sign3A_584 = arith.ori %sign3A_583, %sign3A_581 : vector<512x512xi32>
      %sign3A_585 = tpu.bitcast %sign3A_584 : vector<512x512xi32> -> vector<512x512xf32>
      %sign3A_586 = math.absf %add3A_578 : vector<512x512xf32>
      %sign3A_587 = arith.constant 0.000000e+00 : f32
      %sign3A_588 = vector.broadcast %sign3A_587 : f32 to vector<512x512xf32>
      %sign3A_589 = arith.cmpf ogt, %sign3A_586, %sign3A_588 : vector<512x512xf32>
      %sign3A_590 = arith.select %sign3A_589, %sign3A_585, %add3A_578 : vector<512x512xi1>, vector<512x512xf32>
      %abs3A = math.absf %add3A_578 : vector<512x512xf32>
      %sub3A_591 = vector.broadcast %div3A_564 : f32 to vector<512x512xf32>
      %sub3A_592 = arith.subf %abs3A, %sub3A_591 : vector<512x512xf32>
      %max3A_593 = arith.constant 0.000000e+00 : f32
      %max3A_594 = vector.broadcast %max3A_593 : f32 to vector<512x512xf32>
      %max3A_595 = arith.maximumf %sub3A_592, %max3A_594 : vector<512x512xf32>
      %mul3A_596 = arith.mulf %sign3A_590, %max3A_595 : vector<512x512xf32>
      %add3A_597 = arith.addf %broadcast_in_dim3A_568, %dot_general3A_577 : vector<512x512xf32>
      %sub3A_598 = arith.subf %add3A_597, %mul3A_596 : vector<512x512xf32>
      %sub3A_599 = arith.subf %mul3A_596, %sub3A_598 : vector<512x512xf32>
      %mul3A_600 = arith.constant 1.000000e+00 : f32
      %mul3A_601 = vector.broadcast %mul3A_600 : f32 to vector<512x512xf32>
      %mul3A_602 = arith.mulf %mul3A_601, %sub3A_599 : vector<512x512xf32>
      %add3A_603 = arith.addf %dot_general3A_83, %mul3A_602 : vector<512x512xf32>
      %convert_element_type3A_604 = arith.truncf %add3A_552 : vector<512x512xf32> to vector<512x512xbf16>
      %convert_element_type3A_605 = arith.truncf %add3A_603 : vector<512x512xf32> to vector<512x512xbf16>
      %dot_general3A_606 = arith.constant dense<0.000000e+00> : vector<512x512xf32>
      %dot_general3A_607 = tpu.matmul %convert_element_type3A_604, %convert_element_type3A_605, %dot_general3A_606 {dimension_numbers = #tpu.dot_dimension_numbers<[1], [0], [0], [1], [0, 0, 1, 1], [], []>, transpose_lhs_hint = false} : vector<512x512xbf16>, vector<512x512xbf16>, vector<512x512xf32> -> vector<512x512xf32>
      %add3A_608 = arith.addf %dot_general3A_607, %sub3A_598 : vector<512x512xf32>
      %sign3A_609 = tpu.bitcast %add3A_608 : vector<512x512xf32> -> vector<512x512xi32>
      %sign3A_610 = arith.constant -2147483648 : i32
      %sign3A_611 = vector.broadcast %sign3A_610 : i32 to vector<512x512xi32>
      %sign3A_612 = arith.andi %sign3A_609, %sign3A_611 : vector<512x512xi32>
      %sign3A_613 = arith.constant 1065353216 : i32
      %sign3A_614 = vector.broadcast %sign3A_613 : i32 to vector<512x512xi32>
      %sign3A_615 = arith.ori %sign3A_614, %sign3A_612 : vector<512x512xi32>
      %sign3A_616 = tpu.bitcast %sign3A_615 : vector<512x512xi32> -> vector<512x512xf32>
      %sign3A_617 = math.absf %add3A_608 : vector<512x512xf32>
      %sign3A_618 = arith.constant 0.000000e+00 : f32
      %sign3A_619 = vector.broadcast %sign3A_618 : f32 to vector<512x512xf32>
      %sign3A_620 = arith.cmpf ogt, %sign3A_617, %sign3A_619 : vector<512x512xf32>
      %sign3A_621 = arith.select %sign3A_620, %sign3A_616, %add3A_608 : vector<512x512xi1>, vector<512x512xf32>
      %abs3A_622 = math.absf %add3A_608 : vector<512x512xf32>
      %sub3A_623 = vector.broadcast %div3A_564 : f32 to vector<512x512xf32>
      %sub3A_624 = arith.subf %abs3A_622, %sub3A_623 : vector<512x512xf32>
      %max3A_625 = arith.constant 0.000000e+00 : f32
      %max3A_626 = vector.broadcast %max3A_625 : f32 to vector<512x512xf32>
      %max3A_627 = arith.maximumf %sub3A_624, %max3A_626 : vector<512x512xf32>
      %mul3A_628 = arith.mulf %sign3A_621, %max3A_627 : vector<512x512xf32>
      %add3A_629 = arith.addf %sub3A_598, %dot_general3A_607 : vector<512x512xf32>
      %sub3A_630 = arith.subf %add3A_629, %mul3A_628 : vector<512x512xf32>
      %sub3A_631 = arith.subf %mul3A_628, %sub3A_630 : vector<512x512xf32>
      %mul3A_632 = arith.constant 1.000000e+00 : f32
      %mul3A_633 = vector.broadcast %mul3A_632 : f32 to vector<512x512xf32>
      %mul3A_634 = arith.mulf %mul3A_633, %sub3A_631 : vector<512x512xf32>
      %add3A_635 = arith.addf %dot_general3A_83, %mul3A_634 : vector<512x512xf32>
      %convert_element_type3A_636 = arith.truncf %add3A_552 : vector<512x512xf32> to vector<512x512xbf16>
      %convert_element_type3A_637 = arith.truncf %add3A_635 : vector<512x512xf32> to vector<512x512xbf16>
      %dot_general3A_638 = arith.constant dense<0.000000e+00> : vector<512x512xf32>
      %dot_general3A_639 = tpu.matmul %convert_element_type3A_636, %convert_element_type3A_637, %dot_general3A_638 {dimension_numbers = #tpu.dot_dimension_numbers<[1], [0], [0], [1], [0, 0, 1, 1], [], []>, transpose_lhs_hint = false} : vector<512x512xbf16>, vector<512x512xbf16>, vector<512x512xf32> -> vector<512x512xf32>
      %add3A_640 = arith.addf %dot_general3A_639, %sub3A_630 : vector<512x512xf32>
      %sign3A_641 = tpu.bitcast %add3A_640 : vector<512x512xf32> -> vector<512x512xi32>
      %sign3A_642 = arith.constant -2147483648 : i32
      %sign3A_643 = vector.broadcast %sign3A_642 : i32 to vector<512x512xi32>
      %sign3A_644 = arith.andi %sign3A_641, %sign3A_643 : vector<512x512xi32>
      %sign3A_645 = arith.constant 1065353216 : i32
      %sign3A_646 = vector.broadcast %sign3A_645 : i32 to vector<512x512xi32>
      %sign3A_647 = arith.ori %sign3A_646, %sign3A_644 : vector<512x512xi32>
      %sign3A_648 = tpu.bitcast %sign3A_647 : vector<512x512xi32> -> vector<512x512xf32>
      %sign3A_649 = math.absf %add3A_640 : vector<512x512xf32>
      %sign3A_650 = arith.constant 0.000000e+00 : f32
      %sign3A_651 = vector.broadcast %sign3A_650 : f32 to vector<512x512xf32>
      %sign3A_652 = arith.cmpf ogt, %sign3A_649, %sign3A_651 : vector<512x512xf32>
      %sign3A_653 = arith.select %sign3A_652, %sign3A_648, %add3A_640 : vector<512x512xi1>, vector<512x512xf32>
      %abs3A_654 = math.absf %add3A_640 : vector<512x512xf32>
      %sub3A_655 = vector.broadcast %div3A_564 : f32 to vector<512x512xf32>
      %sub3A_656 = arith.subf %abs3A_654, %sub3A_655 : vector<512x512xf32>
      %max3A_657 = arith.constant 0.000000e+00 : f32
      %max3A_658 = vector.broadcast %max3A_657 : f32 to vector<512x512xf32>
      %max3A_659 = arith.maximumf %sub3A_656, %max3A_658 : vector<512x512xf32>
      %mul3A_660 = arith.mulf %sign3A_653, %max3A_659 : vector<512x512xf32>
      %add3A_661 = arith.addf %sub3A_630, %dot_general3A_639 : vector<512x512xf32>
      %sub3A_662 = arith.subf %add3A_661, %mul3A_660 : vector<512x512xf32>
      %sub3A_663 = arith.subf %mul3A_660, %sub3A_662 : vector<512x512xf32>
      %mul3A_664 = arith.constant 1.000000e+00 : f32
      %mul3A_665 = vector.broadcast %mul3A_664 : f32 to vector<512x512xf32>
      %mul3A_666 = arith.mulf %mul3A_665, %sub3A_663 : vector<512x512xf32>
      %add3A_667 = arith.addf %dot_general3A_83, %mul3A_666 : vector<512x512xf32>
      %convert_element_type3A_668 = arith.truncf %add3A_552 : vector<512x512xf32> to vector<512x512xbf16>
      %convert_element_type3A_669 = arith.truncf %add3A_667 : vector<512x512xf32> to vector<512x512xbf16>
      %dot_general3A_670 = arith.constant dense<0.000000e+00> : vector<512x512xf32>
      %dot_general3A_671 = tpu.matmul %convert_element_type3A_668, %convert_element_type3A_669, %dot_general3A_670 {dimension_numbers = #tpu.dot_dimension_numbers<[1], [0], [0], [1], [0, 0, 1, 1], [], []>, transpose_lhs_hint = false} : vector<512x512xbf16>, vector<512x512xbf16>, vector<512x512xf32> -> vector<512x512xf32>
      %add3A_672 = arith.addf %dot_general3A_671, %sub3A_662 : vector<512x512xf32>
      %sign3A_673 = tpu.bitcast %add3A_672 : vector<512x512xf32> -> vector<512x512xi32>
      %sign3A_674 = arith.constant -2147483648 : i32
      %sign3A_675 = vector.broadcast %sign3A_674 : i32 to vector<512x512xi32>
      %sign3A_676 = arith.andi %sign3A_673, %sign3A_675 : vector<512x512xi32>
      %sign3A_677 = arith.constant 1065353216 : i32
      %sign3A_678 = vector.broadcast %sign3A_677 : i32 to vector<512x512xi32>
      %sign3A_679 = arith.ori %sign3A_678, %sign3A_676 : vector<512x512xi32>
      %sign3A_680 = tpu.bitcast %sign3A_679 : vector<512x512xi32> -> vector<512x512xf32>
      %sign3A_681 = math.absf %add3A_672 : vector<512x512xf32>
      %sign3A_682 = arith.constant 0.000000e+00 : f32
      %sign3A_683 = vector.broadcast %sign3A_682 : f32 to vector<512x512xf32>
      %sign3A_684 = arith.cmpf ogt, %sign3A_681, %sign3A_683 : vector<512x512xf32>
      %sign3A_685 = arith.select %sign3A_684, %sign3A_680, %add3A_672 : vector<512x512xi1>, vector<512x512xf32>
      %abs3A_686 = math.absf %add3A_672 : vector<512x512xf32>
      %sub3A_687 = vector.broadcast %div3A_564 : f32 to vector<512x512xf32>
      %sub3A_688 = arith.subf %abs3A_686, %sub3A_687 : vector<512x512xf32>
      %max3A_689 = arith.constant 0.000000e+00 : f32
      %max3A_690 = vector.broadcast %max3A_689 : f32 to vector<512x512xf32>
      %max3A_691 = arith.maximumf %sub3A_688, %max3A_690 : vector<512x512xf32>
      %mul3A_692 = arith.mulf %sign3A_685, %max3A_691 : vector<512x512xf32>
      %add3A_693 = arith.addf %sub3A_662, %dot_general3A_671 : vector<512x512xf32>
      %sub3A_694 = arith.subf %add3A_693, %mul3A_692 : vector<512x512xf32>
      %sub3A_695 = arith.subf %mul3A_692, %sub3A_694 : vector<512x512xf32>
      %mul3A_696 = arith.constant 1.000000e+00 : f32
      %mul3A_697 = vector.broadcast %mul3A_696 : f32 to vector<512x512xf32>
      %mul3A_698 = arith.mulf %mul3A_697, %sub3A_695 : vector<512x512xf32>
      %add3A_699 = arith.addf %dot_general3A_83, %mul3A_698 : vector<512x512xf32>
      %convert_element_type3A_700 = arith.truncf %add3A_552 : vector<512x512xf32> to vector<512x512xbf16>
      %convert_element_type3A_701 = arith.truncf %add3A_699 : vector<512x512xf32> to vector<512x512xbf16>
      %dot_general3A_702 = arith.constant dense<0.000000e+00> : vector<512x512xf32>
      %dot_general3A_703 = tpu.matmul %convert_element_type3A_700, %convert_element_type3A_701, %dot_general3A_702 {dimension_numbers = #tpu.dot_dimension_numbers<[1], [0], [0], [1], [0, 0, 1, 1], [], []>, transpose_lhs_hint = false} : vector<512x512xbf16>, vector<512x512xbf16>, vector<512x512xf32> -> vector<512x512xf32>
      %add3A_704 = arith.addf %dot_general3A_703, %sub3A_694 : vector<512x512xf32>
      %sign3A_705 = tpu.bitcast %add3A_704 : vector<512x512xf32> -> vector<512x512xi32>
      %sign3A_706 = arith.constant -2147483648 : i32
      %sign3A_707 = vector.broadcast %sign3A_706 : i32 to vector<512x512xi32>
      %sign3A_708 = arith.andi %sign3A_705, %sign3A_707 : vector<512x512xi32>
      %sign3A_709 = arith.constant 1065353216 : i32
      %sign3A_710 = vector.broadcast %sign3A_709 : i32 to vector<512x512xi32>
      %sign3A_711 = arith.ori %sign3A_710, %sign3A_708 : vector<512x512xi32>
      %sign3A_712 = tpu.bitcast %sign3A_711 : vector<512x512xi32> -> vector<512x512xf32>
      %sign3A_713 = math.absf %add3A_704 : vector<512x512xf32>
      %sign3A_714 = arith.constant 0.000000e+00 : f32
      %sign3A_715 = vector.broadcast %sign3A_714 : f32 to vector<512x512xf32>
      %sign3A_716 = arith.cmpf ogt, %sign3A_713, %sign3A_715 : vector<512x512xf32>
      %sign3A_717 = arith.select %sign3A_716, %sign3A_712, %add3A_704 : vector<512x512xi1>, vector<512x512xf32>
      %abs3A_718 = math.absf %add3A_704 : vector<512x512xf32>
      %sub3A_719 = vector.broadcast %div3A_564 : f32 to vector<512x512xf32>
      %sub3A_720 = arith.subf %abs3A_718, %sub3A_719 : vector<512x512xf32>
      %max3A_721 = arith.constant 0.000000e+00 : f32
      %max3A_722 = vector.broadcast %max3A_721 : f32 to vector<512x512xf32>
      %max3A_723 = arith.maximumf %sub3A_720, %max3A_722 : vector<512x512xf32>
      %mul3A_724 = arith.mulf %sign3A_717, %max3A_723 : vector<512x512xf32>
      %add3A_725 = arith.addf %sub3A_694, %dot_general3A_703 : vector<512x512xf32>
      %sub3A_726 = arith.subf %add3A_725, %mul3A_724 : vector<512x512xf32>
      %sub3A_727 = arith.subf %mul3A_724, %sub3A_726 : vector<512x512xf32>
      %mul3A_728 = arith.constant 1.000000e+00 : f32
      %mul3A_729 = vector.broadcast %mul3A_728 : f32 to vector<512x512xf32>
      %mul3A_730 = arith.mulf %mul3A_729, %sub3A_727 : vector<512x512xf32>
      %add3A_731 = arith.addf %dot_general3A_83, %mul3A_730 : vector<512x512xf32>
      %convert_element_type3A_732 = arith.truncf %add3A_552 : vector<512x512xf32> to vector<512x512xbf16>
      %convert_element_type3A_733 = arith.truncf %add3A_731 : vector<512x512xf32> to vector<512x512xbf16>
      %dot_general3A_734 = arith.constant dense<0.000000e+00> : vector<512x512xf32>
      %dot_general3A_735 = tpu.matmul %convert_element_type3A_732, %convert_element_type3A_733, %dot_general3A_734 {dimension_numbers = #tpu.dot_dimension_numbers<[1], [0], [0], [1], [0, 0, 1, 1], [], []>, transpose_lhs_hint = false} : vector<512x512xbf16>, vector<512x512xbf16>, vector<512x512xf32> -> vector<512x512xf32>
      %add3A_736 = arith.addf %dot_general3A_735, %sub3A_726 : vector<512x512xf32>
      %sign3A_737 = tpu.bitcast %add3A_736 : vector<512x512xf32> -> vector<512x512xi32>
      %sign3A_738 = arith.constant -2147483648 : i32
      %sign3A_739 = vector.broadcast %sign3A_738 : i32 to vector<512x512xi32>
      %sign3A_740 = arith.andi %sign3A_737, %sign3A_739 : vector<512x512xi32>
      %sign3A_741 = arith.constant 1065353216 : i32
      %sign3A_742 = vector.broadcast %sign3A_741 : i32 to vector<512x512xi32>
      %sign3A_743 = arith.ori %sign3A_742, %sign3A_740 : vector<512x512xi32>
      %sign3A_744 = tpu.bitcast %sign3A_743 : vector<512x512xi32> -> vector<512x512xf32>
      %sign3A_745 = math.absf %add3A_736 : vector<512x512xf32>
      %sign3A_746 = arith.constant 0.000000e+00 : f32
      %sign3A_747 = vector.broadcast %sign3A_746 : f32 to vector<512x512xf32>
      %sign3A_748 = arith.cmpf ogt, %sign3A_745, %sign3A_747 : vector<512x512xf32>
      %sign3A_749 = arith.select %sign3A_748, %sign3A_744, %add3A_736 : vector<512x512xi1>, vector<512x512xf32>
      %abs3A_750 = math.absf %add3A_736 : vector<512x512xf32>
      %sub3A_751 = vector.broadcast %div3A_564 : f32 to vector<512x512xf32>
      %sub3A_752 = arith.subf %abs3A_750, %sub3A_751 : vector<512x512xf32>
      %max3A_753 = arith.constant 0.000000e+00 : f32
      %max3A_754 = vector.broadcast %max3A_753 : f32 to vector<512x512xf32>
      %max3A_755 = arith.maximumf %sub3A_752, %max3A_754 : vector<512x512xf32>
      %mul3A_756 = arith.mulf %sign3A_749, %max3A_755 : vector<512x512xf32>
      %add3A_757 = arith.addf %sub3A_726, %dot_general3A_735 : vector<512x512xf32>
      %sub3A_758 = arith.subf %add3A_757, %mul3A_756 : vector<512x512xf32>
      %sub3A_759 = arith.subf %mul3A_756, %sub3A_758 : vector<512x512xf32>
      %mul3A_760 = arith.constant 1.000000e+00 : f32
      %mul3A_761 = vector.broadcast %mul3A_760 : f32 to vector<512x512xf32>
      %mul3A_762 = arith.mulf %mul3A_761, %sub3A_759 : vector<512x512xf32>
      %add3A_763 = arith.addf %dot_general3A_83, %mul3A_762 : vector<512x512xf32>
      %convert_element_type3A_764 = arith.truncf %add3A_552 : vector<512x512xf32> to vector<512x512xbf16>
      %convert_element_type3A_765 = arith.truncf %add3A_763 : vector<512x512xf32> to vector<512x512xbf16>
      %dot_general3A_766 = arith.constant dense<0.000000e+00> : vector<512x512xf32>
      %dot_general3A_767 = tpu.matmul %convert_element_type3A_764, %convert_element_type3A_765, %dot_general3A_766 {dimension_numbers = #tpu.dot_dimension_numbers<[1], [0], [0], [1], [0, 0, 1, 1], [], []>, transpose_lhs_hint = false} : vector<512x512xbf16>, vector<512x512xbf16>, vector<512x512xf32> -> vector<512x512xf32>
      %add3A_768 = arith.addf %dot_general3A_767, %sub3A_758 : vector<512x512xf32>
      %sign3A_769 = tpu.bitcast %add3A_768 : vector<512x512xf32> -> vector<512x512xi32>
      %sign3A_770 = arith.constant -2147483648 : i32
      %sign3A_771 = vector.broadcast %sign3A_770 : i32 to vector<512x512xi32>
      %sign3A_772 = arith.andi %sign3A_769, %sign3A_771 : vector<512x512xi32>
      %sign3A_773 = arith.constant 1065353216 : i32
      %sign3A_774 = vector.broadcast %sign3A_773 : i32 to vector<512x512xi32>
      %sign3A_775 = arith.ori %sign3A_774, %sign3A_772 : vector<512x512xi32>
      %sign3A_776 = tpu.bitcast %sign3A_775 : vector<512x512xi32> -> vector<512x512xf32>
      %sign3A_777 = math.absf %add3A_768 : vector<512x512xf32>
      %sign3A_778 = arith.constant 0.000000e+00 : f32
      %sign3A_779 = vector.broadcast %sign3A_778 : f32 to vector<512x512xf32>
      %sign3A_780 = arith.cmpf ogt, %sign3A_777, %sign3A_779 : vector<512x512xf32>
      %sign3A_781 = arith.select %sign3A_780, %sign3A_776, %add3A_768 : vector<512x512xi1>, vector<512x512xf32>
      %abs3A_782 = math.absf %add3A_768 : vector<512x512xf32>
      %sub3A_783 = vector.broadcast %div3A_564 : f32 to vector<512x512xf32>
      %sub3A_784 = arith.subf %abs3A_782, %sub3A_783 : vector<512x512xf32>
      %max3A_785 = arith.constant 0.000000e+00 : f32
      %max3A_786 = vector.broadcast %max3A_785 : f32 to vector<512x512xf32>
      %max3A_787 = arith.maximumf %sub3A_784, %max3A_786 : vector<512x512xf32>
      %mul3A_788 = arith.mulf %sign3A_781, %max3A_787 : vector<512x512xf32>
      %add3A_789 = arith.addf %sub3A_758, %dot_general3A_767 : vector<512x512xf32>
      %sub3A_790 = arith.subf %add3A_789, %mul3A_788 : vector<512x512xf32>
      %sub3A_791 = arith.subf %mul3A_788, %sub3A_790 : vector<512x512xf32>
      %mul3A_792 = arith.constant 1.000000e+00 : f32
      %mul3A_793 = vector.broadcast %mul3A_792 : f32 to vector<512x512xf32>
      %mul3A_794 = arith.mulf %mul3A_793, %sub3A_791 : vector<512x512xf32>
      %add3A_795 = arith.addf %dot_general3A_83, %mul3A_794 : vector<512x512xf32>
      %convert_element_type3A_796 = arith.truncf %add3A_552 : vector<512x512xf32> to vector<512x512xbf16>
      %convert_element_type3A_797 = arith.truncf %add3A_795 : vector<512x512xf32> to vector<512x512xbf16>
      %dot_general3A_798 = arith.constant dense<0.000000e+00> : vector<512x512xf32>
      %dot_general3A_799 = tpu.matmul %convert_element_type3A_796, %convert_element_type3A_797, %dot_general3A_798 {dimension_numbers = #tpu.dot_dimension_numbers<[1], [0], [0], [1], [0, 0, 1, 1], [], []>, transpose_lhs_hint = false} : vector<512x512xbf16>, vector<512x512xbf16>, vector<512x512xf32> -> vector<512x512xf32>
      %add3A_800 = arith.addf %dot_general3A_799, %sub3A_790 : vector<512x512xf32>
      %sign3A_801 = tpu.bitcast %add3A_800 : vector<512x512xf32> -> vector<512x512xi32>
      %sign3A_802 = arith.constant -2147483648 : i32
      %sign3A_803 = vector.broadcast %sign3A_802 : i32 to vector<512x512xi32>
      %sign3A_804 = arith.andi %sign3A_801, %sign3A_803 : vector<512x512xi32>
      %sign3A_805 = arith.constant 1065353216 : i32
      %sign3A_806 = vector.broadcast %sign3A_805 : i32 to vector<512x512xi32>
      %sign3A_807 = arith.ori %sign3A_806, %sign3A_804 : vector<512x512xi32>
      %sign3A_808 = tpu.bitcast %sign3A_807 : vector<512x512xi32> -> vector<512x512xf32>
      %sign3A_809 = math.absf %add3A_800 : vector<512x512xf32>
      %sign3A_810 = arith.constant 0.000000e+00 : f32
      %sign3A_811 = vector.broadcast %sign3A_810 : f32 to vector<512x512xf32>
      %sign3A_812 = arith.cmpf ogt, %sign3A_809, %sign3A_811 : vector<512x512xf32>
      %sign3A_813 = arith.select %sign3A_812, %sign3A_808, %add3A_800 : vector<512x512xi1>, vector<512x512xf32>
      %abs3A_814 = math.absf %add3A_800 : vector<512x512xf32>
      %sub3A_815 = vector.broadcast %div3A_564 : f32 to vector<512x512xf32>
      %sub3A_816 = arith.subf %abs3A_814, %sub3A_815 : vector<512x512xf32>
      %max3A_817 = arith.constant 0.000000e+00 : f32
      %max3A_818 = vector.broadcast %max3A_817 : f32 to vector<512x512xf32>
      %max3A_819 = arith.maximumf %sub3A_816, %max3A_818 : vector<512x512xf32>
      %mul3A_820 = arith.mulf %sign3A_813, %max3A_819 : vector<512x512xf32>
      %add3A_821 = arith.addf %sub3A_790, %dot_general3A_799 : vector<512x512xf32>
      %sub3A_822 = arith.subf %add3A_821, %mul3A_820 : vector<512x512xf32>
      %sub3A_823 = arith.subf %mul3A_820, %sub3A_822 : vector<512x512xf32>
      %mul3A_824 = arith.constant 1.000000e+00 : f32
      %mul3A_825 = vector.broadcast %mul3A_824 : f32 to vector<512x512xf32>
      %mul3A_826 = arith.mulf %mul3A_825, %sub3A_823 : vector<512x512xf32>
      %add3A_827 = arith.addf %dot_general3A_83, %mul3A_826 : vector<512x512xf32>
      %convert_element_type3A_828 = arith.truncf %add3A_552 : vector<512x512xf32> to vector<512x512xbf16>
      %convert_element_type3A_829 = arith.truncf %add3A_827 : vector<512x512xf32> to vector<512x512xbf16>
      %dot_general3A_830 = arith.constant dense<0.000000e+00> : vector<512x512xf32>
      %dot_general3A_831 = tpu.matmul %convert_element_type3A_828, %convert_element_type3A_829, %dot_general3A_830 {dimension_numbers = #tpu.dot_dimension_numbers<[1], [0], [0], [1], [0, 0, 1, 1], [], []>, transpose_lhs_hint = false} : vector<512x512xbf16>, vector<512x512xbf16>, vector<512x512xf32> -> vector<512x512xf32>
      %add3A_832 = arith.addf %dot_general3A_831, %sub3A_822 : vector<512x512xf32>
      %sign3A_833 = tpu.bitcast %add3A_832 : vector<512x512xf32> -> vector<512x512xi32>
      %sign3A_834 = arith.constant -2147483648 : i32
      %sign3A_835 = vector.broadcast %sign3A_834 : i32 to vector<512x512xi32>
      %sign3A_836 = arith.andi %sign3A_833, %sign3A_835 : vector<512x512xi32>
      %sign3A_837 = arith.constant 1065353216 : i32
      %sign3A_838 = vector.broadcast %sign3A_837 : i32 to vector<512x512xi32>
      %sign3A_839 = arith.ori %sign3A_838, %sign3A_836 : vector<512x512xi32>
      %sign3A_840 = tpu.bitcast %sign3A_839 : vector<512x512xi32> -> vector<512x512xf32>
      %sign3A_841 = math.absf %add3A_832 : vector<512x512xf32>
      %sign3A_842 = arith.constant 0.000000e+00 : f32
      %sign3A_843 = vector.broadcast %sign3A_842 : f32 to vector<512x512xf32>
      %sign3A_844 = arith.cmpf ogt, %sign3A_841, %sign3A_843 : vector<512x512xf32>
      %sign3A_845 = arith.select %sign3A_844, %sign3A_840, %add3A_832 : vector<512x512xi1>, vector<512x512xf32>
      %abs3A_846 = math.absf %add3A_832 : vector<512x512xf32>
      %sub3A_847 = vector.broadcast %div3A_564 : f32 to vector<512x512xf32>
      %sub3A_848 = arith.subf %abs3A_846, %sub3A_847 : vector<512x512xf32>
      %max3A_849 = arith.constant 0.000000e+00 : f32
      %max3A_850 = vector.broadcast %max3A_849 : f32 to vector<512x512xf32>
      %max3A_851 = arith.maximumf %sub3A_848, %max3A_850 : vector<512x512xf32>
      %mul3A_852 = arith.mulf %sign3A_845, %max3A_851 : vector<512x512xf32>
      %add3A_853 = arith.addf %sub3A_822, %dot_general3A_831 : vector<512x512xf32>
      %sub3A_854 = arith.subf %add3A_853, %mul3A_852 : vector<512x512xf32>
      %sub3A_855 = arith.subf %mul3A_852, %sub3A_854 : vector<512x512xf32>
      %mul3A_856 = arith.constant 1.000000e+00 : f32
      %mul3A_857 = vector.broadcast %mul3A_856 : f32 to vector<512x512xf32>
      %mul3A_858 = arith.mulf %mul3A_857, %sub3A_855 : vector<512x512xf32>
      %add3A_859 = arith.addf %dot_general3A_83, %mul3A_858 : vector<512x512xf32>
      %convert_element_type3A_860 = arith.truncf %add3A_552 : vector<512x512xf32> to vector<512x512xbf16>
      %convert_element_type3A_861 = arith.truncf %add3A_859 : vector<512x512xf32> to vector<512x512xbf16>
      %dot_general3A_862 = arith.constant dense<0.000000e+00> : vector<512x512xf32>
      %dot_general3A_863 = tpu.matmul %convert_element_type3A_860, %convert_element_type3A_861, %dot_general3A_862 {dimension_numbers = #tpu.dot_dimension_numbers<[1], [0], [0], [1], [0, 0, 1, 1], [], []>, transpose_lhs_hint = false} : vector<512x512xbf16>, vector<512x512xbf16>, vector<512x512xf32> -> vector<512x512xf32>
      %add3A_864 = arith.addf %dot_general3A_863, %sub3A_854 : vector<512x512xf32>
      %sign3A_865 = tpu.bitcast %add3A_864 : vector<512x512xf32> -> vector<512x512xi32>
      %sign3A_866 = arith.constant -2147483648 : i32
      %sign3A_867 = vector.broadcast %sign3A_866 : i32 to vector<512x512xi32>
      %sign3A_868 = arith.andi %sign3A_865, %sign3A_867 : vector<512x512xi32>
      %sign3A_869 = arith.constant 1065353216 : i32
      %sign3A_870 = vector.broadcast %sign3A_869 : i32 to vector<512x512xi32>
      %sign3A_871 = arith.ori %sign3A_870, %sign3A_868 : vector<512x512xi32>
      %sign3A_872 = tpu.bitcast %sign3A_871 : vector<512x512xi32> -> vector<512x512xf32>
      %sign3A_873 = math.absf %add3A_864 : vector<512x512xf32>
      %sign3A_874 = arith.constant 0.000000e+00 : f32
      %sign3A_875 = vector.broadcast %sign3A_874 : f32 to vector<512x512xf32>
      %sign3A_876 = arith.cmpf ogt, %sign3A_873, %sign3A_875 : vector<512x512xf32>
      %sign3A_877 = arith.select %sign3A_876, %sign3A_872, %add3A_864 : vector<512x512xi1>, vector<512x512xf32>
      %abs3A_878 = math.absf %add3A_864 : vector<512x512xf32>
      %sub3A_879 = vector.broadcast %div3A_564 : f32 to vector<512x512xf32>
      %sub3A_880 = arith.subf %abs3A_878, %sub3A_879 : vector<512x512xf32>
      %max3A_881 = arith.constant 0.000000e+00 : f32
      %max3A_882 = vector.broadcast %max3A_881 : f32 to vector<512x512xf32>
      %max3A_883 = arith.maximumf %sub3A_880, %max3A_882 : vector<512x512xf32>
      %mul3A_884 = arith.mulf %sign3A_877, %max3A_883 : vector<512x512xf32>
      %convert_element_type3A_885 = arith.truncf %slice3A : vector<64x512xf32> to vector<64x512xbf16>
      %convert_element_type3A_886 = arith.truncf %mul3A_884 : vector<512x512xf32> to vector<512x512xbf16>
      %dot_general3A_887 = arith.constant dense<0.000000e+00> : vector<64x512xf32>
      %dot_general3A_888 = tpu.matmul %convert_element_type3A_885, %convert_element_type3A_886, %dot_general3A_887 {dimension_numbers = #tpu.dot_dimension_numbers<[1], [0], [0], [1], [0, 0, 1, 1], [], []>, transpose_lhs_hint = false} : vector<64x512xbf16>, vector<512x512xbf16>, vector<64x512xf32> -> vector<64x512xf32>
      %mul3A_889 = arith.mulf %dot_general3A_888, %dot_general3A_888 : vector<64x512xf32>
      %reduce_sum3A_890 = arith.constant dense<0.000000e+00> : vector<512xf32>
      %reduce_sum3A_891 = vector.multi_reduction <add>, %mul3A_889, %reduce_sum3A_890 [0] : vector<64x512xf32> to vector<512xf32>
      %broadcast_in_dim3A_892 = vector.shape_cast %reduce_sum3A_891 : vector<512xf32> to vector<1x512xf32>
      %sqrt3A = math.sqrt %broadcast_in_dim3A_892 : vector<1x512xf32>
      %mul3A_893 = arith.mulf %slice3A, %slice3A : vector<64x512xf32>
      %reduce_sum3A_894 = arith.constant dense<0.000000e+00> : vector<512xf32>
      %reduce_sum3A_895 = vector.multi_reduction <add>, %mul3A_893, %reduce_sum3A_894 [0] : vector<64x512xf32> to vector<512xf32>
      %broadcast_in_dim3A_896 = vector.shape_cast %reduce_sum3A_895 : vector<512xf32> to vector<1x512xf32>
      %sqrt3A_897 = math.sqrt %broadcast_in_dim3A_896 : vector<1x512xf32>
      %add3A_898 = arith.constant 9.99999993E-9 : f32
      %add3A_899 = vector.broadcast %add3A_898 : f32 to vector<1x512xf32>
      %add3A_900 = arith.addf %sqrt3A, %add3A_899 : vector<1x512xf32>
      %div3A_901 = vector.broadcast %add3A_900 : vector<1x512xf32> to vector<64x512xf32>
      %div3A_902 = arith.divf %dot_general3A_888, %div3A_901 : vector<64x512xf32>
      %swap3A_903 = arith.constant 0 : index
      %swap3A_904 = arith.constant 0 : index
      %swap3A_905 = vector.load %arg5[%swap3A_903, %swap3A_904] : memref<64x512xf32, #tpu.memory_space<vmem>>, vector<64x512xf32>
      tpu.vector_store %arg5[%swap3A_903, %swap3A_904], %div3A_902 {strides = array<i32>} : memref<64x512xf32, #tpu.memory_space<vmem>>, vector<64x512xf32>,
      %add3A_906 = arith.constant 9.99999993E-9 : f32
      %add3A_907 = vector.broadcast %add3A_906 : f32 to vector<1x512xf32>
      %add3A_908 = arith.addf %sqrt3A_897, %add3A_907 : vector<1x512xf32>
      %div3A_909 = vector.broadcast %add3A_908 : vector<1x512xf32> to vector<64x512xf32>
      %div3A_910 = arith.divf %slice3A, %div3A_909 : vector<64x512xf32>
      %swap3A_911 = arith.constant 0 : index
      %swap3A_912 = arith.constant 0 : index
      %swap3A_913 = vector.load %arg6[%swap3A_911, %swap3A_912] : memref<64x512xf32, #tpu.memory_space<vmem>>, vector<64x512xf32>
      tpu.vector_store %arg6[%swap3A_911, %swap3A_912], %div3A_910 {strides = array<i32>} : memref<64x512xf32, #tpu.memory_space<vmem>>, vector<64x512xf32>,
      %swap3A_914 = arith.constant 0 : index
      %swap3A_915 = arith.constant 0 : index
      %swap3A_916 = vector.load %arg7[%swap3A_914, %swap3A_915] : memref<512x512xf32, #tpu.memory_space<vmem>>, vector<512x512xf32>
      tpu.vector_store %arg7[%swap3A_914, %swap3A_915], %dot_general3A_863 {strides = array<i32>} : memref<512x512xf32, #tpu.memory_space<vmem>>, vector<512x512xf32>,
      %swap3A_917 = arith.constant 0 : index
      %swap3A_918 = arith.constant 0 : index
      %swap3A_919 = vector.load %arg8[%swap3A_917, %swap3A_918] : memref<512x512xf32, #tpu.memory_space<vmem>>, vector<512x512xf32>
      tpu.vector_store %arg8[%swap3A_917, %swap3A_918], %mul3A_884 {strides = array<i32>} : memref<512x512xf32, #tpu.memory_space<vmem>>, vector<512x512xf32>,
    } else {
    }
    return
  }
  func.func @transform_0(%arg0: i32) -> (i32, i32) {
    %c0_i32 = arith.constant 0 : i32
    %c0_i32_0 = arith.constant 0 : i32
    return %arg0, %c0_i32 : i32, i32
  }
  func.func @transform_1(%arg0: i32) -> (i32, i32) {
    %c0_i32 = arith.constant 0 : i32
    %c0_i32_0 = arith.constant 0 : i32
    %c0_i32_1 = arith.constant 0 : i32
    return %c0_i32, %c0_i32_0 : i32, i32
  }
  func.func @transform_2(%arg0: i32) -> (i32, i32) {
    %c0_i32 = arith.constant 0 : i32
    %c0_i32_0 = arith.constant 0 : i32
    %c0_i32_1 = arith.constant 0 : i32
    return %c0_i32, %c0_i32_0 : i32, i32
  }
  func.func @transform_3(%arg0: i32) -> (i32, i32, i32) {
    %c0_i32 = arith.constant 0 : i32
    %c0_i32_0 = arith.constant 0 : i32
    %c0_i32_1 = arith.constant 0 : i32
    return %arg0, %c0_i32, %c0_i32_0 : i32, i32, i32
  }
  func.func @transform_4(%arg0: i32) -> (i32, i32) {
    %c0_i32 = arith.constant 0 : i32
    %c0_i32_0 = arith.constant 0 : i32
    %c0_i32_1 = arith.constant 0 : i32
    return %c0_i32, %c0_i32_0 : i32, i32
  }
  func.func @transform_5(%arg0: i32) -> (i32, i32) {
    %c0_i32 = arith.constant 0 : i32
    %c0_i32_0 = arith.constant 0 : i32
    %c0_i32_1 = arith.constant 0 : i32
    return %c0_i32, %c0_i32_0 : i32, i32
  }
  func.func @transform_6(%arg0: i32) -> (i32, i32) {
    %c0_i32 = arith.constant 0 : i32
    %c0_i32_0 = arith.constant 0 : i32
    %c0_i32_1 = arith.constant 0 : i32
    return %c0_i32, %c0_i32_0 : i32, i32
  }
  func.func @transform_7(%arg0: i32) -> (i32, i32) {
    %c0_i32 = arith.constant 0 : i32
    %c0_i32_0 = arith.constant 0 : i32
    %c0_i32_1 = arith.constant 0 : i32
    return %c0_i32, %c0_i32_0 : i32, i32
  }
}

</mosaic_0001>

<sc_bundles>
// kernel: scatter_offload_async_start.1
scs
__scs_entry_jumppad:
0x0: {  	(pc) =	sbr.rel $0x88, $3  }
0x1: {  	(tag) =	ssettag $0x0;
	lr =	simm.s32 $0x1  }
0x2: {  	[smem:$0x3F9B] =	sst lr;
	_ =	strace $0xD0000000  }
0x3: {  	_ = 	snop  }
0x4: {  	_ = 	snop  }
0x5: {  	_ = 	snop  }
0x6: {  	_ = 	snop  }
0x7: {  	_ = 	snop  }
__scs_overlays_trampoline_lowered:
0x8: {  	[smem:$0x3FAA] =	sst s0  }
0x9: {  	[smem:$0x3FAB] =	sst s1  }
0xa: {  	[smem:$0x3FAC] =	sst s2  }
0xb: {  	[smem:$0x3FAD] =	sst s3  }
0xc: {  	[smem:$0x3FAE] =	sst s4  }
0xd: {  	[smem:$0x3FAF] =	sst s5  }
0xe: {  	[smem:$0x3FB0] =	sst s6  }
0xf: {  	[smem:$0x3FB1] =	sst s7  }
0x10: {  	[smem:$0x3FB2] =	sst s8  }
0x11: {  	[smem:$0x3FB3] =	sst s9;
	s0 =	simm.s32 @!p0 $0x0  }
0x12: {  	s1 =	sld [smem:$0x3F99];
	s0 =	simm.s32 @p0 $0x1  }
0x13: {  	[smem:$0x3FB4] =	sst s0;
	s0 =	simm.s32 @!p1 $0x0  }
0x14: {  	s2 =	sld [smem:$0x3F98];
	s0 =	simm.s32 @p1 $0x1  }
0x15: {  	[smem:$0x3FB5] =	sst s0;
	s0 =	simm.s32 @!p2 $0x0  }
0x16: {  	s3 =	sld [smem:$0x3FDB];
	s0 =	simm.s32 @p2 $0x1  }
0x17: {  	s4 =	simm.s32 $0x1BF5;
	[smem:$0x3FB7] =	sst s0  }
0x18: {  	s0 =	sld [smem:$0x3F9A];
	_ =	swait.ge [sflag:s4], $0x0  }
0x19: {  	s7 =	sld [smem:$0x3F9B]  }
0x1a: {  	s8 =	sadd.s32 $0xFFFFE003, lr  }
0x1b: {  	s9 =	sadd.s32 $0xFFFFFEF7, lr;
	s5 =	simm.s32 $0xFFFFFFFF;
	p2 =	slt.u32 s8, $0xFFFFF086  }
0x1c: {  	p1 =	slt.u32 s9, $0xF7A;
	s5 =	simm.s32 @!p2 $0x0  }
0x1d: {  	s5 =	simm.s32 @p1 $0x1;
	p0 =	seq.s32 s7, s2  }
0x1e: {  	s7 =	smul.u32 @!p0 $0xF7A, s2;
	p2 =	seq.s32 @!p0 s5, $0x0  }
0x1f: {  	s9 =	smul.u32 $0xF7A, s1;
	s8 =	simm.s32 @!p0 $0x1BF5;
	p2 =	por !p2, p0  }
0x20: {  	[sflag:s8] =	ssyncset.s32 @!p0 $0xFFFFF086;
	s6 =	sadd.s32 @!p0 s3, s7;
	s7 =	simm.s32 @!p0 $0x108  }
0x21: {  	s3 =	sadd.s32 s3, s9;
	s6 =	sadd.s32 @!p0 $0x88, s6;
	s7 =	simm.s32 @p2 $0x1082  }
0x22: {  	[simem:s7], [sflag:s8] =	dma.local @!p0 [hbm:s6], $0xF7A  }
0x23: {  	s9 =	sor.u32 $0xD0000000, s2;
	s6 =	simm.s32 $0x108;
	_ =	swait.ge @!p0 [sflag:s8], $0x0  }
0x24: {  	s3 =	sadd.s32 $0x88, s3;
	s6 =	simm.s32 @!p1 $0x1082;
	[sflag:s4] =	ssyncset.s32 $0xFFFFF086  }
0x25: {  	[simem:s6], [sflag:s4] =	dma.local [hbm:s3], $0xF7A  }
0x26: {  	[smem:$0x3F9B] =	sst s1;
	(tag) =	ssettag s2;
	_ =	strace s9  }
0x27: {  	s1 =	sld [smem:$0x3FAB]  }
0x28: {  	s2 =	sld [smem:$0x3FAC]  }
0x29: {  	s4 =	sld [smem:$0x3FAE]  }
0x2a: {  	p0 =	seq.s32 s5, $0x0;
	s5 =	sld [smem:$0x3FAF]  }
0x2b: {  	s6 =	sld [smem:$0x3FB0]  }
0x2c: {  	s7 =	sld [smem:$0x3FB1]  }
0x2d: {  	s3 =	simm.s32 $0x108;
	s8 =	sld [smem:$0x3FB2]  }
0x2e: {  	s3 =	simm.s32 @!p0 $0x1082;
	s9 =	sld [smem:$0x3FB3]  }
0x2f: {  	lr =	sadd.s32 s0, s3;
	s0 =	sld [smem:$0x3FAA]  }
0x30: {  	s3 =	sld [smem:$0x3FAD]  }
0x31: {  	[smem:$0x3FB6] =	sst s10  }
0x32: {  	s10 =	sld [smem:$0x3FB4];
	_ =	sdelay $0x3  }
0x33: {  	p0 =	seq.s32 s10, $0x1;
	s10 =	sld [smem:$0x3FB6];
	_ =	sdelay $0x3  }
0x34: {  	[smem:$0x3FB6] =	sst s10  }
0x35: {  	s10 =	sld [smem:$0x3FB5];
	_ =	sdelay $0x3  }
0x36: {  	p1 =	seq.s32 s10, $0x1;
	s10 =	sld [smem:$0x3FB6];
	_ =	sdelay $0x3  }
0x37: {  	[smem:$0x3FB6] =	sst s10  }
0x38: {  	s10 =	sld [smem:$0x3FB7]  }
0x39: {  	_ = 	snop;
	(pc) =	sbr.ind lr, $3  }
0x3a: {  	_ = 	snop  }
0x3b: {  	_ = 	snop  }
0x3c: {  	p2 =	seq.s32 s10, $0x1;
	s10 =	sld [smem:$0x3FB6]  }
0x3d: {  	_ =	shalt  }
0x3e: {  	_ =	shalt  }
0x3f: {  	_ =	shalt  }
0x40: {  	_ =	shalt  }
0x41: {  	_ =	shalt  }
0x42: {  	_ =	shalt  }
0x43: {  	_ =	shalt  }
0x44: {  	_ =	shalt  }
0x45: {  	_ =	shalt  }
0x46: {  	_ =	shalt  }
0x47: {  	_ =	shalt  }
0x48: {  	_ =	shalt  }
0x49: {  	_ =	shalt  }
0x4a: {  	_ =	shalt  }
0x4b: {  	_ =	shalt  }
0x4c: {  	_ =	shalt  }
0x4d: {  	_ =	shalt  }
0x4e: {  	_ =	shalt  }
0x4f: {  	_ =	shalt  }
0x50: {  	_ =	shalt  }
0x51: {  	_ =	shalt  }
0x52: {  	_ =	shalt  }
0x53: {  	_ =	shalt  }
0x54: {  	_ =	shalt  }
0x55: {  	_ =	shalt  }
0x56: {  	_ =	shalt  }
0x57: {  	_ =	shalt  }
0x58: {  	_ =	shalt  }
0x59: {  	_ =	shalt  }
0x5a: {  	_ =	shalt  }
0x5b: {  	_ =	shalt  }
0x5c: {  	_ =	shalt  }
0x5d: {  	_ =	shalt  }
0x5e: {  	_ =	shalt  }
0x5f: {  	_ =	shalt  }
0x60: {  	_ =	shalt  }
0x61: {  	_ =	shalt  }
0x62: {  	_ =	shalt  }
0x63: {  	_ =	shalt  }
0x64: {  	_ =	shalt  }
0x65: {  	_ =	shalt  }
0x66: {  	_ =	shalt  }
0x67: {  	_ =	shalt  }
0x68: {  	_ =	shalt  }
0x69: {  	_ =	shalt  }
0x6a: {  	_ =	shalt  }
0x6b: {  	_ =	shalt  }
0x6c: {  	_ =	shalt  }
0x6d: {  	_ =	shalt  }
0x6e: {  	_ =	shalt  }
0x6f: {  	_ =	shalt  }
0x70: {  	_ =	shalt  }
0x71: {  	_ =	shalt  }
0x72: {  	_ =	shalt  }
0x73: {  	_ =	shalt  }
0x74: {  	_ =	shalt  }
0x75: {  	_ =	shalt  }
0x76: {  	_ =	shalt  }
0x77: {  	_ =	shalt  }
0x78: {  	_ =	shalt  }
0x79: {  	_ =	shalt  }
0x7a: {  	_ =	shalt  }
0x7b: {  	_ =	shalt  }
0x7c: {  	_ =	shalt  }
0x7d: {  	_ =	shalt  }
0x7e: {  	_ =	shalt  }
0x7f: {  	_ =	shalt  }
0x80: {  	_ =	shalt  }
0x81: {  	_ =	shalt  }
0x82: {  	_ =	shalt  }
0x83: {  	_ =	shalt  }
0x84: {  	_ =	shalt  }
0x85: {  	_ =	shalt  }
0x86: {  	_ =	shalt  }
0x87: {  	_ =	shalt  }
.Lfunc_end0:
.L_simem_size_0:
called_computation.1_lowered:
.L_overlay_start_0:
0x88: {  	s2 =	sld [smem:$0x3FD9]  }
0x89: {  	s3 =	sld [smem:$0x3FFE];
	_ =	sdelay $0x1  }
0x8a: {  	s1 =	srdreg.scid  }
0x8b: {  	s0 =	sand.u32 $0x1, s1  }
0x8c: {  	s13 =	sshll.u32 s0, $0xA;
	s2 =	sadd.s32 s3, s2  }
0x8d: {  	s2 =	sadd.s32 s2, s13  }
0x8e: {  	[smem:$0x3FC2] =	sst s2  }
0x8f: {  	_ = 	snop  }
0x90: {  	s2 =	sld [smem:$0x3FD0];
	_ =	sdelay $0x2  }
0x91: {  	s14 =	simm.s32 $0xB;
	s4 =	simm.s32 $0x10  }
0x92: {  	[smem:s4], [sflag:s14] =	dma.local [hbm:s2], $0x1  }
0x93: {  	_ =	swait.eq [sflag:s14], $0x1  }
0x94: {  	s15 =	sld [smem:$0x11];
	[sflag:s14] =	ssyncset.done $0x0  }
0x95: {  	s16 =	sld [smem:$0x14];
	[sflag:s14] =	ssyncadd.s32 $0xFFFFFFFF  }
0x96: {  	s17 =	sld [smem:$0x15];
	(tm) =	ssettm $0x1  }
0x97: {  	s5 =	sld [smem:$0x3FFB];
	_ =	sdelay $0x3  }
0x98: {  	_ =	strace s5  }
0x99: {  	s5 =	sld [smem:$0x3FFC];
	_ =	sdelay $0x3  }
0x9a: {  	_ =	strace s5  }
0x9b: {  	s5 =	sld [smem:$0x3FFD];
	_ =	sdelay $0x3  }
0x9c: {  	_ =	strace s5  }
0x9d: {  	_ =	strace $0x8FFFFFFF  }
0x9e: {  	s18 =	sld [smem:$0x3FDB];
	_ =	sdelay $0x1  }
0x9f: {  	s6 =	simm.s32 $_scs_section_size  }
0xa0: {  	s7 =	simm.s32 $_size__tile_overlayer_lowered;
	s8 =	simm.s32 $_tile_overlayer_lowered  }
0xa1: {  	s21 =	simm.s32 $0x1BFF;
	s20 =	sshll.u32 s8, $0x1;
	s5 =	sadd.s32 s6, s18  }
0xa2: {  	s9 =	simm.s32 $0x0;
	s19 =	sshll.u32 s7, $0x1;
	s7 =	sadd.s32 s20, s5  }
0xa3: {  	[timem:s9], [sflag:s21] =	dma.local [hbm:s7], s19  }
0xa4: {  	_ =	swait.ge [sflag:s21], s19  }
0xa5: {  	s6 =	ssub.s32 $0x0, s19;
	[sflag:s21] =	ssyncset.done $0x0  }
0xa6: {  	[sflag:s21] =	ssyncadd.s32 s6;
	_ =	sdelay $0x1  }
0xa7: {  	s22 =	simm.s32 $0x1B8B  }
0xa8: {  	_ =	swait.ge [sflag:s22], $0x1  }
0xa9: {  	[sflag:s22] =	ssyncset.done $0x0  }
0xaa: {  	s23 =	sld [smem:$0x3FFE];
	[sflag:s22] =	ssyncadd.s32 $0xFFFFFFFF  }
0xab: {  	s25 =	simm.s32 $0x1B8E;
	s24 =	sld [smem:$0x0]  }
0xac: {  	s26 =	simm.s32 $execute0_lowered;
	[smem:$0x3FD2] =	sst s25  }
0xad: {  	s8 =	sshll.u32 s26, $0x1;
	_ =	strace $0x80000046;
	[dreg:$0x1] =	wrdreg $0xFFFFFFFF  }
0xae: {  	s28 =	simm.s32 $_size_execute0_lowered;
	s5 =	sadd.s32 s5, s8;
	[dreg:$0x0] =	wrdreg $0x0  }
0xaf: {  	s8 =	sshll.u32 s28, $0x1;
	[dreg:$0x2] =	wrdreg s5  }
0xb0: {  	[dreg:$0x3] =	wrdreg s8  }
0xb1: {  	[dreg:$0x4] =	wrdreg $0xC0  }
0xb2: {  	_ =	task [dreg:s9], $0x5FFFF  }
0xb3: {  	[dreg:$0x1] =	wrdreg $0xFFFFFFFF  }
0xb4: {  	[dreg:$0x0] =	wrdreg $0x60  }
0xb5: {  	[dreg:$0x2] =	wrdreg s17  }
0xb6: {  	[dreg:$0x3] =	wrdreg s15  }
0xb7: {  	[dreg:$0x4] =	wrdreg s23  }
0xb8: {  	[dreg:$0x5] =	wrdreg s16  }
0xb9: {  	[dreg:$0x6] =	wrdreg s1  }
0xba: {  	[dreg:$0x7] =	wrdreg s24  }
0xbb: {  	[dreg:$0x8] =	wrdreg $0xA  }
0xbc: {  	_ =	task.clear_ibuf [dreg:s9], $0x9FFFF;
	_ =	strace $0x90000046  }
0xbd: {  	s29 =	simm.s32 $0xA;
	_ =	strace $0x80000048  }
0xbe: {  	_ =	swait.ge [sflag:s29], $0x1  }
0xbf: {  	[sflag:s29] =	ssyncadd.s32 $0xFFFFFFFF  }
0xc0: {  	_ =	strace $0x90000048  }
0xc1: {  	_ =	sfence  }
0xc2: {  	s30 =	sld [smem:$0x0];
	_ =	sdelay $0x2  }
0xc3: {  	s31 =	sshll.u32 s1, $0xD;
	s1 =	sshrl.u32 s1, $0x2  }
0xc4: {  	s3 =	sand.u32 $0x4000, s31;
	s1 =	sadd.s32 s1, s30  }
0xc5: {  	s0 =	sor.u32 s3, s0;
	s1 =	sshll.u32 s1, $0x11  }
0xc6: {  	s0 =	sor.u32 s1, s0  }
0xc7: {  	s0 =	sadd.s32 $0x8F2B, s0  }
0xc8: {  	[sflag:s0] =	ssyncadd.remote.s32 $0x1  }
0xc9: {  	_ =	sfence.sel $0xFFFF  }
0xca: {  	[dreg:$0x0] =	wrdreg $0xFFFFFFFF;
	(pc) =	sbr.abs _section_cstart, $3  }
0xcb: {  	[dreg:$0x1] =	wrdreg $0xFFFFFFFF  }
0xcc: {  	_ =	task.clear_ibuf [dreg:s9], $0x2FFFF;
	_ =	strace $0x9FFFFFFF  }
0xcd: {  	(tm) =	ssettm $0x7FFFFFFF  }
tec
execute0_lowered:
.L_overlay_start_1:
0x0: {  	(tag) =	ssettag $0x1  }
0x1: {  	s1 =	rddreg [dreg:$0x0]  }
0x2: {  	s5 =	rddreg [dreg:$0x1]  }
0x3: {  	s7 =	rddreg [dreg:$0x2]  }
0x4: {  	s6 =	rddreg [dreg:$0x3]  }
0x5: {  	s8 =	rddreg [dreg:$0x4];
	_ =	strace $0x80000047;
	s4 =	simm.s32 $0x1  }
0x6: {  	v0 =	vimm.s32 $0x0;
	[sflag:s4] =	ssyncpa.u1 $0x0  }
0x7: {  	[tilespmem:$0xA8] =	vst v0  }
0x8: {  	[tilespmem:$0xB8] =	vst v0  }
0x9: {  	[tilespmem:$0xC8] =	vst v0  }
0xa: {  	[tilespmem:$0xD8] =	vst v0  }
0xb: {  	[tilespmem:$0xE8] =	vst v0  }
0xc: {  	[tilespmem:$0xF8] =	vst v0  }
0xd: {  	[tilespmem:$0x108] =	vst v0  }
0xe: {  	[tilespmem:$0x118] =	vst v0  }
0xf: {  	[tilespmem:$0x128] =	vst v0  }
0x10: {  	[tilespmem:$0x138] =	vst v0  }
0x11: {  	[tilespmem:$0x148] =	vst v0  }
0x12: {  	[tilespmem:$0x158] =	vst v0  }
0x13: {  	[tilespmem:$0x168] =	vst v0  }
0x14: {  	[tilespmem:$0x178] =	vst v0  }
0x15: {  	[tilespmem:$0x188] =	vst v0  }
0x16: {  	[tilespmem:$0x198] =	vst v0  }
0x17: {  	[tilespmem:$0x1A8] =	vst v0  }
0x18: {  	[tilespmem:$0x1B8] =	vst v0  }
0x19: {  	[tilespmem:$0x1C8] =	vst v0  }
0x1a: {  	[tilespmem:$0x1D8] =	vst v0  }
0x1b: {  	[tilespmem:$0x1E8] =	vst v0  }
0x1c: {  	[tilespmem:$0x1F8] =	vst v0  }
0x1d: {  	[tilespmem:$0x208] =	vst v0  }
0x1e: {  	[tilespmem:$0x218] =	vst v0  }
0x1f: {  	[tilespmem:$0x228] =	vst v0  }
0x20: {  	[tilespmem:$0x238] =	vst v0  }
0x21: {  	[tilespmem:$0x248] =	vst v0  }
0x22: {  	[tilespmem:$0x258] =	vst v0  }
0x23: {  	[tilespmem:$0x268] =	vst v0  }
0x24: {  	[tilespmem:$0x278] =	vst v0  }
0x25: {  	[tilespmem:$0x288] =	vst v0  }
0x26: {  	[tilespmem:$0x298] =	vst v0  }
0x27: {  	[tilespmem:$0x2A8] =	vst v0  }
0x28: {  	[tilespmem:$0x2B8] =	vst v0  }
0x29: {  	[tilespmem:$0x2C8] =	vst v0  }
0x2a: {  	[tilespmem:$0x2D8] =	vst v0  }
0x2b: {  	[tilespmem:$0x2E8] =	vst v0  }
0x2c: {  	[tilespmem:$0x2F8] =	vst v0  }
0x2d: {  	[tilespmem:$0x308] =	vst v0  }
0x2e: {  	[tilespmem:$0x318] =	vst v0  }
0x2f: {  	[tilespmem:$0x328] =	vst v0  }
0x30: {  	[tilespmem:$0x338] =	vst v0  }
0x31: {  	[tilespmem:$0x348] =	vst v0  }
0x32: {  	[tilespmem:$0x358] =	vst v0  }
0x33: {  	[tilespmem:$0x368] =	vst v0  }
0x34: {  	[tilespmem:$0x378] =	vst v0  }
0x35: {  	[tilespmem:$0x388] =	vst v0  }
0x36: {  	[tilespmem:$0x398] =	vst v0  }
0x37: {  	[tilespmem:$0x3A8] =	vst v0  }
0x38: {  	[tilespmem:$0x3B8] =	vst v0  }
0x39: {  	[tilespmem:$0x3C8] =	vst v0  }
0x3a: {  	[tilespmem:$0x3D8] =	vst v0  }
0x3b: {  	[tilespmem:$0x3E8] =	vst v0  }
0x3c: {  	[tilespmem:$0x3F8] =	vst v0  }
0x3d: {  	[tilespmem:$0x408] =	vst v0  }
0x3e: {  	[tilespmem:$0x418] =	vst v0  }
0x3f: {  	[tilespmem:$0x428] =	vst v0  }
0x40: {  	[tilespmem:$0x438] =	vst v0  }
0x41: {  	[tilespmem:$0x448] =	vst v0  }
0x42: {  	[tilespmem:$0x458] =	vst v0  }
0x43: {  	[tilespmem:$0x468] =	vst v0  }
0x44: {  	[tilespmem:$0x478] =	vst v0  }
0x45: {  	[tilespmem:$0x488] =	vst v0  }
0x46: {  	[tilespmem:$0x498] =	vst v0  }
0x47: {  	[tilespmem:$0x4A8] =	vst v0  }
0x48: {  	[tilespmem:$0x4B8] =	vst v0  }
0x49: {  	[tilespmem:$0x4C8] =	vst v0  }
0x4a: {  	[tilespmem:$0x4D8] =	vst v0  }
0x4b: {  	[tilespmem:$0x4E8] =	vst v0  }
0x4c: {  	[tilespmem:$0x4F8] =	vst v0  }
0x4d: {  	[tilespmem:$0x508] =	vst v0  }
0x4e: {  	[tilespmem:$0x518] =	vst v0  }
0x4f: {  	[tilespmem:$0x528] =	vst v0  }
0x50: {  	[tilespmem:$0x538] =	vst v0  }
0x51: {  	[tilespmem:$0x548] =	vst v0  }
0x52: {  	[tilespmem:$0x558] =	vst v0  }
0x53: {  	[tilespmem:$0x568] =	vst v0  }
0x54: {  	[tilespmem:$0x578] =	vst v0  }
0x55: {  	[tilespmem:$0x588] =	vst v0  }
0x56: {  	[tilespmem:$0x598] =	vst v0  }
0x57: {  	[tilespmem:$0x5A8] =	vst v0  }
0x58: {  	[tilespmem:$0x5B8] =	vst v0  }
0x59: {  	[tilespmem:$0x5C8] =	vst v0  }
0x5a: {  	[tilespmem:$0x5D8] =	vst v0  }
0x5b: {  	[tilespmem:$0x5E8] =	vst v0  }
0x5c: {  	[tilespmem:$0x5F8] =	vst v0  }
0x5d: {  	[tilespmem:$0x608] =	vst v0  }
0x5e: {  	[tilespmem:$0x618] =	vst v0  }
0x5f: {  	[tilespmem:$0x628] =	vst v0  }
0x60: {  	[tilespmem:$0x638] =	vst v0  }
0x61: {  	[tilespmem:$0x648] =	vst v0  }
0x62: {  	[tilespmem:$0x658] =	vst v0  }
0x63: {  	[tilespmem:$0x668] =	vst v0  }
0x64: {  	[tilespmem:$0x678] =	vst v0  }
0x65: {  	[tilespmem:$0x688] =	vst v0  }
0x66: {  	[tilespmem:$0x698] =	vst v0  }
0x67: {  	[tilespmem:$0x6A8] =	vst v0  }
0x68: {  	[tilespmem:$0x6B8] =	vst v0  }
0x69: {  	[tilespmem:$0x6C8] =	vst v0  }
0x6a: {  	[tilespmem:$0x6D8] =	vst v0  }
0x6b: {  	[tilespmem:$0x6E8] =	vst v0  }
0x6c: {  	[tilespmem:$0x6F8] =	vst v0  }
0x6d: {  	[tilespmem:$0x708] =	vst v0  }
0x6e: {  	[tilespmem:$0x718] =	vst v0  }
0x6f: {  	[tilespmem:$0x728] =	vst v0  }
0x70: {  	[tilespmem:$0x738] =	vst v0  }
0x71: {  	[tilespmem:$0x748] =	vst v0  }
0x72: {  	[tilespmem:$0x758] =	vst v0  }
0x73: {  	[tilespmem:$0x768] =	vst v0  }
0x74: {  	[tilespmem:$0x778] =	vst v0  }
0x75: {  	[tilespmem:$0x788] =	vst v0  }
0x76: {  	[tilespmem:$0x798] =	vst v0  }
0x77: {  	[tilespmem:$0x7A8] =	vst v0  }
0x78: {  	[tilespmem:$0x7B8] =	vst v0  }
0x79: {  	[tilespmem:$0x7C8] =	vst v0  }
0x7a: {  	[tilespmem:$0x7D8] =	vst v0  }
0x7b: {  	[tilespmem:$0x7E8] =	vst v0  }
0x7c: {  	[tilespmem:$0x7F8] =	vst v0  }
0x7d: {  	[tilespmem:$0x808] =	vst v0  }
0x7e: {  	[tilespmem:$0x818] =	vst v0  }
0x7f: {  	[tilespmem:$0x828] =	vst v0  }
0x80: {  	[tilespmem:$0x838] =	vst v0  }
0x81: {  	[tilespmem:$0x848] =	vst v0  }
0x82: {  	[tilespmem:$0x858] =	vst v0  }
0x83: {  	[tilespmem:$0x868] =	vst v0  }
0x84: {  	[tilespmem:$0x878] =	vst v0  }
0x85: {  	[tilespmem:$0x888] =	vst v0  }
0x86: {  	[tilespmem:$0x898] =	vst v0  }
0x87: {  	[tilespmem:$0x8A8] =	vst v0  }
0x88: {  	[tilespmem:$0x8B8] =	vst v0  }
0x89: {  	[tilespmem:$0x8C8] =	vst v0  }
0x8a: {  	[tilespmem:$0x8D8] =	vst v0  }
0x8b: {  	[tilespmem:$0x8E8] =	vst v0  }
0x8c: {  	[tilespmem:$0x8F8] =	vst v0  }
0x8d: {  	[tilespmem:$0x908] =	vst v0  }
0x8e: {  	[tilespmem:$0x918] =	vst v0  }
0x8f: {  	[tilespmem:$0x928] =	vst v0  }
0x90: {  	[tilespmem:$0x938] =	vst v0  }
0x91: {  	[tilespmem:$0x948] =	vst v0  }
0x92: {  	[tilespmem:$0x958] =	vst v0  }
0x93: {  	[tilespmem:$0x968] =	vst v0  }
0x94: {  	[tilespmem:$0x978] =	vst v0  }
0x95: {  	[tilespmem:$0x988] =	vst v0  }
0x96: {  	[tilespmem:$0x998] =	vst v0  }
0x97: {  	[tilespmem:$0x9A8] =	vst v0  }
0x98: {  	[tilespmem:$0x9B8] =	vst v0  }
0x99: {  	[tilespmem:$0x9C8] =	vst v0  }
0x9a: {  	[tilespmem:$0x9D8] =	vst v0  }
0x9b: {  	[tilespmem:$0x9E8] =	vst v0  }
0x9c: {  	[tilespmem:$0x9F8] =	vst v0  }
0x9d: {  	[tilespmem:$0xA08] =	vst v0  }
0x9e: {  	[tilespmem:$0xA18] =	vst v0  }
0x9f: {  	[tilespmem:$0xA28] =	vst v0  }
0xa0: {  	[tilespmem:$0xA38] =	vst v0  }
0xa1: {  	[tilespmem:$0xA48] =	vst v0  }
0xa2: {  	[tilespmem:$0xA58] =	vst v0  }
0xa3: {  	[tilespmem:$0xA68] =	vst v0  }
0xa4: {  	[tilespmem:$0xA78] =	vst v0  }
0xa5: {  	[tilespmem:$0xA88] =	vst v0  }
0xa6: {  	[tilespmem:$0xA98] =	vst v0  }
0xa7: {  	[tilespmem:$0xAA8] =	vst v0  }
0xa8: {  	[tilespmem:$0xAB8] =	vst v0  }
0xa9: {  	[tilespmem:$0xAC8] =	vst v0  }
0xaa: {  	[tilespmem:$0xAD8] =	vst v0  }
0xab: {  	[tilespmem:$0xAE8] =	vst v0  }
0xac: {  	[tilespmem:$0xAF8] =	vst v0  }
0xad: {  	[tilespmem:$0xB08] =	vst v0  }
0xae: {  	[tilespmem:$0xB18] =	vst v0  }
0xaf: {  	[tilespmem:$0xB28] =	vst v0  }
0xb0: {  	[tilespmem:$0xB38] =	vst v0  }
0xb1: {  	[tilespmem:$0xB48] =	vst v0  }
0xb2: {  	[tilespmem:$0xB58] =	vst v0  }
0xb3: {  	[tilespmem:$0xB68] =	vst v0  }
0xb4: {  	[tilespmem:$0xB78] =	vst v0  }
0xb5: {  	[tilespmem:$0xB88] =	vst v0  }
0xb6: {  	[tilespmem:$0xB98] =	vst v0  }
0xb7: {  	[tilespmem:$0xBA8] =	vst v0  }
0xb8: {  	[tilespmem:$0xBB8] =	vst v0  }
0xb9: {  	[tilespmem:$0xBC8] =	vst v0  }
0xba: {  	[tilespmem:$0xBD8] =	vst v0  }
0xbb: {  	[tilespmem:$0xBE8] =	vst v0  }
0xbc: {  	[tilespmem:$0xBF8] =	vst v0  }
0xbd: {  	[tilespmem:$0xC08] =	vst v0  }
0xbe: {  	[tilespmem:$0xC18] =	vst v0  }
0xbf: {  	[tilespmem:$0xC28] =	vst v0  }
0xc0: {  	[tilespmem:$0xC38] =	vst v0  }
0xc1: {  	[tilespmem:$0xC48] =	vst v0  }
0xc2: {  	[tilespmem:$0xC58] =	vst v0  }
0xc3: {  	[tilespmem:$0xC68] =	vst v0  }
0xc4: {  	[tilespmem:$0xC78] =	vst v0  }
0xc5: {  	[tilespmem:$0xC88] =	vst v0  }
0xc6: {  	[tilespmem:$0xC98] =	vst v0  }
0xc7: {  	[tilespmem:$0xCA8] =	vst v0  }
0xc8: {  	[tilespmem:$0xCB8] =	vst v0  }
0xc9: {  	[tilespmem:$0xCC8] =	vst v0  }
0xca: {  	[tilespmem:$0xCD8] =	vst v0  }
0xcb: {  	[tilespmem:$0xCE8] =	vst v0  }
0xcc: {  	[tilespmem:$0xCF8] =	vst v0  }
0xcd: {  	[tilespmem:$0xD08] =	vst v0  }
0xce: {  	[tilespmem:$0xD18] =	vst v0  }
0xcf: {  	[tilespmem:$0xD28] =	vst v0  }
0xd0: {  	[tilespmem:$0xD38] =	vst v0  }
0xd1: {  	[tilespmem:$0xD48] =	vst v0  }
0xd2: {  	[tilespmem:$0xD58] =	vst v0  }
0xd3: {  	[tilespmem:$0xD68] =	vst v0  }
0xd4: {  	[tilespmem:$0xD78] =	vst v0  }
0xd5: {  	[tilespmem:$0xD88] =	vst v0  }
0xd6: {  	[tilespmem:$0xD98] =	vst v0  }
0xd7: {  	[tilespmem:$0xDA8] =	vst v0  }
0xd8: {  	[tilespmem:$0xDB8] =	vst v0  }
0xd9: {  	[tilespmem:$0xDC8] =	vst v0  }
0xda: {  	[tilespmem:$0xDD8] =	vst v0  }
0xdb: {  	[tilespmem:$0xDE8] =	vst v0  }
0xdc: {  	[tilespmem:$0xDF8] =	vst v0  }
0xdd: {  	[tilespmem:$0xE08] =	vst v0  }
0xde: {  	[tilespmem:$0xE18] =	vst v0  }
0xdf: {  	[tilespmem:$0xE28] =	vst v0  }
0xe0: {  	[tilespmem:$0xE38] =	vst v0  }
0xe1: {  	[tilespmem:$0xE48] =	vst v0  }
0xe2: {  	[tilespmem:$0xE58] =	vst v0  }
0xe3: {  	[tilespmem:$0xE68] =	vst v0  }
0xe4: {  	[tilespmem:$0xE78] =	vst v0  }
0xe5: {  	[tilespmem:$0xE88] =	vst v0  }
0xe6: {  	[tilespmem:$0xE98] =	vst v0  }
0xe7: {  	[tilespmem:$0xEA8] =	vst v0  }
0xe8: {  	[tilespmem:$0xEB8] =	vst v0  }
0xe9: {  	[tilespmem:$0xEC8] =	vst v0  }
0xea: {  	[tilespmem:$0xED8] =	vst v0  }
0xeb: {  	[tilespmem:$0xEE8] =	vst v0  }
0xec: {  	[tilespmem:$0xEF8] =	vst v0  }
0xed: {  	[tilespmem:$0xF08] =	vst v0  }
0xee: {  	[tilespmem:$0xF18] =	vst v0  }
0xef: {  	[tilespmem:$0xF28] =	vst v0  }
0xf0: {  	[tilespmem:$0xF38] =	vst v0  }
0xf1: {  	[tilespmem:$0xF48] =	vst v0  }
0xf2: {  	[tilespmem:$0xF58] =	vst v0  }
0xf3: {  	[tilespmem:$0xF68] =	vst v0  }
0xf4: {  	[tilespmem:$0xF78] =	vst v0  }
0xf5: {  	[tilespmem:$0xF88] =	vst v0  }
0xf6: {  	[tilespmem:$0xF98] =	vst v0  }
0xf7: {  	[tilespmem:$0xFA8] =	vst v0  }
0xf8: {  	[tilespmem:$0xFB8] =	vst v0  }
0xf9: {  	[tilespmem:$0xFC8] =	vst v0  }
0xfa: {  	[tilespmem:$0xFD8] =	vst v0  }
0xfb: {  	[tilespmem:$0xFE8] =	vst v0  }
0xfc: {  	[tilespmem:$0xFF8] =	vst v0  }
0xfd: {  	[tilespmem:$0x1008] =	vst v0  }
0xfe: {  	[tilespmem:$0x1018] =	vst v0  }
0xff: {  	[tilespmem:$0x1028] =	vst v0  }
0x100: {  	[tilespmem:$0x1038] =	vst v0  }
0x101: {  	[tilespmem:$0x1048] =	vst v0  }
0x102: {  	[tilespmem:$0x1058] =	vst v0  }
0x103: {  	[tilespmem:$0x1068] =	vst v0  }
0x104: {  	[tilespmem:$0x1078] =	vst v0  }
0x105: {  	[tilespmem:$0x1088] =	vst v0  }
0x106: {  	[tilespmem:$0x1098] =	vst v0  }
0x107: {  	[tilespmem:$0x10A8] =	vst v0  }
0x108: {  	[tilespmem:$0x10B8] =	vst v0  }
0x109: {  	[tilespmem:$0x10C8] =	vst v0  }
0x10a: {  	[tilespmem:$0x10D8] =	vst v0  }
0x10b: {  	[tilespmem:$0x10E8] =	vst v0  }
0x10c: {  	[tilespmem:$0x10F8] =	vst v0  }
0x10d: {  	[tilespmem:$0x1108] =	vst v0  }
0x10e: {  	[tilespmem:$0x1118] =	vst v0  }
0x10f: {  	[tilespmem:$0x1128] =	vst v0  }
0x110: {  	[tilespmem:$0x1138] =	vst v0  }
0x111: {  	[tilespmem:$0x1148] =	vst v0  }
0x112: {  	[tilespmem:$0x1158] =	vst v0  }
0x113: {  	[tilespmem:$0x1168] =	vst v0  }
0x114: {  	[tilespmem:$0x1178] =	vst v0  }
0x115: {  	[tilespmem:$0x1188] =	vst v0  }
0x116: {  	[tilespmem:$0x1198] =	vst v0  }
0x117: {  	[tilespmem:$0x11A8] =	vst v0  }
0x118: {  	[tilespmem:$0x11B8] =	vst v0  }
0x119: {  	[tilespmem:$0x11C8] =	vst v0  }
0x11a: {  	[tilespmem:$0x11D8] =	vst v0  }
0x11b: {  	[tilespmem:$0x11E8] =	vst v0  }
0x11c: {  	[tilespmem:$0x11F8] =	vst v0  }
0x11d: {  	[tilespmem:$0x1208] =	vst v0  }
0x11e: {  	[tilespmem:$0x1218] =	vst v0  }
0x11f: {  	[tilespmem:$0x1228] =	vst v0  }
0x120: {  	[tilespmem:$0x1238] =	vst v0  }
0x121: {  	[tilespmem:$0x1248] =	vst v0  }
0x122: {  	[tilespmem:$0x1258] =	vst v0  }
0x123: {  	[tilespmem:$0x1268] =	vst v0  }
0x124: {  	[tilespmem:$0x1278] =	vst v0  }
0x125: {  	[tilespmem:$0x21A8] =	vst v0  }
0x126: {  	[tilespmem:$0x21B8] =	vst v0  }
0x127: {  	[tilespmem:$0x1288] =	vst v0  }
0x128: {  	[tilespmem:$0x1298] =	vst v0  }
0x129: {  	[tilespmem:$0x12A8] =	vst v0  }
0x12a: {  	[tilespmem:$0x12B8] =	vst v0  }
0x12b: {  	[tilespmem:$0x12C8] =	vst v0  }
0x12c: {  	[tilespmem:$0x12D8] =	vst v0  }
0x12d: {  	[tilespmem:$0x12E8] =	vst v0  }
0x12e: {  	[tilespmem:$0x12F8] =	vst v0  }
0x12f: {  	[tilespmem:$0x1308] =	vst v0  }
0x130: {  	[tilespmem:$0x1318] =	vst v0  }
0x131: {  	[tilespmem:$0x1328] =	vst v0  }
0x132: {  	[tilespmem:$0x1338] =	vst v0  }
0x133: {  	[tilespmem:$0x1348] =	vst v0  }
0x134: {  	[tilespmem:$0x1358] =	vst v0  }
0x135: {  	[tilespmem:$0x1368] =	vst v0  }
0x136: {  	[tilespmem:$0x1378] =	vst v0  }
0x137: {  	[tilespmem:$0x1388] =	vst v0  }
0x138: {  	[tilespmem:$0x1398] =	vst v0  }
0x139: {  	[tilespmem:$0x13A8] =	vst v0  }
0x13a: {  	[tilespmem:$0x13B8] =	vst v0  }
0x13b: {  	[tilespmem:$0x13C8] =	vst v0  }
0x13c: {  	[tilespmem:$0x13D8] =	vst v0  }
0x13d: {  	[tilespmem:$0x13E8] =	vst v0  }
0x13e: {  	[tilespmem:$0x13F8] =	vst v0  }
0x13f: {  	[tilespmem:$0x1408] =	vst v0  }
0x140: {  	[tilespmem:$0x1418] =	vst v0  }
0x141: {  	[tilespmem:$0x1428] =	vst v0  }
0x142: {  	[tilespmem:$0x1438] =	vst v0  }
0x143: {  	[tilespmem:$0x1448] =	vst v0  }
0x144: {  	[tilespmem:$0x1458] =	vst v0  }
0x145: {  	[tilespmem:$0x1468] =	vst v0  }
0x146: {  	[tilespmem:$0x1478] =	vst v0  }
0x147: {  	[tilespmem:$0x1488] =	vst v0  }
0x148: {  	[tilespmem:$0x1498] =	vst v0  }
0x149: {  	[tilespmem:$0x14A8] =	vst v0  }
0x14a: {  	[tilespmem:$0x14B8] =	vst v0  }
0x14b: {  	[tilespmem:$0x14C8] =	vst v0  }
0x14c: {  	[tilespmem:$0x14D8] =	vst v0  }
0x14d: {  	[tilespmem:$0x14E8] =	vst v0  }
0x14e: {  	[tilespmem:$0x14F8] =	vst v0  }
0x14f: {  	[tilespmem:$0x1508] =	vst v0  }
0x150: {  	[tilespmem:$0x1518] =	vst v0  }
0x151: {  	[tilespmem:$0x1528] =	vst v0  }
0x152: {  	[tilespmem:$0x1538] =	vst v0  }
0x153: {  	[tilespmem:$0x1548] =	vst v0  }
0x154: {  	[tilespmem:$0x1558] =	vst v0  }
0x155: {  	[tilespmem:$0x1568] =	vst v0  }
0x156: {  	[tilespmem:$0x1578] =	vst v0  }
0x157: {  	[tilespmem:$0x1588] =	vst v0  }
0x158: {  	[tilespmem:$0x1598] =	vst v0  }
0x159: {  	[tilespmem:$0x15A8] =	vst v0  }
0x15a: {  	[tilespmem:$0x15B8] =	vst v0  }
0x15b: {  	[tilespmem:$0x15C8] =	vst v0  }
0x15c: {  	[tilespmem:$0x15D8] =	vst v0  }
0x15d: {  	[tilespmem:$0x15E8] =	vst v0  }
0x15e: {  	[tilespmem:$0x15F8] =	vst v0  }
0x15f: {  	[tilespmem:$0x1608] =	vst v0  }
0x160: {  	[tilespmem:$0x1618] =	vst v0  }
0x161: {  	[tilespmem:$0x1628] =	vst v0  }
0x162: {  	[tilespmem:$0x1638] =	vst v0  }
0x163: {  	[tilespmem:$0x1648] =	vst v0  }
0x164: {  	[tilespmem:$0x1658] =	vst v0  }
0x165: {  	[tilespmem:$0x1668] =	vst v0  }
0x166: {  	[tilespmem:$0x1678] =	vst v0  }
0x167: {  	[tilespmem:$0x1688] =	vst v0  }
0x168: {  	[tilespmem:$0x1698] =	vst v0  }
0x169: {  	[tilespmem:$0x16A8] =	vst v0  }
0x16a: {  	[tilespmem:$0x16B8] =	vst v0  }
0x16b: {  	[tilespmem:$0x16C8] =	vst v0  }
0x16c: {  	[tilespmem:$0x16D8] =	vst v0  }
0x16d: {  	[tilespmem:$0x16E8] =	vst v0  }
0x16e: {  	[tilespmem:$0x16F8] =	vst v0  }
0x16f: {  	[tilespmem:$0x1708] =	vst v0  }
0x170: {  	[tilespmem:$0x1718] =	vst v0  }
0x171: {  	[tilespmem:$0x1728] =	vst v0  }
0x172: {  	[tilespmem:$0x1738] =	vst v0  }
0x173: {  	[tilespmem:$0x1748] =	vst v0  }
0x174: {  	[tilespmem:$0x1758] =	vst v0  }
0x175: {  	[tilespmem:$0x1768] =	vst v0  }
0x176: {  	[tilespmem:$0x1778] =	vst v0  }
0x177: {  	[tilespmem:$0x1788] =	vst v0  }
0x178: {  	[tilespmem:$0x1798] =	vst v0  }
0x179: {  	[tilespmem:$0x17A8] =	vst v0  }
0x17a: {  	[tilespmem:$0x17B8] =	vst v0  }
0x17b: {  	[tilespmem:$0x17C8] =	vst v0  }
0x17c: {  	[tilespmem:$0x17D8] =	vst v0  }
0x17d: {  	[tilespmem:$0x17E8] =	vst v0  }
0x17e: {  	[tilespmem:$0x17F8] =	vst v0  }
0x17f: {  	[tilespmem:$0x1808] =	vst v0  }
0x180: {  	[tilespmem:$0x1818] =	vst v0  }
0x181: {  	[tilespmem:$0x1828] =	vst v0  }
0x182: {  	[tilespmem:$0x1838] =	vst v0  }
0x183: {  	[tilespmem:$0x1848] =	vst v0  }
0x184: {  	[tilespmem:$0x1858] =	vst v0  }
0x185: {  	[tilespmem:$0x1868] =	vst v0  }
0x186: {  	[tilespmem:$0x1878] =	vst v0  }
0x187: {  	[tilespmem:$0x1888] =	vst v0  }
0x188: {  	[tilespmem:$0x1898] =	vst v0  }
0x189: {  	[tilespmem:$0x18A8] =	vst v0  }
0x18a: {  	[tilespmem:$0x18B8] =	vst v0  }
0x18b: {  	[tilespmem:$0x18C8] =	vst v0  }
0x18c: {  	[tilespmem:$0x18D8] =	vst v0  }
0x18d: {  	[tilespmem:$0x18E8] =	vst v0  }
0x18e: {  	[tilespmem:$0x18F8] =	vst v0  }
0x18f: {  	[tilespmem:$0x1908] =	vst v0  }
0x190: {  	[tilespmem:$0x1918] =	vst v0  }
0x191: {  	[tilespmem:$0x1928] =	vst v0  }
0x192: {  	[tilespmem:$0x1938] =	vst v0  }
0x193: {  	[tilespmem:$0x1948] =	vst v0  }
0x194: {  	[tilespmem:$0x1958] =	vst v0  }
0x195: {  	[tilespmem:$0x1968] =	vst v0  }
0x196: {  	[tilespmem:$0x1978] =	vst v0  }
0x197: {  	[tilespmem:$0x1988] =	vst v0  }
0x198: {  	[tilespmem:$0x1998] =	vst v0  }
0x199: {  	[tilespmem:$0x19A8] =	vst v0  }
0x19a: {  	[tilespmem:$0x19B8] =	vst v0  }
0x19b: {  	[tilespmem:$0x19C8] =	vst v0  }
0x19c: {  	[tilespmem:$0x19D8] =	vst v0  }
0x19d: {  	[tilespmem:$0x19E8] =	vst v0  }
0x19e: {  	[tilespmem:$0x19F8] =	vst v0  }
0x19f: {  	[tilespmem:$0x1A08] =	vst v0  }
0x1a0: {  	[tilespmem:$0x1A18] =	vst v0  }
0x1a1: {  	[tilespmem:$0x1A28] =	vst v0  }
0x1a2: {  	[tilespmem:$0x1A38] =	vst v0  }
0x1a3: {  	[tilespmem:$0x1A48] =	vst v0  }
0x1a4: {  	[tilespmem:$0x1A58] =	vst v0  }
0x1a5: {  	[tilespmem:$0x1A68] =	vst v0  }
0x1a6: {  	[tilespmem:$0x1A78] =	vst v0  }
0x1a7: {  	[tilespmem:$0x1A88] =	vst v0  }
0x1a8: {  	[tilespmem:$0x1A98] =	vst v0  }
0x1a9: {  	[tilespmem:$0x1AA8] =	vst v0  }
0x1aa: {  	[tilespmem:$0x1AB8] =	vst v0  }
0x1ab: {  	[tilespmem:$0x1AC8] =	vst v0  }
0x1ac: {  	[tilespmem:$0x1AD8] =	vst v0  }
0x1ad: {  	[tilespmem:$0x1AE8] =	vst v0  }
0x1ae: {  	[tilespmem:$0x1AF8] =	vst v0  }
0x1af: {  	[tilespmem:$0x1B08] =	vst v0  }
0x1b0: {  	[tilespmem:$0x1B18] =	vst v0  }
0x1b1: {  	[tilespmem:$0x1B28] =	vst v0  }
0x1b2: {  	[tilespmem:$0x1B38] =	vst v0  }
0x1b3: {  	[tilespmem:$0x1B48] =	vst v0  }
0x1b4: {  	[tilespmem:$0x1B58] =	vst v0  }
0x1b5: {  	[tilespmem:$0x1B68] =	vst v0  }
0x1b6: {  	[tilespmem:$0x1B78] =	vst v0  }
0x1b7: {  	[tilespmem:$0x1B88] =	vst v0  }
0x1b8: {  	[tilespmem:$0x1B98] =	vst v0  }
0x1b9: {  	[tilespmem:$0x1BA8] =	vst v0  }
0x1ba: {  	[tilespmem:$0x1BB8] =	vst v0  }
0x1bb: {  	[tilespmem:$0x1BC8] =	vst v0  }
0x1bc: {  	[tilespmem:$0x1BD8] =	vst v0  }
0x1bd: {  	[tilespmem:$0x1BE8] =	vst v0  }
0x1be: {  	[tilespmem:$0x1BF8] =	vst v0  }
0x1bf: {  	[tilespmem:$0x1C08] =	vst v0  }
0x1c0: {  	[tilespmem:$0x1C18] =	vst v0  }
0x1c1: {  	[tilespmem:$0x1C28] =	vst v0  }
0x1c2: {  	[tilespmem:$0x1C38] =	vst v0  }
0x1c3: {  	[tilespmem:$0x1C48] =	vst v0  }
0x1c4: {  	[tilespmem:$0x1C58] =	vst v0  }
0x1c5: {  	[tilespmem:$0x1C68] =	vst v0  }
0x1c6: {  	[tilespmem:$0x1C78] =	vst v0  }
0x1c7: {  	[tilespmem:$0x1C88] =	vst v0  }
0x1c8: {  	[tilespmem:$0x1C98] =	vst v0  }
0x1c9: {  	[tilespmem:$0x1CA8] =	vst v0  }
0x1ca: {  	[tilespmem:$0x1CB8] =	vst v0  }
0x1cb: {  	[tilespmem:$0x1CC8] =	vst v0  }
0x1cc: {  	[tilespmem:$0x1CD8] =	vst v0  }
0x1cd: {  	[tilespmem:$0x1CE8] =	vst v0  }
0x1ce: {  	[tilespmem:$0x1CF8] =	vst v0  }
0x1cf: {  	[tilespmem:$0x1D08] =	vst v0  }
0x1d0: {  	[tilespmem:$0x1D18] =	vst v0  }
0x1d1: {  	[tilespmem:$0x1D28] =	vst v0  }
0x1d2: {  	[tilespmem:$0x1D38] =	vst v0  }
0x1d3: {  	[tilespmem:$0x1D48] =	vst v0  }
0x1d4: {  	[tilespmem:$0x1D58] =	vst v0  }
0x1d5: {  	[tilespmem:$0x1D68] =	vst v0  }
0x1d6: {  	[tilespmem:$0x1D78] =	vst v0  }
0x1d7: {  	[tilespmem:$0x1D88] =	vst v0  }
0x1d8: {  	[tilespmem:$0x1D98] =	vst v0  }
0x1d9: {  	[tilespmem:$0x1DA8] =	vst v0  }
0x1da: {  	[tilespmem:$0x1DB8] =	vst v0  }
0x1db: {  	[tilespmem:$0x1DC8] =	vst v0  }
0x1dc: {  	[tilespmem:$0x1DD8] =	vst v0  }
0x1dd: {  	[tilespmem:$0x1DE8] =	vst v0  }
0x1de: {  	[tilespmem:$0x1DF8] =	vst v0  }
0x1df: {  	[tilespmem:$0x1E08] =	vst v0  }
0x1e0: {  	[tilespmem:$0x1E18] =	vst v0  }
0x1e1: {  	[tilespmem:$0x1E28] =	vst v0  }
0x1e2: {  	[tilespmem:$0x1E38] =	vst v0  }
0x1e3: {  	[tilespmem:$0x1E48] =	vst v0  }
0x1e4: {  	[tilespmem:$0x1E58] =	vst v0  }
0x1e5: {  	[tilespmem:$0x1E68] =	vst v0  }
0x1e6: {  	[tilespmem:$0x1E78] =	vst v0  }
0x1e7: {  	[tilespmem:$0x1E88] =	vst v0  }
0x1e8: {  	[tilespmem:$0x1E98] =	vst v0  }
0x1e9: {  	[tilespmem:$0x1EA8] =	vst v0  }
0x1ea: {  	[tilespmem:$0x1EB8] =	vst v0  }
0x1eb: {  	[tilespmem:$0x1EC8] =	vst v0  }
0x1ec: {  	[tilespmem:$0x1ED8] =	vst v0  }
0x1ed: {  	[tilespmem:$0x1EE8] =	vst v0  }
0x1ee: {  	[tilespmem:$0x1EF8] =	vst v0  }
0x1ef: {  	[tilespmem:$0x1F08] =	vst v0  }
0x1f0: {  	[tilespmem:$0x1F18] =	vst v0  }
0x1f1: {  	[tilespmem:$0x1F28] =	vst v0  }
0x1f2: {  	[tilespmem:$0x1F38] =	vst v0  }
0x1f3: {  	[tilespmem:$0x1F48] =	vst v0  }
0x1f4: {  	[tilespmem:$0x1F58] =	vst v0  }
0x1f5: {  	[tilespmem:$0x1F68] =	vst v0  }
0x1f6: {  	[tilespmem:$0x1F78] =	vst v0  }
0x1f7: {  	[tilespmem:$0x1F88] =	vst v0  }
0x1f8: {  	[tilespmem:$0x1F98] =	vst v0  }
0x1f9: {  	[tilespmem:$0x1FA8] =	vst v0  }
0x1fa: {  	[tilespmem:$0x1FB8] =	vst v0  }
0x1fb: {  	[tilespmem:$0x1FC8] =	vst v0  }
0x1fc: {  	[tilespmem:$0x1FD8] =	vst v0  }
0x1fd: {  	[tilespmem:$0x1FE8] =	vst v0  }
0x1fe: {  	[tilespmem:$0x1FF8] =	vst v0  }
0x1ff: {  	[tilespmem:$0x2008] =	vst v0  }
0x200: {  	[tilespmem:$0x2018] =	vst v0  }
0x201: {  	[tilespmem:$0x2028] =	vst v0  }
0x202: {  	[tilespmem:$0x2038] =	vst v0  }
0x203: {  	[tilespmem:$0x2048] =	vst v0  }
0x204: {  	[tilespmem:$0x2058] =	vst v0  }
0x205: {  	[tilespmem:$0x2068] =	vst v0  }
0x206: {  	[tilespmem:$0x2078] =	vst v0  }
0x207: {  	[tilespmem:$0x2088] =	vst v0  }
0x208: {  	[tilespmem:$0x2098] =	vst v0  }
0x209: {  	[tilespmem:$0x20A8] =	vst v0  }
0x20a: {  	[tilespmem:$0x20B8] =	vst v0  }
0x20b: {  	[tilespmem:$0x20C8] =	vst v0  }
0x20c: {  	[tilespmem:$0x20D8] =	vst v0  }
0x20d: {  	[tilespmem:$0x20E8] =	vst v0  }
0x20e: {  	[tilespmem:$0x20F8] =	vst v0  }
0x20f: {  	[tilespmem:$0x2108] =	vst v0  }
0x210: {  	[tilespmem:$0x2118] =	vst v0  }
0x211: {  	[tilespmem:$0x2128] =	vst v0  }
0x212: {  	[tilespmem:$0x2138] =	vst v0  }
0x213: {  	[tilespmem:$0x2148] =	vst v0  }
0x214: {  	[tilespmem:$0x2158] =	vst v0  }
0x215: {  	[tilespmem:$0x2168] =	vst v0  }
0x216: {  	[tilespmem:$0x2178] =	vst v0  }
0x217: {  	[tilespmem:$0x2188] =	vst v0  }
0x218: {  	[tilespmem:$0x2198] =	vst v0  }
0x219: {  	[tilespmem:$0x21C8] =	vst v0  }
0x21a: {  	[tilespmem:$0x21D8] =	vst v0  }
0x21b: {  	[tilespmem:$0x21E8] =	vst v0  }
0x21c: {  	[tilespmem:$0x21F8] =	vst v0  }
0x21d: {  	[tilespmem:$0x2208] =	vst v0  }
0x21e: {  	[tilespmem:$0x2218] =	vst v0  }
0x21f: {  	[tilespmem:$0x2228] =	vst v0  }
0x220: {  	[tilespmem:$0x2238] =	vst v0  }
0x221: {  	[tilespmem:$0x2248] =	vst v0  }
0x222: {  	[tilespmem:$0x2258] =	vst v0  }
0x223: {  	[tilespmem:$0x2268] =	vst v0  }
0x224: {  	[tilespmem:$0x2278] =	vst v0  }
0x225: {  	[tilespmem:$0x2288] =	vst v0  }
0x226: {  	[tilespmem:$0x2298] =	vst v0  }
0x227: {  	[tilespmem:$0x22A8] =	vst v0  }
0x228: {  	[tilespmem:$0x22B8] =	vst v0  }
0x229: {  	[tilespmem:$0x22C8] =	vst v0  }
0x22a: {  	[tilespmem:$0x22D8] =	vst v0  }
0x22b: {  	[tilespmem:$0x22E8] =	vst v0  }
0x22c: {  	[tilespmem:$0x22F8] =	vst v0  }
0x22d: {  	[tilespmem:$0x2308] =	vst v0  }
0x22e: {  	[tilespmem:$0x2318] =	vst v0  }
0x22f: {  	[tilespmem:$0x2328] =	vst v0  }
0x230: {  	[tilespmem:$0x2338] =	vst v0  }
0x231: {  	[tilespmem:$0x2348] =	vst v0  }
0x232: {  	[tilespmem:$0x2358] =	vst v0  }
0x233: {  	[tilespmem:$0x2368] =	vst v0  }
0x234: {  	[tilespmem:$0x2378] =	vst v0  }
0x235: {  	[tilespmem:$0x2388] =	vst v0  }
0x236: {  	[tilespmem:$0x2398] =	vst v0  }
0x237: {  	[tilespmem:$0x23A8] =	vst v0  }
0x238: {  	[tilespmem:$0x23B8] =	vst v0  }
0x239: {  	[tilespmem:$0x23C8] =	vst v0  }
0x23a: {  	[tilespmem:$0x23D8] =	vst v0  }
0x23b: {  	[tilespmem:$0x23E8] =	vst v0  }
0x23c: {  	[tilespmem:$0x23F8] =	vst v0  }
0x23d: {  	[tilespmem:$0x2408] =	vst v0  }
0x23e: {  	[tilespmem:$0x2418] =	vst v0  }
0x23f: {  	[tilespmem:$0x2428] =	vst v0  }
0x240: {  	[tilespmem:$0x2438] =	vst v0  }
0x241: {  	[tilespmem:$0x2448] =	vst v0  }
0x242: {  	[tilespmem:$0x2458] =	vst v0  }
0x243: {  	[tilespmem:$0x2468] =	vst v0  }
0x244: {  	[tilespmem:$0x2478] =	vst v0  }
0x245: {  	[tilespmem:$0x2488] =	vst v0  }
0x246: {  	[tilespmem:$0x2498] =	vst v0  }
0x247: {  	[tilespmem:$0x24A8] =	vst v0  }
0x248: {  	[tilespmem:$0x24B8] =	vst v0  }
0x249: {  	[tilespmem:$0x24C8] =	vst v0  }
0x24a: {  	[tilespmem:$0x24D8] =	vst v0  }
0x24b: {  	[tilespmem:$0x24E8] =	vst v0  }
0x24c: {  	[tilespmem:$0x24F8] =	vst v0  }
0x24d: {  	[tilespmem:$0x2508] =	vst v0  }
0x24e: {  	[tilespmem:$0x2518] =	vst v0  }
0x24f: {  	[tilespmem:$0x2528] =	vst v0  }
0x250: {  	[tilespmem:$0x2538] =	vst v0  }
0x251: {  	[tilespmem:$0x2548] =	vst v0  }
0x252: {  	[tilespmem:$0x2558] =	vst v0  }
0x253: {  	[tilespmem:$0x2568] =	vst v0  }
0x254: {  	[tilespmem:$0x2578] =	vst v0  }
0x255: {  	[tilespmem:$0x2588] =	vst v0  }
0x256: {  	[tilespmem:$0x2598] =	vst v0  }
0x257: {  	[tilespmem:$0x25A8] =	vst v0  }
0x258: {  	[tilespmem:$0x25B8] =	vst v0  }
0x259: {  	[tilespmem:$0x25C8] =	vst v0  }
0x25a: {  	[tilespmem:$0x25D8] =	vst v0  }
0x25b: {  	[tilespmem:$0x25E8] =	vst v0  }
0x25c: {  	[tilespmem:$0x25F8] =	vst v0  }
0x25d: {  	[tilespmem:$0x2608] =	vst v0  }
0x25e: {  	[tilespmem:$0x2618] =	vst v0  }
0x25f: {  	[tilespmem:$0x2628] =	vst v0  }
0x260: {  	[tilespmem:$0x2638] =	vst v0  }
0x261: {  	[tilespmem:$0x2648] =	vst v0  }
0x262: {  	[tilespmem:$0x2658] =	vst v0  }
0x263: {  	[tilespmem:$0x2668] =	vst v0  }
0x264: {  	[tilespmem:$0x2678] =	vst v0  }
0x265: {  	[tilespmem:$0x2688] =	vst v0  }
0x266: {  	[tilespmem:$0x2698] =	vst v0  }
0x267: {  	[tilespmem:$0x26A8] =	vst v0  }
0x268: {  	[tilespmem:$0x26B8] =	vst v0  }
0x269: {  	[tilespmem:$0x26C8] =	vst v0  }
0x26a: {  	[tilespmem:$0x26D8] =	vst v0  }
0x26b: {  	[tilespmem:$0x26E8] =	vst v0  }
0x26c: {  	[tilespmem:$0x26F8] =	vst v0  }
0x26d: {  	[tilespmem:$0x2708] =	vst v0  }
0x26e: {  	[tilespmem:$0x2718] =	vst v0  }
0x26f: {  	[tilespmem:$0x2728] =	vst v0  }
0x270: {  	[tilespmem:$0x2738] =	vst v0  }
0x271: {  	[tilespmem:$0x2748] =	vst v0  }
0x272: {  	[tilespmem:$0x2758] =	vst v0  }
0x273: {  	[tilespmem:$0x2768] =	vst v0  }
0x274: {  	[tilespmem:$0x2778] =	vst v0  }
0x275: {  	[tilespmem:$0x2788] =	vst v0  }
0x276: {  	[tilespmem:$0x2798] =	vst v0  }
0x277: {  	[tilespmem:$0x27A8] =	vst v0  }
0x278: {  	[tilespmem:$0x27B8] =	vst v0  }
0x279: {  	[tilespmem:$0x27C8] =	vst v0  }
0x27a: {  	[tilespmem:$0x27D8] =	vst v0  }
0x27b: {  	[tilespmem:$0x27E8] =	vst v0  }
0x27c: {  	[tilespmem:$0x27F8] =	vst v0  }
0x27d: {  	[tilespmem:$0x2808] =	vst v0  }
0x27e: {  	[tilespmem:$0x2818] =	vst v0  }
0x27f: {  	[tilespmem:$0x2828] =	vst v0  }
0x280: {  	[tilespmem:$0x2838] =	vst v0  }
0x281: {  	[tilespmem:$0x2848] =	vst v0  }
0x282: {  	[tilespmem:$0x2858] =	vst v0  }
0x283: {  	[tilespmem:$0x2868] =	vst v0  }
0x284: {  	[tilespmem:$0x2878] =	vst v0  }
0x285: {  	[tilespmem:$0x2888] =	vst v0  }
0x286: {  	[tilespmem:$0x2898] =	vst v0  }
0x287: {  	[tilespmem:$0x28A8] =	vst v0  }
0x288: {  	[tilespmem:$0x28B8] =	vst v0  }
0x289: {  	[tilespmem:$0x28C8] =	vst v0  }
0x28a: {  	[tilespmem:$0x28D8] =	vst v0  }
0x28b: {  	[tilespmem:$0x28E8] =	vst v0  }
0x28c: {  	[tilespmem:$0x28F8] =	vst v0  }
0x28d: {  	[tilespmem:$0x2908] =	vst v0  }
0x28e: {  	[tilespmem:$0x2918] =	vst v0  }
0x28f: {  	[tilespmem:$0x2928] =	vst v0  }
0x290: {  	[tilespmem:$0x2938] =	vst v0  }
0x291: {  	[tilespmem:$0x2948] =	vst v0  }
0x292: {  	[tilespmem:$0x2958] =	vst v0  }
0x293: {  	[tilespmem:$0x2968] =	vst v0  }
0x294: {  	[tilespmem:$0x2978] =	vst v0  }
0x295: {  	[tilespmem:$0x2988] =	vst v0  }
0x296: {  	[tilespmem:$0x2998] =	vst v0  }
0x297: {  	[tilespmem:$0x29A8] =	vst v0  }
0x298: {  	[tilespmem:$0x29B8] =	vst v0  }
0x299: {  	[tilespmem:$0x29C8] =	vst v0  }
0x29a: {  	[tilespmem:$0x29D8] =	vst v0  }
0x29b: {  	[tilespmem:$0x29E8] =	vst v0  }
0x29c: {  	[tilespmem:$0x29F8] =	vst v0  }
0x29d: {  	[tilespmem:$0x2A08] =	vst v0  }
0x29e: {  	[tilespmem:$0x2A18] =	vst v0  }
0x29f: {  	[tilespmem:$0x2A28] =	vst v0  }
0x2a0: {  	[tilespmem:$0x2A38] =	vst v0  }
0x2a1: {  	[tilespmem:$0x2A48] =	vst v0  }
0x2a2: {  	[tilespmem:$0x2A58] =	vst v0  }
0x2a3: {  	[tilespmem:$0x2A68] =	vst v0  }
0x2a4: {  	[tilespmem:$0x2A78] =	vst v0  }
0x2a5: {  	[tilespmem:$0x2A88] =	vst v0  }
0x2a6: {  	[tilespmem:$0x2A98] =	vst v0  }
0x2a7: {  	[tilespmem:$0x2AA8] =	vst v0  }
0x2a8: {  	[tilespmem:$0x2AB8] =	vst v0  }
0x2a9: {  	[tilespmem:$0x2AC8] =	vst v0  }
0x2aa: {  	[tilespmem:$0x2AD8] =	vst v0  }
0x2ab: {  	[tilespmem:$0x2AE8] =	vst v0  }
0x2ac: {  	[tilespmem:$0x2AF8] =	vst v0  }
0x2ad: {  	[tilespmem:$0x2B08] =	vst v0  }
0x2ae: {  	[tilespmem:$0x2B18] =	vst v0  }
0x2af: {  	[tilespmem:$0x2B28] =	vst v0  }
0x2b0: {  	[tilespmem:$0x2B38] =	vst v0  }
0x2b1: {  	[tilespmem:$0x2B48] =	vst v0  }
0x2b2: {  	[tilespmem:$0x2B58] =	vst v0  }
0x2b3: {  	[tilespmem:$0x2B68] =	vst v0  }
0x2b4: {  	[tilespmem:$0x2B78] =	vst v0  }
0x2b5: {  	[tilespmem:$0x2B88] =	vst v0  }
0x2b6: {  	[tilespmem:$0x2B98] =	vst v0  }
0x2b7: {  	[tilespmem:$0x2BA8] =	vst v0  }
0x2b8: {  	[tilespmem:$0x2BB8] =	vst v0  }
0x2b9: {  	[tilespmem:$0x2BC8] =	vst v0  }
0x2ba: {  	[tilespmem:$0x2BD8] =	vst v0  }
0x2bb: {  	[tilespmem:$0x2BE8] =	vst v0  }
0x2bc: {  	[tilespmem:$0x2BF8] =	vst v0  }
0x2bd: {  	[tilespmem:$0x2C08] =	vst v0  }
0x2be: {  	[tilespmem:$0x2C18] =	vst v0  }
0x2bf: {  	[tilespmem:$0x2C28] =	vst v0  }
0x2c0: {  	[tilespmem:$0x2C38] =	vst v0  }
0x2c1: {  	[tilespmem:$0x2C48] =	vst v0  }
0x2c2: {  	[tilespmem:$0x2C58] =	vst v0  }
0x2c3: {  	[tilespmem:$0x2C68] =	vst v0  }
0x2c4: {  	[tilespmem:$0x2C78] =	vst v0  }
0x2c5: {  	[tilespmem:$0x2C88] =	vst v0  }
0x2c6: {  	[tilespmem:$0x2C98] =	vst v0  }
0x2c7: {  	[tilespmem:$0x2CA8] =	vst v0  }
0x2c8: {  	[tilespmem:$0x2CB8] =	vst v0  }
0x2c9: {  	[tilespmem:$0x2CC8] =	vst v0  }
0x2ca: {  	[tilespmem:$0x2CD8] =	vst v0  }
0x2cb: {  	[tilespmem:$0x2CE8] =	vst v0  }
0x2cc: {  	[tilespmem:$0x2CF8] =	vst v0  }
0x2cd: {  	[tilespmem:$0x2D08] =	vst v0  }
0x2ce: {  	[tilespmem:$0x2D18] =	vst v0  }
0x2cf: {  	[tilespmem:$0x2D28] =	vst v0  }
0x2d0: {  	[tilespmem:$0x2D38] =	vst v0  }
0x2d1: {  	[tilespmem:$0x2D48] =	vst v0  }
0x2d2: {  	[tilespmem:$0x2D58] =	vst v0  }
0x2d3: {  	[tilespmem:$0x2D68] =	vst v0  }
0x2d4: {  	[tilespmem:$0x2D78] =	vst v0  }
0x2d5: {  	[tilespmem:$0x2D88] =	vst v0  }
0x2d6: {  	[tilespmem:$0x2D98] =	vst v0  }
0x2d7: {  	[tilespmem:$0x2DA8] =	vst v0  }
0x2d8: {  	[tilespmem:$0x2DB8] =	vst v0  }
0x2d9: {  	[tilespmem:$0x2DC8] =	vst v0  }
0x2da: {  	[tilespmem:$0x2DD8] =	vst v0  }
0x2db: {  	[tilespmem:$0x2DE8] =	vst v0  }
0x2dc: {  	[tilespmem:$0x2DF8] =	vst v0  }
0x2dd: {  	[tilespmem:$0x2E08] =	vst v0  }
0x2de: {  	[tilespmem:$0x2E18] =	vst v0  }
0x2df: {  	[tilespmem:$0x2E28] =	vst v0  }
0x2e0: {  	[tilespmem:$0x2E38] =	vst v0  }
0x2e1: {  	[tilespmem:$0x2E48] =	vst v0  }
0x2e2: {  	[tilespmem:$0x2E58] =	vst v0  }
0x2e3: {  	[tilespmem:$0x2E68] =	vst v0  }
0x2e4: {  	[tilespmem:$0x2E78] =	vst v0  }
0x2e5: {  	[tilespmem:$0x2E88] =	vst v0  }
0x2e6: {  	[tilespmem:$0x2E98] =	vst v0  }
0x2e7: {  	[tilespmem:$0x2EA8] =	vst v0  }
0x2e8: {  	[tilespmem:$0x2EB8] =	vst v0  }
0x2e9: {  	[tilespmem:$0x2EC8] =	vst v0  }
0x2ea: {  	[tilespmem:$0x2ED8] =	vst v0  }
0x2eb: {  	[tilespmem:$0x2EE8] =	vst v0  }
0x2ec: {  	[tilespmem:$0x2EF8] =	vst v0  }
0x2ed: {  	[tilespmem:$0x2F08] =	vst v0  }
0x2ee: {  	[tilespmem:$0x2F18] =	vst v0  }
0x2ef: {  	[tilespmem:$0x2F28] =	vst v0  }
0x2f0: {  	[tilespmem:$0x2F38] =	vst v0  }
0x2f1: {  	[tilespmem:$0x2F48] =	vst v0  }
0x2f2: {  	[tilespmem:$0x2F58] =	vst v0  }
0x2f3: {  	[tilespmem:$0x2F68] =	vst v0  }
0x2f4: {  	[tilespmem:$0x2F78] =	vst v0  }
0x2f5: {  	[tilespmem:$0x2F88] =	vst v0  }
0x2f6: {  	[tilespmem:$0x2F98] =	vst v0  }
0x2f7: {  	[tilespmem:$0x2FA8] =	vst v0  }
0x2f8: {  	[tilespmem:$0x2FB8] =	vst v0  }
0x2f9: {  	[tilespmem:$0x2FC8] =	vst v0  }
0x2fa: {  	[tilespmem:$0x2FD8] =	vst v0  }
0x2fb: {  	[tilespmem:$0x2FE8] =	vst v0  }
0x2fc: {  	[tilespmem:$0x2FF8] =	vst v0  }
0x2fd: {  	[tilespmem:$0x3008] =	vst v0  }
0x2fe: {  	[tilespmem:$0x3018] =	vst v0  }
0x2ff: {  	[tilespmem:$0x3028] =	vst v0  }
0x300: {  	[tilespmem:$0x3038] =	vst v0  }
0x301: {  	[tilespmem:$0x3048] =	vst v0  }
0x302: {  	[tilespmem:$0x3058] =	vst v0  }
0x303: {  	[tilespmem:$0x3068] =	vst v0  }
0x304: {  	[tilespmem:$0x3078] =	vst v0  }
0x305: {  	[tilespmem:$0x3088] =	vst v0  }
0x306: {  	[tilespmem:$0x3098] =	vst v0  }
0x307: {  	[tilespmem:$0x30A8] =	vst v0  }
0x308: {  	[tilespmem:$0x30B8] =	vst v0  }
0x309: {  	[tilespmem:$0x30C8] =	vst v0  }
0x30a: {  	[tilespmem:$0x30D8] =	vst v0  }
0x30b: {  	[tilespmem:$0x30E8] =	vst v0  }
0x30c: {  	[tilespmem:$0x30F8] =	vst v0  }
0x30d: {  	[tilespmem:$0x3108] =	vst v0  }
0x30e: {  	[tilespmem:$0x3118] =	vst v0  }
0x30f: {  	[tilespmem:$0x3128] =	vst v0  }
0x310: {  	[tilespmem:$0x3138] =	vst v0  }
0x311: {  	[tilespmem:$0x3148] =	vst v0  }
0x312: {  	[tilespmem:$0x3158] =	vst v0  }
0x313: {  	[tilespmem:$0x3168] =	vst v0  }
0x314: {  	[tilespmem:$0x3178] =	vst v0  }
0x315: {  	[tilespmem:$0x3188] =	vst v0  }
0x316: {  	[tilespmem:$0x3198] =	vst v0  }
0x317: {  	[tilespmem:$0x31A8] =	vst v0  }
0x318: {  	[tilespmem:$0x31B8] =	vst v0  }
0x319: {  	[tilespmem:$0x40E8] =	vst v0  }
0x31a: {  	[tilespmem:$0x40F8] =	vst v0  }
0x31b: {  	[tilespmem:$0x31C8] =	vst v0  }
0x31c: {  	[tilespmem:$0x31D8] =	vst v0  }
0x31d: {  	[tilespmem:$0x31E8] =	vst v0  }
0x31e: {  	[tilespmem:$0x31F8] =	vst v0  }
0x31f: {  	[tilespmem:$0x3208] =	vst v0  }
0x320: {  	[tilespmem:$0x3218] =	vst v0  }
0x321: {  	[tilespmem:$0x3228] =	vst v0  }
0x322: {  	[tilespmem:$0x3238] =	vst v0  }
0x323: {  	[tilespmem:$0x3248] =	vst v0  }
0x324: {  	[tilespmem:$0x3258] =	vst v0  }
0x325: {  	[tilespmem:$0x3268] =	vst v0  }
0x326: {  	[tilespmem:$0x3278] =	vst v0  }
0x327: {  	[tilespmem:$0x3288] =	vst v0  }
0x328: {  	[tilespmem:$0x3298] =	vst v0  }
0x329: {  	[tilespmem:$0x32A8] =	vst v0  }
0x32a: {  	[tilespmem:$0x32B8] =	vst v0  }
0x32b: {  	[tilespmem:$0x32C8] =	vst v0  }
0x32c: {  	[tilespmem:$0x32D8] =	vst v0  }
0x32d: {  	[tilespmem:$0x32E8] =	vst v0  }
0x32e: {  	[tilespmem:$0x32F8] =	vst v0  }
0x32f: {  	[tilespmem:$0x3308] =	vst v0  }
0x330: {  	[tilespmem:$0x3318] =	vst v0  }
0x331: {  	[tilespmem:$0x3328] =	vst v0  }
0x332: {  	[tilespmem:$0x3338] =	vst v0  }
0x333: {  	[tilespmem:$0x3348] =	vst v0  }
0x334: {  	[tilespmem:$0x3358] =	vst v0  }
0x335: {  	[tilespmem:$0x3368] =	vst v0  }
0x336: {  	[tilespmem:$0x3378] =	vst v0  }
0x337: {  	[tilespmem:$0x3388] =	vst v0  }
0x338: {  	[tilespmem:$0x3398] =	vst v0  }
0x339: {  	[tilespmem:$0x33A8] =	vst v0  }
0x33a: {  	[tilespmem:$0x33B8] =	vst v0  }
0x33b: {  	[tilespmem:$0x33C8] =	vst v0  }
0x33c: {  	[tilespmem:$0x33D8] =	vst v0  }
0x33d: {  	[tilespmem:$0x33E8] =	vst v0  }
0x33e: {  	[tilespmem:$0x33F8] =	vst v0  }
0x33f: {  	[tilespmem:$0x3408] =	vst v0  }
0x340: {  	[tilespmem:$0x3418] =	vst v0  }
0x341: {  	[tilespmem:$0x3428] =	vst v0  }
0x342: {  	[tilespmem:$0x3438] =	vst v0  }
0x343: {  	[tilespmem:$0x3448] =	vst v0  }
0x344: {  	[tilespmem:$0x3458] =	vst v0  }
0x345: {  	[tilespmem:$0x3468] =	vst v0  }
0x346: {  	[tilespmem:$0x3478] =	vst v0  }
0x347: {  	[tilespmem:$0x3488] =	vst v0  }
0x348: {  	[tilespmem:$0x3498] =	vst v0  }
0x349: {  	[tilespmem:$0x34A8] =	vst v0  }
0x34a: {  	[tilespmem:$0x34B8] =	vst v0  }
0x34b: {  	[tilespmem:$0x34C8] =	vst v0  }
0x34c: {  	[tilespmem:$0x34D8] =	vst v0  }
0x34d: {  	[tilespmem:$0x34E8] =	vst v0  }
0x34e: {  	[tilespmem:$0x34F8] =	vst v0  }
0x34f: {  	[tilespmem:$0x3508] =	vst v0  }
0x350: {  	[tilespmem:$0x3518] =	vst v0  }
0x351: {  	[tilespmem:$0x3528] =	vst v0  }
0x352: {  	[tilespmem:$0x3538] =	vst v0  }
0x353: {  	[tilespmem:$0x3548] =	vst v0  }
0x354: {  	[tilespmem:$0x3558] =	vst v0  }
0x355: {  	[tilespmem:$0x3568] =	vst v0  }
0x356: {  	[tilespmem:$0x3578] =	vst v0  }
0x357: {  	[tilespmem:$0x3588] =	vst v0  }
0x358: {  	[tilespmem:$0x3598] =	vst v0  }
0x359: {  	[tilespmem:$0x35A8] =	vst v0  }
0x35a: {  	[tilespmem:$0x35B8] =	vst v0  }
0x35b: {  	[tilespmem:$0x35C8] =	vst v0  }
0x35c: {  	[tilespmem:$0x35D8] =	vst v0  }
0x35d: {  	[tilespmem:$0x35E8] =	vst v0  }
0x35e: {  	[tilespmem:$0x35F8] =	vst v0  }
0x35f: {  	[tilespmem:$0x3608] =	vst v0  }
0x360: {  	[tilespmem:$0x3618] =	vst v0  }
0x361: {  	[tilespmem:$0x3628] =	vst v0  }
0x362: {  	[tilespmem:$0x3638] =	vst v0  }
0x363: {  	[tilespmem:$0x3648] =	vst v0  }
0x364: {  	[tilespmem:$0x3658] =	vst v0  }
0x365: {  	[tilespmem:$0x3668] =	vst v0  }
0x366: {  	[tilespmem:$0x3678] =	vst v0  }
0x367: {  	[tilespmem:$0x3688] =	vst v0  }
0x368: {  	[tilespmem:$0x3698] =	vst v0  }
0x369: {  	[tilespmem:$0x36A8] =	vst v0  }
0x36a: {  	[tilespmem:$0x36B8] =	vst v0  }
0x36b: {  	[tilespmem:$0x36C8] =	vst v0  }
0x36c: {  	[tilespmem:$0x36D8] =	vst v0  }
0x36d: {  	[tilespmem:$0x36E8] =	vst v0  }
0x36e: {  	[tilespmem:$0x36F8] =	vst v0  }
0x36f: {  	[tilespmem:$0x3708] =	vst v0  }
0x370: {  	[tilespmem:$0x3718] =	vst v0  }
0x371: {  	[tilespmem:$0x3728] =	vst v0  }
0x372: {  	[tilespmem:$0x3738] =	vst v0  }
0x373: {  	[tilespmem:$0x3748] =	vst v0  }
0x374: {  	[tilespmem:$0x3758] =	vst v0  }
0x375: {  	[tilespmem:$0x3768] =	vst v0  }
0x376: {  	[tilespmem:$0x3778] =	vst v0  }
0x377: {  	[tilespmem:$0x3788] =	vst v0  }
0x378: {  	[tilespmem:$0x3798] =	vst v0  }
0x379: {  	[tilespmem:$0x37A8] =	vst v0  }
0x37a: {  	[tilespmem:$0x37B8] =	vst v0  }
0x37b: {  	[tilespmem:$0x37C8] =	vst v0  }
0x37c: {  	[tilespmem:$0x37D8] =	vst v0  }
0x37d: {  	[tilespmem:$0x37E8] =	vst v0  }
0x37e: {  	[tilespmem:$0x37F8] =	vst v0  }
0x37f: {  	[tilespmem:$0x3808] =	vst v0  }
0x380: {  	[tilespmem:$0x3818] =	vst v0  }
0x381: {  	[tilespmem:$0x3828] =	vst v0  }
0x382: {  	[tilespmem:$0x3838] =	vst v0  }
0x383: {  	[tilespmem:$0x3848] =	vst v0  }
0x384: {  	[tilespmem:$0x3858] =	vst v0  }
0x385: {  	[tilespmem:$0x3868] =	vst v0  }
0x386: {  	[tilespmem:$0x3878] =	vst v0  }
0x387: {  	[tilespmem:$0x3888] =	vst v0  }
0x388: {  	[tilespmem:$0x3898] =	vst v0  }
0x389: {  	[tilespmem:$0x38A8] =	vst v0  }
0x38a: {  	[tilespmem:$0x38B8] =	vst v0  }
0x38b: {  	[tilespmem:$0x38C8] =	vst v0  }
0x38c: {  	[tilespmem:$0x38D8] =	vst v0  }
0x38d: {  	[tilespmem:$0x38E8] =	vst v0  }
0x38e: {  	[tilespmem:$0x38F8] =	vst v0  }
0x38f: {  	[tilespmem:$0x3908] =	vst v0  }
0x390: {  	[tilespmem:$0x3918] =	vst v0  }
0x391: {  	[tilespmem:$0x3928] =	vst v0  }
0x392: {  	[tilespmem:$0x3938] =	vst v0  }
0x393: {  	[tilespmem:$0x3948] =	vst v0  }
0x394: {  	[tilespmem:$0x3958] =	vst v0  }
0x395: {  	[tilespmem:$0x3968] =	vst v0  }
0x396: {  	[tilespmem:$0x3978] =	vst v0  }
0x397: {  	[tilespmem:$0x3988] =	vst v0  }
0x398: {  	[tilespmem:$0x3998] =	vst v0  }
0x399: {  	[tilespmem:$0x39A8] =	vst v0  }
0x39a: {  	[tilespmem:$0x39B8] =	vst v0  }
0x39b: {  	[tilespmem:$0x39C8] =	vst v0  }
0x39c: {  	[tilespmem:$0x39D8] =	vst v0  }
0x39d: {  	[tilespmem:$0x39E8] =	vst v0  }
0x39e: {  	[tilespmem:$0x39F8] =	vst v0  }
0x39f: {  	[tilespmem:$0x3A08] =	vst v0  }
0x3a0: {  	[tilespmem:$0x3A18] =	vst v0  }
0x3a1: {  	[tilespmem:$0x3A28] =	vst v0  }
0x3a2: {  	[tilespmem:$0x3A38] =	vst v0  }
0x3a3: {  	[tilespmem:$0x3A48] =	vst v0  }
0x3a4: {  	[tilespmem:$0x3A58] =	vst v0  }
0x3a5: {  	[tilespmem:$0x3A68] =	vst v0  }
0x3a6: {  	[tilespmem:$0x3A78] =	vst v0  }
0x3a7: {  	[tilespmem:$0x3A88] =	vst v0  }
0x3a8: {  	[tilespmem:$0x3A98] =	vst v0  }
0x3a9: {  	[tilespmem:$0x3AA8] =	vst v0  }
0x3aa: {  	[tilespmem:$0x3AB8] =	vst v0  }
0x3ab: {  	[tilespmem:$0x3AC8] =	vst v0  }
0x3ac: {  	[tilespmem:$0x3AD8] =	vst v0  }
0x3ad: {  	[tilespmem:$0x3AE8] =	vst v0  }
0x3ae: {  	[tilespmem:$0x3AF8] =	vst v0  }
0x3af: {  	[tilespmem:$0x3B08] =	vst v0  }
0x3b0: {  	[tilespmem:$0x3B18] =	vst v0  }
0x3b1: {  	[tilespmem:$0x3B28] =	vst v0  }
0x3b2: {  	[tilespmem:$0x3B38] =	vst v0  }
0x3b3: {  	[tilespmem:$0x3B48] =	vst v0  }
0x3b4: {  	[tilespmem:$0x3B58] =	vst v0  }
0x3b5: {  	[tilespmem:$0x3B68] =	vst v0  }
0x3b6: {  	[tilespmem:$0x3B78] =	vst v0  }
0x3b7: {  	[tilespmem:$0x3B88] =	vst v0  }
0x3b8: {  	[tilespmem:$0x3B98] =	vst v0  }
0x3b9: {  	[tilespmem:$0x3BA8] =	vst v0  }
0x3ba: {  	[tilespmem:$0x3BB8] =	vst v0  }
0x3bb: {  	[tilespmem:$0x3BC8] =	vst v0  }
0x3bc: {  	[tilespmem:$0x3BD8] =	vst v0  }
0x3bd: {  	[tilespmem:$0x3BE8] =	vst v0  }
0x3be: {  	[tilespmem:$0x3BF8] =	vst v0  }
0x3bf: {  	[tilespmem:$0x3C08] =	vst v0  }
0x3c0: {  	[tilespmem:$0x3C18] =	vst v0  }
0x3c1: {  	[tilespmem:$0x3C28] =	vst v0  }
0x3c2: {  	[tilespmem:$0x3C38] =	vst v0  }
0x3c3: {  	[tilespmem:$0x3C48] =	vst v0  }
0x3c4: {  	[tilespmem:$0x3C58] =	vst v0  }
0x3c5: {  	[tilespmem:$0x3C68] =	vst v0  }
0x3c6: {  	[tilespmem:$0x3C78] =	vst v0  }
0x3c7: {  	[tilespmem:$0x3C88] =	vst v0  }
0x3c8: {  	[tilespmem:$0x3C98] =	vst v0  }
0x3c9: {  	[tilespmem:$0x3CA8] =	vst v0  }
0x3ca: {  	[tilespmem:$0x3CB8] =	vst v0  }
0x3cb: {  	[tilespmem:$0x3CC8] =	vst v0  }
0x3cc: {  	[tilespmem:$0x3CD8] =	vst v0  }
0x3cd: {  	[tilespmem:$0x3CE8] =	vst v0  }
0x3ce: {  	[tilespmem:$0x3CF8] =	vst v0  }
0x3cf: {  	[tilespmem:$0x3D08] =	vst v0  }
0x3d0: {  	[tilespmem:$0x3D18] =	vst v0  }
0x3d1: {  	[tilespmem:$0x3D28] =	vst v0  }
0x3d2: {  	[tilespmem:$0x3D38] =	vst v0  }
0x3d3: {  	[tilespmem:$0x3D48] =	vst v0  }
0x3d4: {  	[tilespmem:$0x3D58] =	vst v0  }
0x3d5: {  	[tilespmem:$0x3D68] =	vst v0  }
0x3d6: {  	[tilespmem:$0x3D78] =	vst v0  }
0x3d7: {  	[tilespmem:$0x3D88] =	vst v0  }
0x3d8: {  	[tilespmem:$0x3D98] =	vst v0  }
0x3d9: {  	[tilespmem:$0x3DA8] =	vst v0  }
0x3da: {  	[tilespmem:$0x3DB8] =	vst v0  }
0x3db: {  	[tilespmem:$0x3DC8] =	vst v0  }
0x3dc: {  	[tilespmem:$0x3DD8] =	vst v0  }
0x3dd: {  	[tilespmem:$0x3DE8] =	vst v0  }
0x3de: {  	[tilespmem:$0x3DF8] =	vst v0  }
0x3df: {  	[tilespmem:$0x3E08] =	vst v0  }
0x3e0: {  	[tilespmem:$0x3E18] =	vst v0  }
0x3e1: {  	[tilespmem:$0x3E28] =	vst v0  }
0x3e2: {  	[tilespmem:$0x3E38] =	vst v0  }
0x3e3: {  	[tilespmem:$0x3E48] =	vst v0  }
0x3e4: {  	[tilespmem:$0x3E58] =	vst v0  }
0x3e5: {  	[tilespmem:$0x3E68] =	vst v0  }
0x3e6: {  	[tilespmem:$0x3E78] =	vst v0  }
0x3e7: {  	[tilespmem:$0x3E88] =	vst v0  }
0x3e8: {  	[tilespmem:$0x3E98] =	vst v0  }
0x3e9: {  	[tilespmem:$0x3EA8] =	vst v0  }
0x3ea: {  	[tilespmem:$0x3EB8] =	vst v0  }
0x3eb: {  	[tilespmem:$0x3EC8] =	vst v0  }
0x3ec: {  	[tilespmem:$0x3ED8] =	vst v0  }
0x3ed: {  	[tilespmem:$0x3EE8] =	vst v0  }
0x3ee: {  	[tilespmem:$0x3EF8] =	vst v0  }
0x3ef: {  	[tilespmem:$0x3F08] =	vst v0  }
0x3f0: {  	[tilespmem:$0x3F18] =	vst v0  }
0x3f1: {  	[tilespmem:$0x3F28] =	vst v0  }
0x3f2: {  	[tilespmem:$0x3F38] =	vst v0  }
0x3f3: {  	[tilespmem:$0x3F48] =	vst v0  }
0x3f4: {  	[tilespmem:$0x3F58] =	vst v0  }
0x3f5: {  	[tilespmem:$0x3F68] =	vst v0  }
0x3f6: {  	[tilespmem:$0x3F78] =	vst v0  }
0x3f7: {  	[tilespmem:$0x3F88] =	vst v0  }
0x3f8: {  	[tilespmem:$0x3F98] =	vst v0  }
0x3f9: {  	[tilespmem:$0x3FA8] =	vst v0  }
0x3fa: {  	[tilespmem:$0x3FB8] =	vst v0  }
0x3fb: {  	[tilespmem:$0x3FC8] =	vst v0  }
0x3fc: {  	[tilespmem:$0x3FD8] =	vst v0  }
0x3fd: {  	[tilespmem:$0x3FE8] =	vst v0  }
0x3fe: {  	[tilespmem:$0x3FF8] =	vst v0  }
0x3ff: {  	[tilespmem:$0x4008] =	vst v0  }
0x400: {  	[tilespmem:$0x4018] =	vst v0  }
0x401: {  	[tilespmem:$0x4028] =	vst v0  }
0x402: {  	[tilespmem:$0x4038] =	vst v0  }
0x403: {  	[tilespmem:$0x4048] =	vst v0  }
0x404: {  	[tilespmem:$0x4058] =	vst v0  }
0x405: {  	[tilespmem:$0x4068] =	vst v0  }
0x406: {  	[tilespmem:$0x4078] =	vst v0  }
0x407: {  	[tilespmem:$0x4088] =	vst v0  }
0x408: {  	[tilespmem:$0x4098] =	vst v0  }
0x409: {  	[tilespmem:$0x40A8] =	vst v0  }
0x40a: {  	[tilespmem:$0x40B8] =	vst v0  }
0x40b: {  	[tilespmem:$0x40C8] =	vst v0  }
0x40c: {  	[tilespmem:$0x40D8] =	vst v0  }
0x40d: {  	[tilespmem:$0x4108] =	vst v0  }
0x40e: {  	[tilespmem:$0x4118] =	vst v0  }
0x40f: {  	[tilespmem:$0x4128] =	vst v0  }
0x410: {  	[tilespmem:$0x4138] =	vst v0  }
0x411: {  	[tilespmem:$0x4148] =	vst v0  }
0x412: {  	[tilespmem:$0x4158] =	vst v0  }
0x413: {  	[tilespmem:$0x4168] =	vst v0  }
0x414: {  	[tilespmem:$0x4178] =	vst v0  }
0x415: {  	[tilespmem:$0x4188] =	vst v0  }
0x416: {  	[tilespmem:$0x4198] =	vst v0  }
0x417: {  	[tilespmem:$0x41A8] =	vst v0  }
0x418: {  	[tilespmem:$0x41B8] =	vst v0  }
0x419: {  	[tilespmem:$0x41C8] =	vst v0  }
0x41a: {  	[tilespmem:$0x41D8] =	vst v0  }
0x41b: {  	[tilespmem:$0x41E8] =	vst v0  }
0x41c: {  	[tilespmem:$0x41F8] =	vst v0  }
0x41d: {  	[tilespmem:$0x4208] =	vst v0  }
0x41e: {  	[tilespmem:$0x4218] =	vst v0  }
0x41f: {  	[tilespmem:$0x4228] =	vst v0  }
0x420: {  	[tilespmem:$0x4238] =	vst v0  }
0x421: {  	[tilespmem:$0x4248] =	vst v0  }
0x422: {  	[tilespmem:$0x4258] =	vst v0  }
0x423: {  	[tilespmem:$0x4268] =	vst v0  }
0x424: {  	[tilespmem:$0x4278] =	vst v0  }
0x425: {  	[tilespmem:$0x4288] =	vst v0  }
0x426: {  	[tilespmem:$0x4298] =	vst v0  }
0x427: {  	[tilespmem:$0x42A8] =	vst v0  }
0x428: {  	[tilespmem:$0x42B8] =	vst v0  }
0x429: {  	[tilespmem:$0x42C8] =	vst v0  }
0x42a: {  	[tilespmem:$0x42D8] =	vst v0  }
0x42b: {  	[tilespmem:$0x42E8] =	vst v0  }
0x42c: {  	[tilespmem:$0x42F8] =	vst v0  }
0x42d: {  	[tilespmem:$0x4308] =	vst v0  }
0x42e: {  	[tilespmem:$0x4318] =	vst v0  }
0x42f: {  	[tilespmem:$0x4328] =	vst v0  }
0x430: {  	[tilespmem:$0x4338] =	vst v0  }
0x431: {  	[tilespmem:$0x4348] =	vst v0  }
0x432: {  	[tilespmem:$0x4358] =	vst v0  }
0x433: {  	[tilespmem:$0x4368] =	vst v0  }
0x434: {  	[tilespmem:$0x4378] =	vst v0  }
0x435: {  	[tilespmem:$0x4388] =	vst v0  }
0x436: {  	[tilespmem:$0x4398] =	vst v0  }
0x437: {  	[tilespmem:$0x43A8] =	vst v0  }
0x438: {  	[tilespmem:$0x43B8] =	vst v0  }
0x439: {  	[tilespmem:$0x43C8] =	vst v0  }
0x43a: {  	[tilespmem:$0x43D8] =	vst v0  }
0x43b: {  	[tilespmem:$0x43E8] =	vst v0  }
0x43c: {  	[tilespmem:$0x43F8] =	vst v0  }
0x43d: {  	[tilespmem:$0x4408] =	vst v0  }
0x43e: {  	[tilespmem:$0x4418] =	vst v0  }
0x43f: {  	[tilespmem:$0x4428] =	vst v0  }
0x440: {  	[tilespmem:$0x4438] =	vst v0  }
0x441: {  	[tilespmem:$0x4448] =	vst v0  }
0x442: {  	[tilespmem:$0x4458] =	vst v0  }
0x443: {  	[tilespmem:$0x4468] =	vst v0  }
0x444: {  	[tilespmem:$0x4478] =	vst v0  }
0x445: {  	[tilespmem:$0x4488] =	vst v0  }
0x446: {  	[tilespmem:$0x4498] =	vst v0  }
0x447: {  	[tilespmem:$0x44A8] =	vst v0  }
0x448: {  	[tilespmem:$0x44B8] =	vst v0  }
0x449: {  	[tilespmem:$0x44C8] =	vst v0  }
0x44a: {  	[tilespmem:$0x44D8] =	vst v0  }
0x44b: {  	[tilespmem:$0x44E8] =	vst v0  }
0x44c: {  	[tilespmem:$0x44F8] =	vst v0  }
0x44d: {  	[tilespmem:$0x4508] =	vst v0  }
0x44e: {  	[tilespmem:$0x4518] =	vst v0  }
0x44f: {  	[tilespmem:$0x4528] =	vst v0  }
0x450: {  	[tilespmem:$0x4538] =	vst v0  }
0x451: {  	[tilespmem:$0x4548] =	vst v0  }
0x452: {  	[tilespmem:$0x4558] =	vst v0  }
0x453: {  	[tilespmem:$0x4568] =	vst v0  }
0x454: {  	[tilespmem:$0x4578] =	vst v0  }
0x455: {  	[tilespmem:$0x4588] =	vst v0  }
0x456: {  	[tilespmem:$0x4598] =	vst v0  }
0x457: {  	[tilespmem:$0x45A8] =	vst v0  }
0x458: {  	[tilespmem:$0x45B8] =	vst v0  }
0x459: {  	[tilespmem:$0x45C8] =	vst v0  }
0x45a: {  	[tilespmem:$0x45D8] =	vst v0  }
0x45b: {  	[tilespmem:$0x45E8] =	vst v0  }
0x45c: {  	[tilespmem:$0x45F8] =	vst v0  }
0x45d: {  	[tilespmem:$0x4608] =	vst v0  }
0x45e: {  	[tilespmem:$0x4618] =	vst v0  }
0x45f: {  	[tilespmem:$0x4628] =	vst v0  }
0x460: {  	[tilespmem:$0x4638] =	vst v0  }
0x461: {  	[tilespmem:$0x4648] =	vst v0  }
0x462: {  	[tilespmem:$0x4658] =	vst v0  }
0x463: {  	[tilespmem:$0x4668] =	vst v0  }
0x464: {  	[tilespmem:$0x4678] =	vst v0  }
0x465: {  	[tilespmem:$0x4688] =	vst v0  }
0x466: {  	[tilespmem:$0x4698] =	vst v0  }
0x467: {  	[tilespmem:$0x46A8] =	vst v0  }
0x468: {  	[tilespmem:$0x46B8] =	vst v0  }
0x469: {  	[tilespmem:$0x46C8] =	vst v0  }
0x46a: {  	[tilespmem:$0x46D8] =	vst v0  }
0x46b: {  	[tilespmem:$0x46E8] =	vst v0  }
0x46c: {  	[tilespmem:$0x46F8] =	vst v0  }
0x46d: {  	[tilespmem:$0x4708] =	vst v0  }
0x46e: {  	[tilespmem:$0x4718] =	vst v0  }
0x46f: {  	[tilespmem:$0x4728] =	vst v0  }
0x470: {  	[tilespmem:$0x4738] =	vst v0  }
0x471: {  	[tilespmem:$0x4748] =	vst v0  }
0x472: {  	[tilespmem:$0x4758] =	vst v0  }
0x473: {  	[tilespmem:$0x4768] =	vst v0  }
0x474: {  	[tilespmem:$0x4778] =	vst v0  }
0x475: {  	[tilespmem:$0x4788] =	vst v0  }
0x476: {  	[tilespmem:$0x4798] =	vst v0  }
0x477: {  	[tilespmem:$0x47A8] =	vst v0  }
0x478: {  	[tilespmem:$0x47B8] =	vst v0  }
0x479: {  	[tilespmem:$0x47C8] =	vst v0  }
0x47a: {  	[tilespmem:$0x47D8] =	vst v0  }
0x47b: {  	[tilespmem:$0x47E8] =	vst v0  }
0x47c: {  	[tilespmem:$0x47F8] =	vst v0  }
0x47d: {  	[tilespmem:$0x4808] =	vst v0  }
0x47e: {  	[tilespmem:$0x4818] =	vst v0  }
0x47f: {  	[tilespmem:$0x4828] =	vst v0  }
0x480: {  	[tilespmem:$0x4838] =	vst v0  }
0x481: {  	[tilespmem:$0x4848] =	vst v0  }
0x482: {  	[tilespmem:$0x4858] =	vst v0  }
0x483: {  	[tilespmem:$0x4868] =	vst v0  }
0x484: {  	[tilespmem:$0x4878] =	vst v0  }
0x485: {  	[tilespmem:$0x4888] =	vst v0  }
0x486: {  	[tilespmem:$0x4898] =	vst v0  }
0x487: {  	[tilespmem:$0x48A8] =	vst v0  }
0x488: {  	[tilespmem:$0x48B8] =	vst v0  }
0x489: {  	[tilespmem:$0x48C8] =	vst v0  }
0x48a: {  	[tilespmem:$0x48D8] =	vst v0  }
0x48b: {  	[tilespmem:$0x48E8] =	vst v0  }
0x48c: {  	[tilespmem:$0x48F8] =	vst v0  }
0x48d: {  	[tilespmem:$0x4908] =	vst v0  }
0x48e: {  	[tilespmem:$0x4918] =	vst v0  }
0x48f: {  	[tilespmem:$0x4928] =	vst v0  }
0x490: {  	[tilespmem:$0x4938] =	vst v0  }
0x491: {  	[tilespmem:$0x4948] =	vst v0  }
0x492: {  	[tilespmem:$0x4958] =	vst v0  }
0x493: {  	[tilespmem:$0x4968] =	vst v0  }
0x494: {  	[tilespmem:$0x4978] =	vst v0  }
0x495: {  	[tilespmem:$0x4988] =	vst v0  }
0x496: {  	[tilespmem:$0x4998] =	vst v0  }
0x497: {  	[tilespmem:$0x49A8] =	vst v0  }
0x498: {  	[tilespmem:$0x49B8] =	vst v0  }
0x499: {  	[tilespmem:$0x49C8] =	vst v0  }
0x49a: {  	[tilespmem:$0x49D8] =	vst v0  }
0x49b: {  	[tilespmem:$0x49E8] =	vst v0  }
0x49c: {  	[tilespmem:$0x49F8] =	vst v0  }
0x49d: {  	[tilespmem:$0x4A08] =	vst v0  }
0x49e: {  	[tilespmem:$0x4A18] =	vst v0  }
0x49f: {  	[tilespmem:$0x4A28] =	vst v0  }
0x4a0: {  	[tilespmem:$0x4A38] =	vst v0  }
0x4a1: {  	[tilespmem:$0x4A48] =	vst v0  }
0x4a2: {  	[tilespmem:$0x4A58] =	vst v0  }
0x4a3: {  	[tilespmem:$0x4A68] =	vst v0  }
0x4a4: {  	[tilespmem:$0x4A78] =	vst v0  }
0x4a5: {  	[tilespmem:$0x4A88] =	vst v0  }
0x4a6: {  	[tilespmem:$0x4A98] =	vst v0  }
0x4a7: {  	[tilespmem:$0x4AA8] =	vst v0  }
0x4a8: {  	[tilespmem:$0x4AB8] =	vst v0  }
0x4a9: {  	[tilespmem:$0x4AC8] =	vst v0  }
0x4aa: {  	[tilespmem:$0x4AD8] =	vst v0  }
0x4ab: {  	[tilespmem:$0x4AE8] =	vst v0  }
0x4ac: {  	[tilespmem:$0x4AF8] =	vst v0  }
0x4ad: {  	[tilespmem:$0x4B08] =	vst v0  }
0x4ae: {  	[tilespmem:$0x4B18] =	vst v0  }
0x4af: {  	[tilespmem:$0x4B28] =	vst v0  }
0x4b0: {  	[tilespmem:$0x4B38] =	vst v0  }
0x4b1: {  	[tilespmem:$0x4B48] =	vst v0  }
0x4b2: {  	[tilespmem:$0x4B58] =	vst v0  }
0x4b3: {  	[tilespmem:$0x4B68] =	vst v0  }
0x4b4: {  	[tilespmem:$0x4B78] =	vst v0  }
0x4b5: {  	[tilespmem:$0x4B88] =	vst v0  }
0x4b6: {  	[tilespmem:$0x4B98] =	vst v0  }
0x4b7: {  	[tilespmem:$0x4BA8] =	vst v0  }
0x4b8: {  	[tilespmem:$0x4BB8] =	vst v0  }
0x4b9: {  	[tilespmem:$0x4BC8] =	vst v0  }
0x4ba: {  	[tilespmem:$0x4BD8] =	vst v0  }
0x4bb: {  	[tilespmem:$0x4BE8] =	vst v0  }
0x4bc: {  	[tilespmem:$0x4BF8] =	vst v0  }
0x4bd: {  	[tilespmem:$0x4C08] =	vst v0  }
0x4be: {  	[tilespmem:$0x4C18] =	vst v0  }
0x4bf: {  	[tilespmem:$0x4C28] =	vst v0  }
0x4c0: {  	[tilespmem:$0x4C38] =	vst v0  }
0x4c1: {  	[tilespmem:$0x4C48] =	vst v0  }
0x4c2: {  	[tilespmem:$0x4C58] =	vst v0  }
0x4c3: {  	[tilespmem:$0x4C68] =	vst v0  }
0x4c4: {  	[tilespmem:$0x4C78] =	vst v0  }
0x4c5: {  	[tilespmem:$0x4C88] =	vst v0  }
0x4c6: {  	[tilespmem:$0x4C98] =	vst v0  }
0x4c7: {  	[tilespmem:$0x4CA8] =	vst v0  }
0x4c8: {  	[tilespmem:$0x4CB8] =	vst v0  }
0x4c9: {  	[tilespmem:$0x4CC8] =	vst v0  }
0x4ca: {  	[tilespmem:$0x4CD8] =	vst v0  }
0x4cb: {  	[tilespmem:$0x4CE8] =	vst v0  }
0x4cc: {  	[tilespmem:$0x4CF8] =	vst v0  }
0x4cd: {  	[tilespmem:$0x4D08] =	vst v0  }
0x4ce: {  	[tilespmem:$0x4D18] =	vst v0  }
0x4cf: {  	[tilespmem:$0x4D28] =	vst v0  }
0x4d0: {  	[tilespmem:$0x4D38] =	vst v0  }
0x4d1: {  	[tilespmem:$0x4D48] =	vst v0  }
0x4d2: {  	[tilespmem:$0x4D58] =	vst v0  }
0x4d3: {  	[tilespmem:$0x4D68] =	vst v0  }
0x4d4: {  	[tilespmem:$0x4D78] =	vst v0  }
0x4d5: {  	[tilespmem:$0x4D88] =	vst v0  }
0x4d6: {  	[tilespmem:$0x4D98] =	vst v0  }
0x4d7: {  	[tilespmem:$0x4DA8] =	vst v0  }
0x4d8: {  	[tilespmem:$0x4DB8] =	vst v0  }
0x4d9: {  	[tilespmem:$0x4DC8] =	vst v0  }
0x4da: {  	[tilespmem:$0x4DD8] =	vst v0  }
0x4db: {  	[tilespmem:$0x4DE8] =	vst v0  }
0x4dc: {  	[tilespmem:$0x4DF8] =	vst v0  }
0x4dd: {  	[tilespmem:$0x4E08] =	vst v0  }
0x4de: {  	[tilespmem:$0x4E18] =	vst v0  }
0x4df: {  	[tilespmem:$0x4E28] =	vst v0  }
0x4e0: {  	[tilespmem:$0x4E38] =	vst v0  }
0x4e1: {  	[tilespmem:$0x4E48] =	vst v0  }
0x4e2: {  	[tilespmem:$0x4E58] =	vst v0  }
0x4e3: {  	[tilespmem:$0x4E68] =	vst v0  }
0x4e4: {  	[tilespmem:$0x4E78] =	vst v0  }
0x4e5: {  	[tilespmem:$0x4E88] =	vst v0  }
0x4e6: {  	[tilespmem:$0x4E98] =	vst v0  }
0x4e7: {  	[tilespmem:$0x4EA8] =	vst v0  }
0x4e8: {  	[tilespmem:$0x4EB8] =	vst v0  }
0x4e9: {  	[tilespmem:$0x4EC8] =	vst v0  }
0x4ea: {  	[tilespmem:$0x4ED8] =	vst v0  }
0x4eb: {  	[tilespmem:$0x4EE8] =	vst v0  }
0x4ec: {  	[tilespmem:$0x4EF8] =	vst v0  }
0x4ed: {  	[tilespmem:$0x4F08] =	vst v0  }
0x4ee: {  	[tilespmem:$0x4F18] =	vst v0  }
0x4ef: {  	[tilespmem:$0x4F28] =	vst v0  }
0x4f0: {  	[tilespmem:$0x4F38] =	vst v0  }
0x4f1: {  	[tilespmem:$0x4F48] =	vst v0  }
0x4f2: {  	[tilespmem:$0x4F58] =	vst v0  }
0x4f3: {  	[tilespmem:$0x4F68] =	vst v0  }
0x4f4: {  	[tilespmem:$0x4F78] =	vst v0  }
0x4f5: {  	[tilespmem:$0x4F88] =	vst v0  }
0x4f6: {  	[tilespmem:$0x4F98] =	vst v0  }
0x4f7: {  	[tilespmem:$0x4FA8] =	vst v0  }
0x4f8: {  	[tilespmem:$0x4FB8] =	vst v0  }
0x4f9: {  	[tilespmem:$0x4FC8] =	vst v0  }
0x4fa: {  	[tilespmem:$0x4FD8] =	vst v0  }
0x4fb: {  	[tilespmem:$0x4FE8] =	vst v0  }
0x4fc: {  	[tilespmem:$0x4FF8] =	vst v0  }
0x4fd: {  	[tilespmem:$0x5008] =	vst v0  }
0x4fe: {  	[tilespmem:$0x5018] =	vst v0  }
0x4ff: {  	[tilespmem:$0x5028] =	vst v0  }
0x500: {  	[tilespmem:$0x5038] =	vst v0  }
0x501: {  	[tilespmem:$0x5048] =	vst v0  }
0x502: {  	[tilespmem:$0x5058] =	vst v0  }
0x503: {  	[tilespmem:$0x5068] =	vst v0  }
0x504: {  	[tilespmem:$0x5078] =	vst v0  }
0x505: {  	[tilespmem:$0x5088] =	vst v0  }
0x506: {  	[tilespmem:$0x5098] =	vst v0  }
0x507: {  	[tilespmem:$0x50A8] =	vst v0  }
0x508: {  	[tilespmem:$0x50B8] =	vst v0  }
0x509: {  	[tilespmem:$0x50C8] =	vst v0  }
0x50a: {  	[tilespmem:$0x50D8] =	vst v0  }
0x50b: {  	[tilespmem:$0x50E8] =	vst v0  }
0x50c: {  	[tilespmem:$0x50F8] =	vst v0  }
0x50d: {  	[tilespmem:$0x51A8] =	vst v0  }
0x50e: {  	[tilespmem:$0x5FE8] =	vst v0  }
0x50f: {  	[tilespmem:$0x5FD8] =	vst v0  }
0x510: {  	[tilespmem:$0x5148] =	vst v0  }
0x511: {  	[tilespmem:$0x5FC8] =	vst v0  }
0x512: {  	[tilespmem:$0x5FB8] =	vst v0  }
0x513: {  	[tilespmem:$0x5FA8] =	vst v0  }
0x514: {  	[tilespmem:$0x5F98] =	vst v0  }
0x515: {  	[tilespmem:$0x5F88] =	vst v0  }
0x516: {  	[tilespmem:$0x5F78] =	vst v0  }
0x517: {  	[tilespmem:$0x5F68] =	vst v0  }
0x518: {  	[tilespmem:$0x5F58] =	vst v0  }
0x519: {  	[tilespmem:$0x5F48] =	vst v0  }
0x51a: {  	[tilespmem:$0x5F38] =	vst v0  }
0x51b: {  	[tilespmem:$0x5F28] =	vst v0  }
0x51c: {  	[tilespmem:$0x5F18] =	vst v0  }
0x51d: {  	[tilespmem:$0x5F08] =	vst v0  }
0x51e: {  	[tilespmem:$0x5EF8] =	vst v0  }
0x51f: {  	[tilespmem:$0x5EE8] =	vst v0  }
0x520: {  	[tilespmem:$0x5ED8] =	vst v0  }
0x521: {  	[tilespmem:$0x5EC8] =	vst v0  }
0x522: {  	[tilespmem:$0x5EB8] =	vst v0  }
0x523: {  	[tilespmem:$0x5EA8] =	vst v0  }
0x524: {  	[tilespmem:$0x5E98] =	vst v0  }
0x525: {  	[tilespmem:$0x5E88] =	vst v0  }
0x526: {  	[tilespmem:$0x5E78] =	vst v0  }
0x527: {  	[tilespmem:$0x5E68] =	vst v0  }
0x528: {  	[tilespmem:$0x5E58] =	vst v0  }
0x529: {  	[tilespmem:$0x5E48] =	vst v0  }
0x52a: {  	[tilespmem:$0x5E38] =	vst v0  }
0x52b: {  	[tilespmem:$0x5E28] =	vst v0  }
0x52c: {  	[tilespmem:$0x5E18] =	vst v0  }
0x52d: {  	[tilespmem:$0x5E08] =	vst v0  }
0x52e: {  	[tilespmem:$0x5DF8] =	vst v0  }
0x52f: {  	[tilespmem:$0x5DE8] =	vst v0  }
0x530: {  	[tilespmem:$0x5DD8] =	vst v0  }
0x531: {  	[tilespmem:$0x5DC8] =	vst v0  }
0x532: {  	[tilespmem:$0x5DB8] =	vst v0  }
0x533: {  	[tilespmem:$0x5DA8] =	vst v0  }
0x534: {  	[tilespmem:$0x5D98] =	vst v0  }
0x535: {  	[tilespmem:$0x5D88] =	vst v0  }
0x536: {  	[tilespmem:$0x5D78] =	vst v0  }
0x537: {  	[tilespmem:$0x5D68] =	vst v0  }
0x538: {  	[tilespmem:$0x5D58] =	vst v0  }
0x539: {  	[tilespmem:$0x5D48] =	vst v0  }
0x53a: {  	[tilespmem:$0x5D38] =	vst v0  }
0x53b: {  	[tilespmem:$0x5D28] =	vst v0  }
0x53c: {  	[tilespmem:$0x5D18] =	vst v0  }
0x53d: {  	[tilespmem:$0x5D08] =	vst v0  }
0x53e: {  	[tilespmem:$0x5CF8] =	vst v0  }
0x53f: {  	[tilespmem:$0x5CE8] =	vst v0  }
0x540: {  	[tilespmem:$0x5CD8] =	vst v0  }
0x541: {  	[tilespmem:$0x5CC8] =	vst v0  }
0x542: {  	[tilespmem:$0x5CB8] =	vst v0  }
0x543: {  	[tilespmem:$0x5CA8] =	vst v0  }
0x544: {  	[tilespmem:$0x5C98] =	vst v0  }
0x545: {  	[tilespmem:$0x5C88] =	vst v0  }
0x546: {  	[tilespmem:$0x5C78] =	vst v0  }
0x547: {  	[tilespmem:$0x5C68] =	vst v0  }
0x548: {  	[tilespmem:$0x5C58] =	vst v0  }
0x549: {  	[tilespmem:$0x5C48] =	vst v0  }
0x54a: {  	[tilespmem:$0x5C38] =	vst v0  }
0x54b: {  	[tilespmem:$0x5C28] =	vst v0  }
0x54c: {  	[tilespmem:$0x5C18] =	vst v0  }
0x54d: {  	[tilespmem:$0x5C08] =	vst v0  }
0x54e: {  	[tilespmem:$0x5BF8] =	vst v0  }
0x54f: {  	[tilespmem:$0x5BE8] =	vst v0  }
0x550: {  	[tilespmem:$0x5BD8] =	vst v0  }
0x551: {  	[tilespmem:$0x5BC8] =	vst v0  }
0x552: {  	[tilespmem:$0x5BB8] =	vst v0  }
0x553: {  	[tilespmem:$0x5BA8] =	vst v0  }
0x554: {  	[tilespmem:$0x5B98] =	vst v0  }
0x555: {  	[tilespmem:$0x5B88] =	vst v0  }
0x556: {  	[tilespmem:$0x5B78] =	vst v0  }
0x557: {  	[tilespmem:$0x5B68] =	vst v0  }
0x558: {  	[tilespmem:$0x5B58] =	vst v0  }
0x559: {  	[tilespmem:$0x5B48] =	vst v0  }
0x55a: {  	[tilespmem:$0x5B38] =	vst v0  }
0x55b: {  	[tilespmem:$0x5B28] =	vst v0  }
0x55c: {  	[tilespmem:$0x5B18] =	vst v0  }
0x55d: {  	[tilespmem:$0x5B08] =	vst v0  }
0x55e: {  	[tilespmem:$0x5AF8] =	vst v0  }
0x55f: {  	[tilespmem:$0x5AE8] =	vst v0  }
0x560: {  	[tilespmem:$0x5AD8] =	vst v0  }
0x561: {  	[tilespmem:$0x5AC8] =	vst v0  }
0x562: {  	[tilespmem:$0x5AB8] =	vst v0  }
0x563: {  	[tilespmem:$0x5AA8] =	vst v0  }
0x564: {  	[tilespmem:$0x5A98] =	vst v0  }
0x565: {  	[tilespmem:$0x5A88] =	vst v0  }
0x566: {  	[tilespmem:$0x5A78] =	vst v0  }
0x567: {  	[tilespmem:$0x5A68] =	vst v0  }
0x568: {  	[tilespmem:$0x5A58] =	vst v0  }
0x569: {  	[tilespmem:$0x5A48] =	vst v0  }
0x56a: {  	[tilespmem:$0x5A38] =	vst v0  }
0x56b: {  	[tilespmem:$0x5A28] =	vst v0  }
0x56c: {  	[tilespmem:$0x5A18] =	vst v0  }
0x56d: {  	[tilespmem:$0x5A08] =	vst v0  }
0x56e: {  	[tilespmem:$0x59F8] =	vst v0  }
0x56f: {  	[tilespmem:$0x59E8] =	vst v0  }
0x570: {  	[tilespmem:$0x59D8] =	vst v0  }
0x571: {  	[tilespmem:$0x59C8] =	vst v0  }
0x572: {  	[tilespmem:$0x59B8] =	vst v0  }
0x573: {  	[tilespmem:$0x59A8] =	vst v0  }
0x574: {  	[tilespmem:$0x5998] =	vst v0  }
0x575: {  	[tilespmem:$0x5988] =	vst v0  }
0x576: {  	[tilespmem:$0x5978] =	vst v0  }
0x577: {  	[tilespmem:$0x5968] =	vst v0  }
0x578: {  	[tilespmem:$0x5958] =	vst v0  }
0x579: {  	[tilespmem:$0x5948] =	vst v0  }
0x57a: {  	[tilespmem:$0x5938] =	vst v0  }
0x57b: {  	[tilespmem:$0x5928] =	vst v0  }
0x57c: {  	[tilespmem:$0x5918] =	vst v0  }
0x57d: {  	[tilespmem:$0x5908] =	vst v0  }
0x57e: {  	[tilespmem:$0x58F8] =	vst v0  }
0x57f: {  	[tilespmem:$0x58E8] =	vst v0  }
0x580: {  	[tilespmem:$0x58D8] =	vst v0  }
0x581: {  	[tilespmem:$0x58C8] =	vst v0  }
0x582: {  	[tilespmem:$0x58B8] =	vst v0  }
0x583: {  	[tilespmem:$0x58A8] =	vst v0  }
0x584: {  	[tilespmem:$0x5898] =	vst v0  }
0x585: {  	[tilespmem:$0x5888] =	vst v0  }
0x586: {  	[tilespmem:$0x5878] =	vst v0  }
0x587: {  	[tilespmem:$0x5868] =	vst v0  }
0x588: {  	[tilespmem:$0x5858] =	vst v0  }
0x589: {  	[tilespmem:$0x5848] =	vst v0  }
0x58a: {  	[tilespmem:$0x5838] =	vst v0  }
0x58b: {  	[tilespmem:$0x5828] =	vst v0  }
0x58c: {  	[tilespmem:$0x5818] =	vst v0  }
0x58d: {  	[tilespmem:$0x5808] =	vst v0  }
0x58e: {  	[tilespmem:$0x57F8] =	vst v0  }
0x58f: {  	[tilespmem:$0x57E8] =	vst v0  }
0x590: {  	[tilespmem:$0x57D8] =	vst v0  }
0x591: {  	[tilespmem:$0x57C8] =	vst v0  }
0x592: {  	[tilespmem:$0x57B8] =	vst v0  }
0x593: {  	[tilespmem:$0x57A8] =	vst v0  }
0x594: {  	[tilespmem:$0x5798] =	vst v0  }
0x595: {  	[tilespmem:$0x5788] =	vst v0  }
0x596: {  	[tilespmem:$0x5778] =	vst v0  }
0x597: {  	[tilespmem:$0x5768] =	vst v0  }
0x598: {  	[tilespmem:$0x5758] =	vst v0  }
0x599: {  	[tilespmem:$0x5748] =	vst v0  }
0x59a: {  	[tilespmem:$0x5738] =	vst v0  }
0x59b: {  	[tilespmem:$0x5728] =	vst v0  }
0x59c: {  	[tilespmem:$0x5718] =	vst v0  }
0x59d: {  	[tilespmem:$0x5708] =	vst v0  }
0x59e: {  	[tilespmem:$0x56F8] =	vst v0  }
0x59f: {  	[tilespmem:$0x56E8] =	vst v0  }
0x5a0: {  	[tilespmem:$0x56D8] =	vst v0  }
0x5a1: {  	[tilespmem:$0x56C8] =	vst v0  }
0x5a2: {  	[tilespmem:$0x56B8] =	vst v0  }
0x5a3: {  	[tilespmem:$0x56A8] =	vst v0  }
0x5a4: {  	[tilespmem:$0x5698] =	vst v0  }
0x5a5: {  	[tilespmem:$0x5688] =	vst v0  }
0x5a6: {  	[tilespmem:$0x5678] =	vst v0  }
0x5a7: {  	[tilespmem:$0x5668] =	vst v0  }
0x5a8: {  	[tilespmem:$0x5658] =	vst v0  }
0x5a9: {  	[tilespmem:$0x5648] =	vst v0  }
0x5aa: {  	[tilespmem:$0x5638] =	vst v0  }
0x5ab: {  	[tilespmem:$0x5628] =	vst v0  }
0x5ac: {  	[tilespmem:$0x5618] =	vst v0  }
0x5ad: {  	[tilespmem:$0x5608] =	vst v0  }
0x5ae: {  	[tilespmem:$0x55F8] =	vst v0  }
0x5af: {  	[tilespmem:$0x55E8] =	vst v0  }
0x5b0: {  	[tilespmem:$0x55D8] =	vst v0  }
0x5b1: {  	[tilespmem:$0x55C8] =	vst v0  }
0x5b2: {  	[tilespmem:$0x55B8] =	vst v0  }
0x5b3: {  	[tilespmem:$0x55A8] =	vst v0  }
0x5b4: {  	[tilespmem:$0x5598] =	vst v0  }
0x5b5: {  	[tilespmem:$0x5588] =	vst v0  }
0x5b6: {  	[tilespmem:$0x5578] =	vst v0  }
0x5b7: {  	[tilespmem:$0x5568] =	vst v0  }
0x5b8: {  	[tilespmem:$0x5558] =	vst v0  }
0x5b9: {  	[tilespmem:$0x5548] =	vst v0  }
0x5ba: {  	[tilespmem:$0x5538] =	vst v0  }
0x5bb: {  	[tilespmem:$0x5528] =	vst v0  }
0x5bc: {  	[tilespmem:$0x5518] =	vst v0  }
0x5bd: {  	[tilespmem:$0x5508] =	vst v0  }
0x5be: {  	[tilespmem:$0x54F8] =	vst v0  }
0x5bf: {  	[tilespmem:$0x54E8] =	vst v0  }
0x5c0: {  	[tilespmem:$0x54D8] =	vst v0  }
0x5c1: {  	[tilespmem:$0x54C8] =	vst v0  }
0x5c2: {  	[tilespmem:$0x54B8] =	vst v0  }
0x5c3: {  	[tilespmem:$0x54A8] =	vst v0  }
0x5c4: {  	[tilespmem:$0x5498] =	vst v0  }
0x5c5: {  	[tilespmem:$0x5488] =	vst v0  }
0x5c6: {  	[tilespmem:$0x5478] =	vst v0  }
0x5c7: {  	[tilespmem:$0x5468] =	vst v0  }
0x5c8: {  	[tilespmem:$0x5458] =	vst v0  }
0x5c9: {  	[tilespmem:$0x5448] =	vst v0  }
0x5ca: {  	[tilespmem:$0x5438] =	vst v0  }
0x5cb: {  	[tilespmem:$0x5428] =	vst v0  }
0x5cc: {  	[tilespmem:$0x5418] =	vst v0  }
0x5cd: {  	[tilespmem:$0x5408] =	vst v0  }
0x5ce: {  	[tilespmem:$0x53F8] =	vst v0  }
0x5cf: {  	[tilespmem:$0x53E8] =	vst v0  }
0x5d0: {  	[tilespmem:$0x53D8] =	vst v0  }
0x5d1: {  	[tilespmem:$0x53C8] =	vst v0  }
0x5d2: {  	[tilespmem:$0x53B8] =	vst v0  }
0x5d3: {  	[tilespmem:$0x53A8] =	vst v0  }
0x5d4: {  	[tilespmem:$0x5398] =	vst v0  }
0x5d5: {  	[tilespmem:$0x5388] =	vst v0  }
0x5d6: {  	[tilespmem:$0x5378] =	vst v0  }
0x5d7: {  	[tilespmem:$0x5368] =	vst v0  }
0x5d8: {  	[tilespmem:$0x5358] =	vst v0  }
0x5d9: {  	[tilespmem:$0x5348] =	vst v0  }
0x5da: {  	[tilespmem:$0x5338] =	vst v0  }
0x5db: {  	[tilespmem:$0x5328] =	vst v0  }
0x5dc: {  	[tilespmem:$0x5318] =	vst v0  }
0x5dd: {  	[tilespmem:$0x5308] =	vst v0  }
0x5de: {  	[tilespmem:$0x52F8] =	vst v0  }
0x5df: {  	[tilespmem:$0x52E8] =	vst v0  }
0x5e0: {  	[tilespmem:$0x52D8] =	vst v0  }
0x5e1: {  	[tilespmem:$0x52C8] =	vst v0  }
0x5e2: {  	[tilespmem:$0x52B8] =	vst v0  }
0x5e3: {  	[tilespmem:$0x52A8] =	vst v0  }
0x5e4: {  	[tilespmem:$0x5298] =	vst v0  }
0x5e5: {  	[tilespmem:$0x5288] =	vst v0  }
0x5e6: {  	[tilespmem:$0x5278] =	vst v0  }
0x5e7: {  	[tilespmem:$0x5268] =	vst v0  }
0x5e8: {  	[tilespmem:$0x5258] =	vst v0  }
0x5e9: {  	[tilespmem:$0x5248] =	vst v0  }
0x5ea: {  	[tilespmem:$0x5238] =	vst v0  }
0x5eb: {  	[tilespmem:$0x5228] =	vst v0  }
0x5ec: {  	[tilespmem:$0x5218] =	vst v0  }
0x5ed: {  	s11 =	stileid.u32;
	[tilespmem:$0x5208] =	vst v0  }
0x5ee: {  	s0 =	smul.u32 $0x5, s11;
	[tilespmem:$0x51F8] =	vst v0  }
0x5ef: {  	s2 =	smin.u32 s11, $0x3;
	[tilespmem:$0x51E8] =	vst v0  }
0x5f0: {  	[tilespmem:$0x51D8] =	vst v0;
	s0 =	sadd.s32 s2, s0  }
0x5f1: {  	p0 =	slt.u32 s11, $0x3;
	[tilespmem:$0x51C8] =	vst v0;
	s2 =	simm.s32 $0x720;
	s9 =	smul.u32 $0x130, s0  }
0x5f2: {  	s2 =	simm.s32 @!p0 $0x5F0;
	[tilespmem:$0x51B8] =	vst v0  }
0x5f3: {  	[tilespmem:$0x5188] =	vst v0;
	s0 =	sadd.s32 s2, s9  }
0x5f4: {  	[tilespmem:$0x5198] =	vst v0;
	s10 =	smin.u32 s0, $0x6200  }
0x5f5: {  	s3 =	simm.s32 $0x2;
	s26 =	simm.s32 $0x9;
	[tilespmem:$0x5178] =	vst v0;
	s0 =	ssub.s32 s10, s9  }
0x5f6: {  	s28 =	simm.s32 $0xA;
	s14 =	simm.s32 $0xB;
	[tilespmem:$0x5118] =	vst v0;
	p0 =	sgt.s32 s0, $0x0  }
0x5f7: {  	s18 =	simm.s32 $0x0;
	p1 =	por $0x0, $0x0;
	[tilespmem:$0x5168] =	vst v0;
	s0 =	simm.s32 @!p0 $0x0  }
0x5f8: {  	s19 =	simm.s32 $0xC;
	s23 =	simm.s32 $0x0;
	[tilespmem:$0x5158] =	vst v0;
	s25 =	smul.u32 $0xD795, s0  }
0x5f9: {  	s20 =	simm.s32 $0x0;
	s8 =	sand.u32 $0x1, s8;
	s31 =	smul.u32 $0x280, s11;
	[tilespmem:$0x5138] =	vst v0  }
0x5fa: {  	s22 =	simm.s32 $0x0;
	s30 =	smul.u32 $0xC40, s8;
	[tilespmem:$0x5128] =	vst v0;
	s2 =	sshrl.u32 s25, $0x18  }
0x5fb: {  	s12 =	sadd.s32 $0x4600, s7;
	[tilespmem:$0x5108] =	vst v0;
	[sflag:s3] =	ssyncpa.u1 $0x0;
	v0 =	vimm.s32 $0xFFFFFFFF;
	s29 =	smul.u32 $0x130, s2  }
.Ltmp0:
0x5fc: {  	[dreg:$0x7] =	wrdreg s8;
	[tilespmem:$0xBF48] =	vst v0;
	[sflag:s26] =	ssyncpa.u1 $0x0;
	(pc) =	sbr.rel .LBB2_1-.Ltmp0, $4  }
0x5fd: {  	s16 =	sshrl.u32 s31, $0x2;
	p0 =	sne.s32 s0, s29;
	s0 =	simm.s32 $0x1  }
0x5fe: {  	[sflag:s28] =	ssyncpa.u1 $0x0;
	s6 =	sadd.s32 s30, s6;
	s0 =	simm.s32 @!p0 $0x0  }
0x5ff: {  	s5 =	sadd.s32 s30, s5;
	[sflag:s14] =	ssyncpa.u1 $0x0;
	s15 =	sadd.s32 s2, s0  }
0x600: {  	v0 =	vlaneseq.u32;
	s21 =	smov.u32 s9;
	p0 =	por $0x1, $0x1;
	s17 =	sadd.s32 $0x1, s15  }
.LBB2_22:
0x601: {  	s0 =	sshrl.u32 s0, $0x2  }
.LBB2_24:
0x602: {  	_ =	swait.ge [sflag:s19], s0  }
0x603: {  	s30 =	ssub.s32 $0x0, s0;
	v1 =	vmov s25;
	vm0 =	veq.s32 v0, $0x0;
	[sflag:s19] =	ssyncset.done $0x0  }
0x604: {  	vm15 =	veq.s32 v0, $0x2;
	v1 =	vsel vm0, s31, v1;
	[sflag:s19] =	ssyncadd.s32 s30  }
0x605: {  	v1 =	vsel vm15, s23, v1;
	[sflag:s19] =	ssyncpa.u1 $0x1  }
0x606: {  	[tilespmem:$0xBF48] =	vst v1  }
.LBB2_25:
0x607: {  	s0 =	sadd.s32 $0x130, s21  }
0x608: {  	s2 =	smov.u32 s9;
	p2 =	slt.s32 s0, s10  }
0x609: {  	s2 =	smov.u32 @p2 s0;
	p2 =	sne.s32 s22, s17  }
.Ltmp1:
0x60a: {  	_ = 	snop;
	(pc) =	sbr.rel @!p2 .LBB2_26-.Ltmp1, $4  }
0x60b: {  	_ = 	snop  }
0x60c: {  	s23 =	smov.u32 s20  }
0x60d: {  	s31 =	sadd.s32 $0x1, s22;
	s20 =	smov.u32 s21;
	p0 =	por !p0, !p0  }
0x60e: {  	p1 =	por !p1, !p1;
	s22 =	smov.u32 s31;
	s21 =	smov.u32 s2  }
.LBB2_1:
0x60f: {  	p2 =	sge.u32 s22, s15  }
0x610: {  	s0 =	smulhi.u32 @!p2 $0xAAAAAAAB, s22  }
0x611: {  	s2 =	smov.u32 s21;
	p3 =	sgt.s32 @!p2 s21, $0x60D0  }
0x612: {  	s3 =	sshra.s32 @!p2 s21, $0x1F;
	p3 =	por !p3, p2;
	s0 =	sshrl.u32 @!p2 s0, $0x1  }
0x613: {  	s3 =	sand.u32 @!p2 s3, s21;
	s2 =	simm.s32 @p3 $0x60D0;
	s0 =	smul.u32 @!p2 $0x3, s0  }
0x614: {  	s2 =	ssub.s32 @!p2 s2, s3  }
0x615: {  	s2 =	sadd.s32 @!p2 $0xFFFF9F30, s2;
	s0 =	ssub.s32 @!p2 s22, s0  }
0x616: {  	s3 =	sshll.u32 @!p2 s2, $0x2;
	p3 =	sgt.s32 @!p2 s2, $0x12F;
	s0 =	smul.u32 @!p2 $0x4C0, s0  }
0x617: {  	s7 =	sand.u32 @!p2 $0x7, s21;
	s2 =	ssub.s32 @!p2 $0x4C0, s3;
	p3 =	por !p3, p2  }
0x618: {  	s3 =	sshrl.u32 @!p2 s21, $0x3;
	s2 =	sshrl.u32 @!p2 s2, $0x2;
	s0 =	sshrl.u32 @!p2 s0, $0x2  }
0x619: {  	s3 =	sadd.s32 @!p2 s3, s6;
	s2 =	simm.s32 @!p3 $0x0;
	s0 =	sadd.s32 @!p2 $0xC988, s0  }
0x61a: {  	[tilespmem:s0], [sflag:$0xA] =	stream.linear.gather @!p2 [hbm4b:s3+s7], s2, $0x38;
	[tilespmem:$0x1FF78] =	vst v63  }
0x61b: {  	s2 =	sadd.s32 $0xFFFFFFFF, s22  }
0x61c: {  	p2 =	sge.u32 s2, s15  }
0x61d: {  	p3 =	sgt.s32 @!p2 s20, $0x60D0  }
0x61e: {  	s0 =	smov.u32 s20;
	s3 =	sshra.s32 @!p2 s20, $0x1F;
	p3 =	por !p3, p2  }
0x61f: {  	s3 =	sand.u32 @!p2 s3, s20;
	s0 =	simm.s32 @p3 $0x60D0  }
0x620: {  	s0 =	ssub.s32 @!p2 s0, s3  }
0x621: {  	s0 =	sadd.s32 @!p2 $0xFFFF9F30, s0  }
0x622: {  	s3 =	sshll.u32 @!p2 s0, $0x2  }
0x623: {  	p3 =	sgt.s32 @!p2 s0, $0x12F;
	s0 =	ssub.s32 @!p2 $0x4C0, s3  }
0x624: {  	p3 =	por !p3, p2;
	s0 =	sshrl.u32 @!p2 s0, $0x2  }
0x625: {  	s7 =	simm.s32 @!p2 $0xA;
	s3 =	sand.u32 @!p2 $0x1, s2;
	s0 =	simm.s32 @!p3 $0x0  }
0x626: {  	s3 =	smul.u32 @!p2 $0x4C0, s3;
	_ =	swait.ge @!p2 [sflag:s7], s0  }
0x627: {  	s8 =	ssub.s32 @!p2 $0x0, s0;
	[sflag:s7] =	ssyncset.done @!p2 $0x0  }
0x628: {  	s3 =	sshrl.u32 @!p2 s3, $0x2;
	[sflag:s7] =	ssyncadd.s32 @!p2 s8;
	s7 =	sshrl.u32 @!p2 s20, $0x3  }
0x629: {  	s3 =	sadd.s32 @!p2 $0xCD18, s3;
	s8 =	sand.u32 @!p2 $0x7, s20;
	s7 =	sadd.s32 @!p2 s7, s5  }
0x62a: {  	[tilespmem:s3], [sflag:$0xB] =	stream.linear.gather @!p2 [hbm4b:s7+s8], s0, $0x38;
	[tilespmem:$0x1FF78] =	vst v63  }
0x62b: {  	s0 =	ssub.s32 @!p2 $0x6200, s20  }
0x62c: {  	p3 =	slt.s32 @!p2 s0, $0x1  }
0x62d: {  	p3 =	por p2, p3  }
.Ltmp2:
0x62e: {  	_ = 	snop;
	(pc) =	sbr.rel @p3 .LBB2_7-.Ltmp2, $1  }
0x62f: {  	_ =	sdelay $0x3  }
0x630: {  	s3 =	smulhi.u32 $0xAAAAAAAB, s2;
	_ =	sdelay $0x1  }
0x631: {  	s3 =	sshrl.u32 s3, $0x1  }
0x632: {  	s3 =	smul.u32 $0x3, s3;
	_ =	sdelay $0x1  }
0x633: {  	s29 =	ssub.s32 s2, s3  }
0x634: {  	s7 =	simm.s32 $0x1;
	s2 =	smul.u32 $0x4C0, s29  }
.Ltmp3:
0x635: {  	s7 =	simm.s32 @!p0 $0x0;
	(pc) =	sbr.rel .LBB2_4-.Ltmp3, $4  }
0x636: {  	s30 =	smul.u32 $0x26000, s7  }
0x637: {  	p3 =	slt.s32 @!p2 s0, $0x130;
	s2 =	sshrl.u32 s2, $0x2  }
0x638: {  	p2 =	por !p3, p2;
	s3 =	sshrl.u32 s30, $0x2;
	s31 =	sadd.s32 $0xC988, s2  }
0x639: {  	s24 =	simm.s32 $0x0;
	s0 =	simm.s32 @p2 $0x130;
	s2 =	sadd.s32 $0xCF78, s3;
	v1 =	vmov s31  }
.LBB2_3:
0x63a: {  	p2 =	sge.s32 s24, s0  }
.Ltmp4:
0x63b: {  	_ = 	snop;
	(pc) =	sbr.rel @p2 .LBB2_7-.Ltmp4, $2  }
0x63c: {  	_ =	sdelay $0x2  }
0x63d: {  	s2 =	sadd.s32 $0x800, s2  }
.LBB2_4:
0x63e: {  	p2 =	sle.s32 s0, s24  }
.Ltmp5:
0x63f: {  	_ = 	snop;
	(pc) =	sbr.rel @p2 .LBB2_3-.Ltmp5, $2  }
0x640: {  	_ =	sdelay $0x2  }
0x641: {  	s3 =	smov.u32 s24;
	s24 =	sadd.s32 $0x10, s24  }
0x642: {  	s7 =	ssub.s32 s0, s3  }
0x643: {  	p2 =	slt.s32 s7, $0x10  }
0x644: {  	s7 =	simm.s32 @!p2 $0x10  }
0x645: {  	v2 =	vmov s7  }
0x646: {  	vm0 =	vgt.s32 v2, v0;
	_ =	sdelay $0x5  }
0x647: {  	v2 =	vld.idx.msk [tilespmem:v1+s3+$0x0 ss:$0x1], vm0;
	_ =	sdelay $0x2  }
0x648: {  	p2 =	slt.s32 s24, s0;
	s7 =	smov.u32 s0  }
0x649: {  	s8 =	smov.u32 s2;
	s25 =	simm.s32 $0x0;
	s7 =	smov.u32 @p2 s24  }
.LBB2_6:
0x64a: {  	(v2sf) =	vpush v2, s25;
	_ =	sdelay $0xc  }
0x64b: {  	s25 =	sadd.s32 $0x1, s25  }
0x64c: {  	s31 =	sadd.s32 s25, s3  }
0x64d: {  	p2 =	slt.s32 s31, s7;
	s11 =	spop (v2sf)  }
.Ltmp6:
0x64e: {  	s11 =	sshll.u32 s11, $0x4;
	(pc) =	sbr.rel @p2 .LBB2_6-.Ltmp6, $4  }
0x64f: {  	s11 =	sand.u32 $0x1FFFFFF0, s11  }
0x650: {  	s11 =	sadd.s32 s12, s11  }
0x651: {  	[tilespmem:s8], [sflag:$0x9] =	stream.linear.gather [hbm4b:s11+s18], $0x42, $0x38;
	[tilespmem:$0x1FF78] =	vst v63  }
0x652: {  	s8 =	sadd.s32 $0x80, s8  }
.Ltmp7:
0x653: {  	_ = 	snop;
	(pc) =	sbr.rel .LBB2_3-.Ltmp7, $1  }
0x654: {  	_ =	sdelay $0x3  }
.LBB2_7:
0x655: {  	p2 =	slt.u32 s22, $0x2  }
.Ltmp8:
0x656: {  	_ = 	snop;
	(pc) =	sbr.rel @p2 .LBB2_25-.Ltmp8, $1  }
0x657: {  	_ =	sdelay $0x3  }
0x658: {  	s0 =	ssub.s32 $0x6200, s23;
	p2 =	sgt.s32 s23, $0x60D0  }
0x659: {  	s2 =	smov.u32 s23;
	s3 =	sshra.s32 s23, $0x1F;
	p3 =	slt.s32 s0, $0x130  }
0x65a: {  	s2 =	simm.s32 @!p2 $0x60D0;
	s3 =	sand.u32 s3, s23;
	s0 =	simm.s32 @!p3 $0x130  }
0x65b: {  	s2 =	ssub.s32 s2, s3;
	s0 =	smul.u32 $0x108, s0  }
0x65c: {  	s2 =	sadd.s32 $0xFFFF9F30, s2  }
0x65d: {  	s29 =	simm.s32 $0x9;
	s25 =	sshll.u32 s2, $0x2;
	s0 =	sshrl.u32 s0, $0x2  }
0x65e: {  	p2 =	sgt.s32 s2, $0x12F;
	s26 =	ssub.s32 $0x4C0, s25;
	_ =	swait.ge [sflag:s29], s0  }
0x65f: {  	s0 =	ssub.s32 $0x0, s0;
	s2 =	sshrl.u32 s26, $0x2;
	[sflag:s29] =	ssyncset.done $0x0  }
0x660: {  	s2 =	simm.s32 @p2 $0x0;
	[sflag:s29] =	ssyncadd.s32 s0  }
0x661: {  	_ =	swait.ge [sflag:s14], s2  }
0x662: {  	s30 =	ssub.s32 $0x0, s2;
	[sflag:s14] =	ssyncset.done $0x0  }
0x663: {  	[sflag:s14] =	ssyncadd.s32 s30  }
0x664: {  	v1 =	vld [tilespmem:$0xBF48];
	_ =	sdelay $0x4  }
0x665: {  	(v2sf) =	vpush v1, $0x0  }
0x666: {  	(v2sf) =	vpush v1, $0x1  }
0x667: {  	(v2sf) =	vpush v1, $0x2;
	_ =	sdelay $0x3  }
0x668: {  	s0 =	sadd.s32 $0x130, s23  }
0x669: {  	p2 =	slt.s32 s10, s0;
	s2 =	ssub.s32 $0xC400, s23  }
0x66a: {  	s0 =	smov.u32 @p2 s10;
	p2 =	sgt.s32 s2, $0x0  }
0x66b: {  	s0 =	ssub.s32 s0, s23;
	s2 =	simm.s32 @!p2 $0x0  }
0x66c: {  	p2 =	slt.s32 s2, s0  }
0x66d: {  	s0 =	smov.u32 @p2 s2  }
0x66e: {  	s26 =	simm.s32 $0x1;
	p2 =	slt.s32 s0, $0x1  }
.Ltmp9:
0x66f: {  	s26 =	simm.s32 @!p1 $0x0;
	(pc) =	sbr.rel @p2 .LBB2_12-.Ltmp9, $4  }
0x670: {  	s31 =	smul.u32 $0x4C0, s26  }
0x671: {  	s28 =	spop (v2sf)  }
0x672: {  	s3 =	sshrl.u32 s31, $0x2;
	s2 =	spop (v2sf)  }
0x673: {  	s24 =	sadd.s32 $0xCD18, s3;
	s23 =	spop (v2sf)  }
0x674: {  	s3 =	smin.u32 s0, $0x10  }
0x675: {  	v1 =	vmov s3  }
0x676: {  	p3 =	sgt.s32 s0, $0x10;
	vm1 =	vgt.u32 v1, v0  }
.Ltmp10:
0x677: {  	_ = 	snop;
	(pc) =	sbr.rel @!p3 .LBB2_11-.Ltmp10, $2  }
0x678: {  	_ =	sdelay $0x2  }
0x679: {  	s25 =	simm.s32 $0x10;
	s29 =	sadd.s32 $0xFFFFFFF0, s0;
	s3 =	smov.u32 s24;
	vm0 =	vmmov vm1  }
.LBB2_10:
0x67a: {  	s7 =	smin.u32 s29, $0x10;
	s25 =	sadd.s32 $0x10, s25;
	v1 =	vld.msk [tilespmem:s3+$0x0 ss:$0x1], vm1  }
0x67b: {  	v2 =	vmov s7;
	p3 =	slt.s32 s25, s0  }
0x67c: {  	vm1 =	vgt.u32 v2, v0  }
.Ltmp11:
0x67d: {  	(pc) =	sbr.rel @p3 .LBB2_10-.Ltmp11, $3  }
0x67e: {  	_ =	sdelay $0x1  }
0x67f: {  	v1 =	vshll.u32 v1, $0x4  }
0x680: {  	s29 =	sadd.s32 $0xFFFFFFF0, s29;
	[tilespmem:s3+$0x0] =	vst.msk vm0, v1;
	s3 =	sadd.s32 $0x10, s3;
	vm0 =	vmmov vm1  }
.LBB2_11:
0x681: {  	_ =	sdelay $0x4  }
0x682: {  	v1 =	vld.msk [tilespmem:s3+$0x0 ss:$0x1], vm1;
	_ =	sdelay $0x4  }
0x683: {  	v1 =	vshll.u32 v1, $0x4  }
0x684: {  	[tilespmem:s3+$0x0] =	vst.msk vm0, v1  }
.LBB2_12:
0x685: {  	s3 =	sand.u32 $0x1, s22  }
0x686: {  	s3 =	smul.u32 $0x130, s3  }
0x687: {  	p3 =	sne.s32 s2, $0xFFFFFFFF  }
0x688: {  	v1 =	vld.msk @!p3 [tilespmem:s3+$0xCD18], $0x1;
	_ =	sdelay $0x4  }
0x689: {  	(v2sf) =	vpush @!p3 v1, $0x0;
	_ =	sdelay $0xc  }
.Ltmp12:
0x68a: {  	_ = 	snop;
	(pc) =	sbr.rel @p2 .LBB2_23-.Ltmp12, $4  }
0x68b: {  	_ = 	snop  }
0x68c: {  	s30 =	spop @!p3 (v2sf)  }
0x68d: {  	s23 =	simm.s32 @!p3 $0x0;
	s25 =	smov.u32 s30  }
0x68e: {  	[sflag:s19] =	ssyncpa.u1 $0x0;
	s30 =	smov.u32 @p3 s28;
	s25 =	smov.u32 @p3 s2  }
0x68f: {  	v1 =	vld.msk [tilespmem:s24+$0x0], $0x1;
	_ =	sdelay $0x4  }
0x690: {  	(v2sf) =	vpush v1, $0x0;
	_ =	sdelay $0xe  }
0x691: {  	s3 =	smul.u32 $0x26000, s26;
	s26 =	ssub.s32 $0x0, s0;
	s2 =	spop (v2sf)  }
0x692: {  	s28 =	simm.s32 $0x0;
	s0 =	sadd.s32 $0x1, s26;
	p2 =	seq.s32 s30, s2  }
0x693: {  	s8 =	smov.u32 s30;
	p4 =	seq.s32 s0, $0x0;
	p3 =	sgt.s32 @!p2 s30, $0x0  }
.Ltmp13:
0x694: {  	s31 =	sadd.s32 $0x1, s24;
	p3 =	por !p3, p2;
	(pc) =	sbr.rel @p4 .LBB2_15-.Ltmp13, $4  }
0x695: {  	s3 =	sshrl.u32 s3, $0x2;
	s7 =	smul.u32 @!p2 $0x140, s28;
	s8 =	simm.s32 @p3 $0x0  }
0x696: {  	s29 =	sadd.s32 $0xCF98, s3;
	s3 =	simm.s32 @!p2 $0x1;
	s8 =	smin.u32 @!p2 s8, $0x1FF7  }
0x697: {  	s3 =	smov.u32 @p2 s28;
	s7 =	sshra.s32 @!p2 s7, $0x2;
	s11 =	sand.u32 @!p2 $0x1FF8, s8  }
0x698: {  	s7 =	sadd.s32 @!p2 $0x5FF8, s7;
	s8 =	sand.u32 @!p2 $0x7, s8;
	s11 =	sadd.s32 @!p2 s1, s11  }
.LBB2_14:
0x699: {  	s13 =	smov.u32 s3  }
0x69a: {  	[tilespmem:s7], [sflag:$0x2] =	stream.linear.gather @!p2 [hbm4b:s11+s8], $0x42, $0x38;
	[tilespmem:$0x1FF78] =	vst v63  }
0x69b: {  	s0 =	sadd.s32 $0x1, s0;
	s7 =	smov.u32 s2;
	v1 =	vld.msk [tilespmem:s31+$0x0], $0x1  }
0x69c: {  	p3 =	seq.s32 s0, $0x0;
	_ =	sdelay $0x3  }
0x69d: {  	(v2sf) =	vpush v1, $0x0;
	_ =	sdelay $0xe  }
0x69e: {  	s2 =	spop (v2sf)  }
0x69f: {  	p2 =	seq.s32 s7, s2  }
0x6a0: {  	p4 =	sgt.s32 @!p2 s7, $0x0;
	s8 =	smul.u32 @!p2 $0x140, s3;
	s3 =	sadd.s32 @!p2 $0x1, s3  }
.Ltmp14:
0x6a1: {  	p4 =	por !p4, p2;
	s3 =	smov.u32 @p2 s13;
	(pc) =	sbr.rel @!p3 .LBB2_14-.Ltmp14, $4  }
0x6a2: {  	s7 =	simm.s32 @p4 $0x0;
	s8 =	sshra.s32 @!p2 s8, $0x2  }
0x6a3: {  	s11 =	smin.u32 @!p2 s7, $0x1FF7;
	s7 =	sadd.s32 @!p2 $0x5FF8, s8  }
0x6a4: {  	s13 =	sand.u32 @!p2 $0x1FF8, s11;
	s8 =	sand.u32 @!p2 $0x7, s11  }
0x6a5: {  	s31 =	sadd.s32 $0x1, s31;
	s11 =	sadd.s32 @!p2 s1, s13  }
.LBB2_15:
0x6a6: {  	s0 =	smul.u32 $0x108, s3  }
0x6a7: {  	[tilespmem:s7], [sflag:$0x2] =	stream.linear.gather @!p2 [hbm4b:s11+s8], $0x42, $0x38;
	[tilespmem:$0x1FF78] =	vst v63  }
.Ltmp15:
0x6a8: {  	_ = 	snop;
	(pc) =	sbr.rel .LBB2_16-.Ltmp15, $4  }
0x6a9: {  	s2 =	simm.s32 $0x2;
	s0 =	sshrl.u32 s0, $0x2  }
0x6aa: {  	_ =	swait.ge [sflag:s2], s0  }
0x6ab: {  	s0 =	ssub.s32 $0x0, s0;
	[sflag:s2] =	ssyncset.done $0x0  }
0x6ac: {  	[sflag:s2] =	ssyncadd.s32 s0;
	s0 =	simm.s32 $0x0  }
.LBB2_17:
0x6ad: {  	v1 =	vld [tilespmem:s29+$0xFFFFFFE0];
	_ =	sdelay $0x4  }
0x6ae: {  	[tilespmem:s2+$0xA8] =	vst.add.f32.msk $0xffff, v1  }
0x6af: {  	v1 =	vld [tilespmem:s29+$0xFFFFFFF0];
	_ =	sdelay $0x4  }
0x6b0: {  	[tilespmem:s2+$0xB8] =	vst.add.f32.msk $0xffff, v1  }
0x6b1: {  	v1 =	vld [tilespmem:s29+$0x0];
	_ =	sdelay $0x4  }
0x6b2: {  	[tilespmem:s2+$0xC8] =	vst.add.f32.msk $0xffff, v1  }
0x6b3: {  	v1 =	vld [tilespmem:s29+$0x10];
	_ =	sdelay $0x4  }
0x6b4: {  	[tilespmem:s2+$0xD8] =	vst.add.f32.msk $0xffff, v1  }
0x6b5: {  	v1 =	vld.msk [tilespmem:s29+$0x20], $0x3;
	_ =	sdelay $0x4  }
0x6b6: {  	[tilespmem:s2+$0xE8] =	vst.add.f32.msk $0x3, v1  }
.LBB2_21:
0x6b7: {  	s26 =	sadd.s32 $0x1, s26  }
0x6b8: {  	p2 =	seq.s32 s26, $0x0  }
.Ltmp16:
0x6b9: {  	_ = 	snop;
	(pc) =	sbr.rel @p2 .LBB2_22-.Ltmp16, $2  }
0x6ba: {  	_ =	sdelay $0x2  }
0x6bb: {  	s24 =	sadd.s32 $0x1, s24;
	s29 =	sadd.s32 $0x80, s29;
	s30 =	smov.u32 s31  }
.LBB2_16:
0x6bc: {  	v1 =	vld.msk [tilespmem:s24+$0x0], $0x1;
	_ =	sdelay $0x4  }
0x6bd: {  	(v2sf) =	vpush v1, $0x0;
	_ =	sdelay $0xe  }
0x6be: {  	s31 =	spop (v2sf)  }
0x6bf: {  	p2 =	sne.s32 s30, s31  }
.Ltmp17:
0x6c0: {  	_ = 	snop;
	(pc) =	sbr.rel @!p2 .LBB2_17-.Ltmp17, $3  }
0x6c1: {  	_ = 	snop  }
0x6c2: {  	s2 =	smul.u32 $0x140, s23;
	_ =	sdelay $0x1  }
0x6c3: {  	s2 =	sshra.s32 s2, $0x2  }
0x6c4: {  	p2 =	seq.s32 s30, s25  }
.Ltmp18:
0x6c5: {  	_ = 	snop;
	(pc) =	sbr.rel @!p2 .LBB2_19-.Ltmp18, $1  }
0x6c6: {  	_ =	sdelay $0x3  }
.Ltmp19:
0x6c7: {  	s2 =	sadd.s32 $0xA8, s2;
	(pc) =	sbr.rel .LBB2_20-.Ltmp19, $4  }
0x6c8: {  	[spmem:s16] =	stream.linear.scatter [tilespmem:s2], [sflag:$0x1], $0x42, $0x38;
	[tilespmem:$0x1FF78] =	vst v63  }
0x6c9: {  	_ =	swait.ge [sflag:s4], $0x42  }
0x6ca: {  	[sflag:s4] =	ssyncset.done $0x0  }
0x6cb: {  	[sflag:s4] =	ssyncadd.s32 $0xFFFFFFBE  }
.LBB2_19:
0x6cc: {  	s3 =	smul.u32 $0x140, s28;
	_ =	sdelay $0x1  }
0x6cd: {  	s3 =	sshra.s32 s3, $0x2  }
0x6ce: {  	v1 =	vld [tilespmem:s3+$0x5FF8];
	_ =	sdelay $0x4  }
0x6cf: {  	[tilespmem:s2+$0xA8] =	vst.add.f32.msk $0xffff, v1  }
0x6d0: {  	v1 =	vld [tilespmem:s3+$0x6008];
	_ =	sdelay $0x4  }
0x6d1: {  	[tilespmem:s2+$0xB8] =	vst.add.f32.msk $0xffff, v1  }
0x6d2: {  	v1 =	vld [tilespmem:s3+$0x6018];
	_ =	sdelay $0x4  }
0x6d3: {  	[tilespmem:s2+$0xC8] =	vst.add.f32.msk $0xffff, v1  }
0x6d4: {  	v1 =	vld [tilespmem:s3+$0x6028];
	_ =	sdelay $0x4  }
0x6d5: {  	[tilespmem:s2+$0xD8] =	vst.add.f32.msk $0xffff, v1  }
0x6d6: {  	v1 =	vld.msk [tilespmem:s3+$0x6038], $0x3;
	_ =	sdelay $0x2  }
0x6d7: {  	p2 =	sgt.u32 s30, $0x1FF7  }
0x6d8: {  	s3 =	sand.u32 @!p2 $0x1FF8, s30  }
0x6d9: {  	s7 =	sadd.s32 $0xA8, s2;
	[tilespmem:s2+$0xE8] =	vst.add.f32.msk $0x3, v1;
	s2 =	sadd.s32 @!p2 s1, s3;
	s3 =	sand.u32 @!p2 $0x7, s30  }
0x6da: {  	[hbm4b:s2+s3] =	stream.linear.scatter @!p2 [tilespmem:s7], [sflag:$0xC], $0x42, $0x38;
	[tilespmem:$0x1FF78] =	vst v63  }
0x6db: {  	s2 =	simm.s32 $0x0  }
0x6dc: {  	s2 =	simm.s32 @!p2 $0x108  }
0x6dd: {  	s0 =	sadd.s32 s2, s0  }
.LBB2_20:
0x6de: {  	s2 =	sadd.s32 $0x1, s23  }
0x6df: {  	s3 =	sshrl.u32 s2, $0x4  }
0x6e0: {  	s3 =	smulhi.u32 $0xD79435F, s3;
	_ =	sdelay $0x1  }
0x6e1: {  	s3 =	smul.u32 $0x130, s3  }
0x6e2: {  	v1 =	vld [tilespmem:s29+$0xFFFFFFE0]  }
0x6e3: {  	s23 =	ssub.s32 s2, s3  }
0x6e4: {  	s2 =	smul.u32 $0x140, s23;
	_ =	sdelay $0x1  }
0x6e5: {  	s2 =	sshrl.u32 s2, $0x2  }
0x6e6: {  	[tilespmem:s2+$0xA8] =	vst v1  }
0x6e7: {  	v1 =	vld [tilespmem:s29+$0xFFFFFFF0];
	_ =	sdelay $0x4  }
0x6e8: {  	[tilespmem:s2+$0xB8] =	vst v1  }
0x6e9: {  	v1 =	vld [tilespmem:s29+$0x0];
	_ =	sdelay $0x4  }
0x6ea: {  	[tilespmem:s2+$0xC8] =	vst v1  }
0x6eb: {  	v1 =	vld [tilespmem:s29+$0x10];
	_ =	sdelay $0x4  }
0x6ec: {  	[tilespmem:s2+$0xD8] =	vst v1  }
0x6ed: {  	v1 =	vld.msk [tilespmem:s29+$0x20], $0x3  }
.Ltmp20:
0x6ee: {  	_ = 	snop;
	(pc) =	sbr.rel .LBB2_21-.Ltmp20, $2  }
0x6ef: {  	_ =	sdelay $0x2  }
0x6f0: {  	s28 =	sadd.s32 $0x1, s28;
	[tilespmem:s2+$0xE8] =	vst.msk $0x3, v1  }
.LBB2_23:
.Ltmp21:
0x6f1: {  	(pc) =	sbr.rel .LBB2_24-.Ltmp21, $4  }
0x6f2: {  	_ = 	snop  }
0x6f3: {  	s0 =	simm.s32 $0x2  }
0x6f4: {  	_ =	swait.ge [sflag:s0], $0x0  }
0x6f5: {  	s31 =	smov.u32 s30;
	[sflag:s0] =	ssyncset.done $0x0;
	s0 =	simm.s32 $0x0  }
.LBB2_26:
0x6f6: {  	_ =	sfence.sel $0x180000  }
0x6f7: {  	s0 =	simm.s32 $0x9;
	[bflag:$0x0] =	sbarrier.arrive $0xFFFF  }
0x6f8: {  	s24 =	simm.s32 $0xA;
	[sflag:s0] =	ssyncpa.u1 $0x1  }
0x6f9: {  	s25 =	simm.s32 $0xB;
	[sflag:s24] =	ssyncpa.u1 $0x1  }
0x6fa: {  	s26 =	simm.s32 $0x2;
	[sflag:s25] =	ssyncpa.u1 $0x1  }
0x6fb: {  	[sflag:s26] =	ssyncpa.u1 $0x1  }
0x6fc: {  	v0 =	vld [tilespmem:$0xBF48];
	_ =	sdelay $0x4  }
0x6fd: {  	(v2sf) =	vpush v0, $0x0  }
0x6fe: {  	(v2sf) =	vpush v0, $0x1  }
0x6ff: {  	(v2sf) =	vpush v0, $0x2;
	_ =	sdelay $0xc  }
0x700: {  	s0 =	spop (v2sf)  }
0x701: {  	s2 =	spop (v2sf)  }
0x702: {  	s3 =	smov.u32 s0;
	p0 =	sne.s32 s0, s2;
	s4 =	spop (v2sf)  }
0x703: {  	s3 =	simm.s32 @!p0 $0xFFFFFFFF;
	p0 =	seq.s32 s4, $0xFFFFFFFF  }
0x704: {  	v2 =	vimm.s32 $0x1;
	v3 =	vlaneseq.u32;
	v1 =	vmov s3;
	p1 =	sne.s32 @!p0 s0, s2  }
0x705: {  	s14 =	stileid.u32;
	v0 =	vperm.xlane v0, v2;
	s0 =	simm.s32 @!p0 $0x1;
	v1 =	vperm.xlane v1, v3;
	p1 =	por !p1, p0  }
0x706: {  	vm0 =	vcmask $0x3F04;
	s3 =	sshll.u32 s14, $0x1;
	s2 =	smul.u32 @!p0 $0x140, s4;
	s0 =	simm.s32 @p1 $0x0  }
0x707: {  	s6 =	simm.s32 $0xBF48;
	v0 =	vsel vm0, v1, v0;
	s0 =	sor.u32 @!p0 s0, s3  }
0x708: {  	s5 =	sor.u32 $0xA00, s3;
	s2 =	sshra.s32 @!p0 s2, $0x2;
	[tilespmem:$0xBF48] =	vst v0;
	s0 =	smul.u32 @!p0 $0x140, s0  }
0x709: {  	[spmem:s5] =	stream.linear.scatter [tilespmem:s6], [sflag:$0x1], $0x2, $0x38;
	[tilespmem:$0x1FF78] =	vst v63  }
0x70a: {  	s2 =	sadd.s32 @!p0 $0xA8, s2;
	s0 =	sshrl.u32 @!p0 s0, $0x2  }
0x70b: {  	[spmem:s0] =	stream.linear.scatter @!p0 [tilespmem:s2], [sflag:$0x1], $0x50, $0x38;
	[tilespmem:$0x1FF78] =	vst v63  }
0x70c: {  	s0 =	simm.s32 @!p0 $0x52  }
0x70d: {  	s28 =	simm.s32 $0x1;
	s0 =	simm.s32 @p0 $0x2  }
0x70e: {  	_ =	swait.ge [sflag:s28], s0  }
0x70f: {  	s0 =	ssub.s32 $0x0, s0;
	[sflag:s28] =	ssyncset.done $0x0  }
0x710: {  	p0 =	sne.s32 s14, $0x0;
	[sflag:s28] =	ssyncadd.s32 s0  }
.Ltmp22:
0x711: {  	_ =	sfence.stream.spmem;
	(pc) =	sbr.rel @p0 .LBB2_43-.Ltmp22, $4  }
0x712: {  	s29 =	simm.s32 $0x3;
	[bflag:$0x0] =	sbarrier.arrive $0xFFFF  }
0x713: {  	s30 =	simm.s32 $0x4;
	[sflag:s29] =	ssyncpa.u1 $0x1  }
0x714: {  	s31 =	simm.s32 $0x3C;
	[sflag:s30] =	ssyncpa.u1 $0x1  }
0x715: {  	s15 =	rddreg [dreg:$0x7];
	[sflag:s31] =	ssyncpa.u1 $0x1  }
0x716: {  	_ =	sfence.stream.spmem;
	s0 =	simm.s32 $0x5  }
0x717: {  	s2 =	simm.s32 $0xA00;
	s3 =	simm.s32 $0xBF58;
	[sflag:s0] =	ssyncpa.u1 $0x0  }
0x718: {  	[tilespmem:s3], [sflag:$0x5] =	stream.linear.gather [spmem:s2], $0x20, $0x38;
	[tilespmem:$0x1FF78] =	vst v63  }
0x719: {  	s26 =	simm.s32 $0x0;
	s28 =	simm.s32 $0xBF78  }
0x71a: {  	[tilespmem:s28], [sflag:$0x5] =	stream.linear.gather [spmem:s26], $0xA00, $0x38;
	[tilespmem:$0x1FF78] =	vst v63  }
0x71b: {  	_ =	swait.ge [sflag:s0], $0xA20  }
0x71c: {  	[sflag:s0] =	ssyncset.done $0x0  }
0x71d: {  	s29 =	simm.s32 $0x0;
	[sflag:s0] =	ssyncadd.s32 $0xFFFFF5E0  }
0x71e: {  	v0 =	vld.msk [tilespmem:s29+$0xBF58], $0x1;
	_ =	sdelay $0x1  }
0x71f: {  	s30 =	simm.s32 $0x1  }
0x720: {  	v1 =	vld.msk [tilespmem:s30+$0xBF58], $0x1;
	_ =	sdelay $0x1  }
0x721: {  	(v2sf) =	vpush v0, $0x0;
	_ =	sdelay $0x2  }
0x722: {  	(v2sf) =	vpush v1, $0x0;
	_ =	sdelay $0x2  }
0x723: {  	s31 =	simm.s32 $0x2  }
0x724: {  	v0 =	vld.msk [tilespmem:s31+$0xBF58], $0x1;
	_ =	sdelay $0x2  }
0x725: {  	s2 =	simm.s32 $0xFFFFFFFF;
	s3 =	simm.s32 $0xFFFFFFFF;
	s0 =	simm.s32 $0xC  }
.LBB2_28:
0x726: {  	s4 =	smov.u32 s3;
	s5 =	smov.u32 s2  }
0x727: {  	s2 =	sshra.s32 s0, $0x2;
	p1 =	sne.s32 s0, $0x7C;
	s0 =	sadd.s32 $0x4, s0;
	(v2sf) =	vpush v0, $0x0  }
0x728: {  	v0 =	vld.msk [tilespmem:s2+$0xBF58], $0x1  }
.Ltmp23:
0x729: {  	(pc) =	sbr.rel @p1 .LBB2_28-.Ltmp23, $4  }
0x72a: {  	s3 =	spop (v2sf)  }
0x72b: {  	p2 =	sne.s32 s5, $0xFFFFFFFF;
	s2 =	smov.u32 s3  }
0x72c: {  	p3 =	seq.s32 s3, $0xFFFFFFFF;
	s2 =	smov.u32 @p2 s5  }
0x72d: {  	s3 =	smov.u32 @p3 s4;
	s2 =	smov.u32 @p3 s5  }
0x72e: {  	(v2sf) =	vpush v0, $0x0;
	_ =	sdelay $0x8  }
0x72f: {  	s0 =	spop (v2sf)  }
0x730: {  	p1 =	sne.s32 s2, $0xFFFFFFFF;
	s4 =	smov.u32 s0  }
0x731: {  	s9 =	simm.s32 $0x6;
	p2 =	seq.s32 s0, $0xFFFFFFFF;
	s4 =	smov.u32 @p1 s2  }
0x732: {  	s10 =	simm.s32 $0xBEF8;
	s4 =	smov.u32 @p2 s2;
	s2 =	spop (v2sf)  }
0x733: {  	s0 =	smov.u32 @p2 s3;
	p1 =	sne.s32 s4, $0xFFFFFFFF;
	s7 =	smov.u32 s2  }
.Ltmp24:
0x734: {  	p2 =	seq.s32 s2, $0xFFFFFFFF;
	s7 =	smov.u32 @p1 s4;
	(pc) =	sbr.rel .LBB2_30-.Ltmp24, $4  }
0x735: {  	s11 =	simm.s32 $0x0;
	s7 =	smov.u32 @p2 s4;
	s5 =	spop (v2sf)  }
0x736: {  	[sflag:s9] =	ssyncpa.u1 $0x0;
	p1 =	sne.s32 s7, $0xFFFFFFFF;
	s6 =	smov.u32 s5  }
0x737: {  	s2 =	smov.u32 @p2 s0;
	p2 =	seq.s32 s5, $0xFFFFFFFF;
	s6 =	smov.u32 @p1 s7  }
0x738: {  	s4 =	simm.s32 $0x0;
	s5 =	smov.u32 @p2 s2;
	s6 =	smov.u32 @p2 s7  }
.LBB2_36:
0x739: {  	p1 =	sgt.u32 s0, $0x1FF7  }
0x73a: {  	p2 =	seq.s32 @!p1 s0, s6  }
0x73b: {  	p1 =	por p1, p2  }
0x73c: {  	p2 =	sne.s32 @!p1 s0, s5  }
0x73d: {  	p1 =	por p1, !p2  }
0x73e: {  	s0 =	smul.u32 @p1 $0x140, s11;
	_ =	sdelay $0x1  }
0x73f: {  	s2 =	sand.u32 @!p1 $0x1FF8, s0  }
0x740: {  	s0 =	sand.u32 @!p1 $0x7, s0;
	s2 =	sadd.s32 @!p1 s1, s2  }
0x741: {  	[tilespmem:s10], [sflag:$0x6] =	stream.linear.gather @!p1 [hbm4b:s2+s0], $0x42, $0x38;
	[tilespmem:$0x1FF78] =	vst v63  }
0x742: {  	_ =	swait.ge @!p1 [sflag:s9], $0x42  }
0x743: {  	[sflag:s9] =	ssyncset.done @!p1 $0x0  }
0x744: {  	[sflag:s9] =	ssyncadd.s32 @!p1 $0xFFFFFFBE  }
0x745: {  	v1 =	vld @!p1 [tilespmem:$0xBEF8];
	_ =	sdelay $0x1  }
0x746: {  	s0 =	smul.u32 @!p1 $0x140, s11;
	_ =	sdelay $0x1  }
0x747: {  	s2 =	sshra.s32 @!p1 s0, $0x2  }
0x748: {  	[tilespmem:s2+$0xBF78] =	vst.add.f32.msk @!p1 $0xffff, v1  }
0x749: {  	v1 =	vld @!p1 [tilespmem:$0xBF08];
	_ =	sdelay $0x4  }
0x74a: {  	[tilespmem:s2+$0xBF88] =	vst.add.f32.msk @!p1 $0xffff, v1  }
0x74b: {  	v1 =	vld @!p1 [tilespmem:$0xBF18];
	_ =	sdelay $0x4  }
0x74c: {  	[tilespmem:s2+$0xBF98] =	vst.add.f32.msk @!p1 $0xffff, v1  }
0x74d: {  	v1 =	vld @!p1 [tilespmem:$0xBF28];
	_ =	sdelay $0x4  }
0x74e: {  	[tilespmem:s2+$0xBFA8] =	vst.add.f32.msk @!p1 $0xffff, v1  }
0x74f: {  	v1 =	vld @!p1 [tilespmem:$0xBF38];
	_ =	sdelay $0x4  }
0x750: {  	[tilespmem:s2+$0xBFB8] =	vst.add.f32.msk @!p1 $0xffff, v1  }
0x751: {  	s0 =	sshra.s32 s0, $0x2;
	[tilespmem:s4+$0xBF58] =	vst.msk $0x1, v0  }
0x752: {  	v0 =	vld [tilespmem:s0+$0xBF78];
	_ =	sdelay $0x1  }
0x753: {  	s31 =	smul.u32 $0x140, s4;
	_ =	sdelay $0x1  }
0x754: {  	s2 =	sshra.s32 s31, $0x2  }
0x755: {  	[tilespmem:s2+$0xBF78] =	vst v0  }
0x756: {  	v0 =	vld [tilespmem:s0+$0xBF88];
	_ =	sdelay $0x4  }
0x757: {  	[tilespmem:s2+$0xBF88] =	vst v0  }
0x758: {  	v0 =	vld [tilespmem:s0+$0xBF98];
	_ =	sdelay $0x4  }
0x759: {  	[tilespmem:s2+$0xBF98] =	vst v0  }
0x75a: {  	v0 =	vld [tilespmem:s0+$0xBFA8];
	_ =	sdelay $0x4  }
0x75b: {  	[tilespmem:s2+$0xBFA8] =	vst v0  }
0x75c: {  	v0 =	vld [tilespmem:s0+$0xBFB8];
	_ =	sdelay $0x4  }
0x75d: {  	s4 =	sadd.s32 $0x1, s4;
	[tilespmem:s2+$0xBFB8] =	vst v0  }
.LBB2_37:
0x75e: {  	s11 =	sadd.s32 $0x1, s11  }
0x75f: {  	p1 =	sne.s32 s11, $0x20  }
.Ltmp25:
0x760: {  	_ = 	snop;
	(pc) =	sbr.rel @!p1 .LBB2_38-.Ltmp25, $1  }
0x761: {  	_ =	sdelay $0x3  }
.LBB2_30:
0x762: {  	v0 =	vld.msk [tilespmem:s11+$0xBF58], $0x1;
	_ =	sdelay $0x4  }
0x763: {  	(v2sf) =	vpush v0, $0x0;
	_ =	sdelay $0xe  }
0x764: {  	s0 =	spop (v2sf)  }
0x765: {  	p1 =	seq.s32 s0, $0xFFFFFFFF  }
.Ltmp26:
0x766: {  	_ = 	snop;
	(pc) =	sbr.rel @p1 .LBB2_37-.Ltmp26, $1  }
0x767: {  	_ =	sdelay $0x3  }
0x768: {  	p1 =	slt.s32 s4, $0x1  }
.Ltmp27:
0x769: {  	_ = 	snop;
	(pc) =	sbr.rel @p1 .LBB2_36-.Ltmp27, $1  }
0x76a: {  	_ =	sdelay $0x3  }
0x76b: {  	s12 =	simm.s32 $0xBF58;
	p1 =	por $0x0, $0x0  }
0x76c: {  	v1 =	vld.msk @!p1 [tilespmem:s12+$0x0], $0x1;
	_ =	sdelay $0x4  }
0x76d: {  	(v2sf) =	vpush @!p1 v1, $0x0;
	_ =	sdelay $0xd  }
0x76e: {  	p3 =	sne.s32 s4, $0x1  }
.Ltmp28:
0x76f: {  	s2 =	spop @!p1 (v2sf);
	(pc) =	sbr.rel @!p3 .LBB2_34-.Ltmp28, $4  }
0x770: {  	p2 =	seq.s32 @!p1 s0, s2  }
0x771: {  	s13 =	simm.s32 $0x0;
	p2 =	por !p2, p1  }
0x772: {  	s3 =	simm.s32 $0xFFFFFFFF;
	s13 =	simm.s32 @p2 $0xFFFFFFFF  }
0x773: {  	s2 =	simm.s32 $0x1;
	s13 =	smov.u32 @p1 s3  }
.LBB2_33:
0x774: {  	s3 =	smov.u32 s13;
	p1 =	sne.s32 s13, $0xFFFFFFFF  }
0x775: {  	s12 =	sadd.s32 $0x1, s12;
	s13 =	smov.u32 s2;
	s2 =	sadd.s32 $0x1, s2  }
0x776: {  	p2 =	sne.s32 s4, s2;
	v1 =	vld.msk @!p1 [tilespmem:s12+$0x0], $0x1;
	_ =	sdelay $0x4  }
0x777: {  	(v2sf) =	vpush @!p1 v1, $0x0;
	_ =	sdelay $0xe  }
.Ltmp29:
0x778: {  	s7 =	spop @!p1 (v2sf);
	(pc) =	sbr.rel @p2 .LBB2_33-.Ltmp29, $4  }
0x779: {  	p3 =	seq.s32 @!p1 s0, s7  }
0x77a: {  	p3 =	por !p3, p1  }
0x77b: {  	s13 =	simm.s32 @p3 $0xFFFFFFFF  }
0x77c: {  	s13 =	smov.u32 @p1 s3  }
.LBB2_34:
0x77d: {  	p1 =	seq.s32 s13, $0xFFFFFFFF  }
.Ltmp30:
0x77e: {  	_ = 	snop;
	(pc) =	sbr.rel @p1 .LBB2_36-.Ltmp30, $1  }
0x77f: {  	_ =	sdelay $0x3  }
0x780: {  	s0 =	smul.u32 $0x140, s11;
	_ =	sdelay $0x1  }
0x781: {  	s0 =	sshra.s32 s0, $0x2  }
0x782: {  	v0 =	vld [tilespmem:s0+$0xBF78];
	_ =	sdelay $0x1  }
0x783: {  	s2 =	smul.u32 $0x140, s13;
	_ =	sdelay $0x1  }
0x784: {  	s2 =	sshra.s32 s2, $0x2  }
0x785: {  	[tilespmem:s2+$0xBF78] =	vst.add.f32.msk $0xffff, v0  }
0x786: {  	v0 =	vld [tilespmem:s0+$0xBF88];
	_ =	sdelay $0x4  }
0x787: {  	[tilespmem:s2+$0xBF88] =	vst.add.f32.msk $0xffff, v0  }
0x788: {  	v0 =	vld [tilespmem:s0+$0xBF98];
	_ =	sdelay $0x4  }
0x789: {  	[tilespmem:s2+$0xBF98] =	vst.add.f32.msk $0xffff, v0  }
0x78a: {  	v0 =	vld [tilespmem:s0+$0xBFA8];
	_ =	sdelay $0x4  }
0x78b: {  	[tilespmem:s2+$0xBFA8] =	vst.add.f32.msk $0xffff, v0  }
0x78c: {  	v0 =	vld [tilespmem:s0+$0xBFB8]  }
.Ltmp31:
0x78d: {  	_ = 	snop;
	(pc) =	sbr.rel .LBB2_37-.Ltmp31, $2  }
0x78e: {  	_ =	sdelay $0x2  }
0x78f: {  	[tilespmem:s2+$0xBFB8] =	vst.add.f32.msk $0xffff, v0  }
.LBB2_38:
0x790: {  	s0 =	simm.s32 $0x6;
	p1 =	seq.s32 s4, $0x0  }
0x791: {  	[sflag:s0] =	ssyncpa.u1 $0x1;
	v0 =	vimm.s32 @p1 $0xFFFFFFFF  }
0x792: {  	s0 =	sadd.s32 $0xFFFFFFFF, s4;
	[tilespmem:$0xC978] =	vst @p1 v0  }
0x793: {  	v0 =	vld.msk @!p1 [tilespmem:s0+$0xBF58], $0x1;
	_ =	sdelay $0x1  }
0x794: {  	v1 =	vld.msk @!p1 [tilespmem:$0xBF58], $0x1;
	_ =	sdelay $0x2  }
0x795: {  	p2 =	seq.s32 @!p1 s0, $0x0;
	v0 =	vbroadcast @!p1 v0, $0x0  }
0x796: {  	vm0 =	vmmov @!p1 $0x1;
	p3 =	por !p2, p1  }
0x797: {  	p2 =	sne.s32 @!p1 s6, s5;
	v1 =	vnsel @!p1 vm0, $0xFFFFFFFF, v1;
	vm0 =	vcmask @!p1 $0x308;
	v0 =	vpsel !p3, $0xFFFFFFFF, v0  }
0x798: {  	p3 =	por !p2, p1;
	v0 =	vsel @!p1 vm0, v1, v0  }
0x799: {  	s2 =	simm.s32 @!p1 $0xBF78;
	s3 =	simm.s32 @!p1 $0x0;
	s5 =	smul.u32 @!p3 $0x140, s0;
	[tilespmem:$0xC978] =	vst @!p1 v0  }
0x79a: {  	[spmem:s3] =	stream.linear.scatter @!p1 [tilespmem:s2], [sflag:$0x1], $0x50, $0x38;
	[tilespmem:$0x1FF78] =	vst v63  }
0x79b: {  	s2 =	sshra.s32 @!p3 s5, $0x2  }
0x79c: {  	s3 =	simm.s32 @!p3 $0x50;
	s2 =	sadd.s32 @!p3 $0xBF78, s2  }
0x79d: {  	[spmem:s3] =	stream.linear.scatter @!p3 [tilespmem:s2], [sflag:$0x1], $0x50, $0x38;
	[tilespmem:$0x1FF78] =	vst v63  }
0x79e: {  	s2 =	simm.s32 @!p3 $0x1  }
0x79f: {  	_ =	swait.ge @!p3 [sflag:s2], $0xA0  }
0x7a0: {  	p1 =	por p2, p1;
	[sflag:s2] =	ssyncset.done @!p3 $0x0  }
0x7a1: {  	[sflag:s2] =	ssyncadd.s32 @!p3 $0xFFFFFF60;
	s2 =	simm.s32 @!p1 $0x1  }
0x7a2: {  	_ =	swait.ge @!p1 [sflag:s2], $0x50  }
0x7a3: {  	s29 =	simm.s32 $0xC978;
	[sflag:s2] =	ssyncset.done @!p1 $0x0  }
0x7a4: {  	s30 =	simm.s32 $0xA00;
	s31 =	simm.s32 $0x1;
	[sflag:s2] =	ssyncadd.s32 @!p1 $0xFFFFFFB0  }
0x7a5: {  	[spmem:s30] =	stream.linear.scatter [tilespmem:s29], [sflag:$0x1], $0x10, $0x38;
	[tilespmem:$0x1FF78] =	vst v63  }
0x7a6: {  	_ =	swait.ge [sflag:s31], $0x10  }
0x7a7: {  	[sflag:s31] =	ssyncset.done $0x0  }
0x7a8: {  	p1 =	seq.s32 s15, $0x0;
	s9 =	rddreg [dreg:$0x4];
	[sflag:s31] =	ssyncadd.s32 $0xFFFFFFF0  }
0x7a9: {  	s3 =	sshll.u32 @p1 s9, $0xE;
	s8 =	rddreg [dreg:$0x5]  }
0x7aa: {  	s2 =	sadd.s32 @p1 $0x15C3C, s3;
	s3 =	sshll.u32 @p1 s8, $0x11  }
0x7ab: {  	_ =	sfence.stream.spmem;
	s2 =	sor.u32 @p1 s3, s2  }
0x7ac: {  	[sflag:s2] =	ssyncadd.remote.s32 @p1 $0x1;
	s2 =	simm.s32 @p1 $0x4  }
0x7ad: {  	s5 =	simm.s32 @!p1 $0x3C;
	s3 =	sand.u32 $0xFFFFFFFE, s9;
	_ =	swait.ge @p1 [sflag:s2], $0x16  }
0x7ae: {  	s6 =	simm.s32 @!p1 $0x0;
	s3 =	sadd.s32 @!p1 $0x4, s3;
	[sflag:s2] =	ssyncset.done @p1 $0x0  }
0x7af: {  	s7 =	simm.s32 @!p1 $0xA0;
	[sflag:s2] =	ssyncadd.s32 @p1 $0xFFFFFFEA;
	s2 =	sshll.u32 @!p1 s3, $0x1A  }
0x7b0: {  	s3 =	sshll.u32 @!p1 s3, $0xD;
	s2 =	sor.u32 @!p1 s2, s8;
	_ =	swait.eq @!p1 [sflag:s5], $0x1  }
0x7b1: {  	s3 =	sor.u32 @!p1 $0x1C04, s3;
	s5 =	simm.s32 @!p1 $0x1C03;
	s2 =	sor.u32 @!p1 $0x80004000, s2  }
0x7b2: {  	[spmem:s7], [sflag:s3] =	dma.general @!p1 [spmem:s6], [sflag:s5], length:$0x14, [dreg:$0x0], stride_count:$0x0, ici_dest:s2, dma_misc:DstOpCode:WRITE  }
0x7b3: {  	p2 =	slt.s32 s0, $0x2;
	s6 =	simm.s32 @!p1 $0x140;
	s7 =	simm.s32 @!p1 $0x142  }
0x7b4: {  	[spmem:s7], [sflag:s3] =	dma.general @!p1 [spmem:s6], [sflag:s5], length:$0x2, [dreg:$0x0], stride_count:$0x0, ici_dest:s2, dma_misc:DstOpCode:WRITE  }
.Ltmp32:
0x7b5: {  	s2 =	simm.s32 @!p1 $0x3;
	(pc) =	sbr.rel @p2 .LBB2_42-.Ltmp32, $4  }
0x7b6: {  	s3 =	sshll.u32 @!p1 s9, $0xE;
	_ =	swait.ge @!p1 [sflag:s2], $0x16  }
0x7b7: {  	s5 =	sshll.u32 @!p1 s8, $0x11;
	s3 =	sadd.s32 @!p1 $0x11C3C, s3;
	[sflag:s2] =	ssyncset.done @!p1 $0x0  }
0x7b8: {  	[sflag:s2] =	ssyncadd.s32 @!p1 $0xFFFFFFEA;
	s2 =	sor.u32 @!p1 s5, s3  }
0x7b9: {  	s0 =	simm.s32 $0x0;
	[sflag:s2] =	ssyncadd.remote.s32 @!p1 $0xFFFFFFFF  }
0x7ba: {  	s0 =	simm.s32 $0xBF59  }
0x7bb: {  	v0 =	vld.msk [tilespmem:s0+$0x0], $0x1;
	_ =	sdelay $0x4  }
0x7bc: {  	(v2sf) =	vpush v0, $0x0;
	_ =	sdelay $0xc  }
0x7bd: {  	s2 =	sadd.s32 $0xFFFFFFFE, s4  }
0x7be: {  	s2 =	sadd.s32 $0xFFFFFFFF, s2  }
0x7bf: {  	p2 =	sne.s32 s2, $0x0;
	s3 =	spop (v2sf)  }
.Ltmp33:
0x7c0: {  	p1 =	sgt.u32 s3, $0x1FF7;
	(pc) =	sbr.rel @!p2 .LBB2_41-.Ltmp33, $4  }
0x7c1: {  	s5 =	simm.s32 $0x0;
	s4 =	sand.u32 @!p1 $0x1FF8, s3  }
0x7c2: {  	s0 =	simm.s32 $0xBFC8;
	s3 =	sand.u32 @!p1 $0x7, s3;
	s4 =	sadd.s32 @!p1 s1, s4  }
0x7c3: {  	[hbm4b:s4+s3] =	stream.linear.scatter @!p1 [tilespmem:s0], [sflag:$0x5], $0x42, $0x38;
	[tilespmem:$0x1FF78] =	vst v63  }
0x7c4: {  	s5 =	simm.s32 @!p1 $0x108;
	s3 =	simm.s32 $0x0;
	s4 =	simm.s32 $0xBF5A  }
.LBB2_40:
0x7c5: {  	v0 =	vld.msk [tilespmem:s4+$0x0], $0x1;
	s2 =	sadd.s32 $0xFFFFFFFF, s2;
	s3 =	sadd.s32 s3, s5  }
0x7c6: {  	p1 =	sne.s32 s2, $0x0;
	_ =	sdelay $0x3  }
0x7c7: {  	(v2sf) =	vpush v0, $0x0;
	_ =	sdelay $0xe  }
.Ltmp34:
0x7c8: {  	s6 =	spop (v2sf);
	(pc) =	sbr.rel @p1 .LBB2_40-.Ltmp34, $4  }
0x7c9: {  	s5 =	simm.s32 $0x0;
	p2 =	sgt.u32 s6, $0x1FF7  }
0x7ca: {  	s0 =	sadd.s32 $0x50, s0;
	s5 =	simm.s32 @!p2 $0x108;
	s7 =	sand.u32 @!p2 $0x1FF8, s6  }
0x7cb: {  	s4 =	sadd.s32 $0x1, s4;
	s6 =	sand.u32 @!p2 $0x7, s6;
	s7 =	sadd.s32 @!p2 s1, s7  }
0x7cc: {  	[hbm4b:s7+s6] =	stream.linear.scatter @!p2 [tilespmem:s0], [sflag:$0x5], $0x42, $0x38;
	[tilespmem:$0x1FF78] =	vst v63  }
.LBB2_41:
0x7cd: {  	s0 =	sadd.s32 s3, s5  }
0x7ce: {  	s0 =	sshrl.u32 s0, $0x2  }
.LBB2_42:
0x7cf: {  	s2 =	simm.s32 $0x5  }
0x7d0: {  	_ =	swait.ge [sflag:s2], s0  }
0x7d1: {  	s31 =	ssub.s32 $0x0, s0;
	[sflag:s2] =	ssyncset.done $0x0  }
0x7d2: {  	[sflag:s2] =	ssyncadd.s32 s31  }
0x7d3: {  	[sflag:s2] =	ssyncpa.u1 $0x1  }
.LBB2_43:
0x7d4: {  	s0 =	sor.u32 s15, s14  }
0x7d5: {  	p1 =	sne.s32 s0, $0x0  }
.Ltmp35:
0x7d6: {  	_ = 	snop;
	(pc) =	sbr.rel @p1 .LBB2_58-.Ltmp35, $3  }
0x7d7: {  	_ =	sdelay $0x1  }
0x7d8: {  	[bflag:$0x0] =	sbarrier.arrive $0xFFFF  }
0x7d9: {  	_ =	sfence  }
0x7da: {  	s0 =	simm.s32 $0x7  }
0x7db: {  	s2 =	simm.s32 $0xA00;
	s3 =	simm.s32 $0xBF58;
	[sflag:s0] =	ssyncpa.u1 $0x0  }
0x7dc: {  	[tilespmem:s3], [sflag:$0x7] =	stream.linear.gather [spmem:s2], $0x20, $0x38;
	[tilespmem:$0x1FF78] =	vst v63  }
0x7dd: {  	s30 =	simm.s32 $0xBF78;
	s2 =	simm.s32 $0x0  }
0x7de: {  	[tilespmem:s30], [sflag:$0x7] =	stream.linear.gather [spmem:s2], $0xA00, $0x38;
	[tilespmem:$0x1FF78] =	vst v63  }
.Ltmp36:
0x7df: {  	_ = 	snop;
	(pc) =	sbr.rel .LBB2_45-.Ltmp36, $4  }
0x7e0: {  	_ =	swait.ge [sflag:s0], $0xA20  }
0x7e1: {  	[sflag:s0] =	ssyncset.done $0x0  }
0x7e2: {  	s31 =	simm.s32 $0x8;
	[sflag:s0] =	ssyncadd.s32 $0xFFFFF5E0  }
0x7e3: {  	s3 =	simm.s32 $0x0;
	[sflag:s31] =	ssyncpa.u1 $0x0  }
.LBB2_51:
0x7e4: {  	p1 =	slt.u32 s0, $0x1FF8  }
0x7e5: {  	s4 =	sand.u32 @p1 $0x1FF8, s0  }
0x7e6: {  	s0 =	sand.u32 @p1 $0x7, s0;
	s5 =	simm.s32 @p1 $0xBEF8;
	s4 =	sadd.s32 @p1 s1, s4  }
0x7e7: {  	[tilespmem:s5], [sflag:$0x8] =	stream.linear.gather @p1 [hbm4b:s4+s0], $0x42, $0x38;
	[tilespmem:$0x1FF78] =	vst v63  }
0x7e8: {  	s0 =	simm.s32 @p1 $0x8  }
0x7e9: {  	_ =	swait.ge @p1 [sflag:s0], $0x42  }
0x7ea: {  	[sflag:s0] =	ssyncset.done @p1 $0x0  }
0x7eb: {  	[sflag:s0] =	ssyncadd.s32 @p1 $0xFFFFFFBE  }
0x7ec: {  	v1 =	vld @p1 [tilespmem:$0xBEF8];
	_ =	sdelay $0x1  }
0x7ed: {  	s0 =	smul.u32 @p1 $0x140, s3;
	_ =	sdelay $0x1  }
0x7ee: {  	s4 =	sshra.s32 @p1 s0, $0x2  }
0x7ef: {  	[tilespmem:s4+$0xBF78] =	vst.add.f32.msk @p1 $0xffff, v1  }
0x7f0: {  	v1 =	vld @p1 [tilespmem:$0xBF08];
	_ =	sdelay $0x4  }
0x7f1: {  	[tilespmem:s4+$0xBF88] =	vst.add.f32.msk @p1 $0xffff, v1  }
0x7f2: {  	v1 =	vld @p1 [tilespmem:$0xBF18];
	_ =	sdelay $0x4  }
0x7f3: {  	[tilespmem:s4+$0xBF98] =	vst.add.f32.msk @p1 $0xffff, v1  }
0x7f4: {  	v1 =	vld @p1 [tilespmem:$0xBF28];
	_ =	sdelay $0x4  }
0x7f5: {  	[tilespmem:s4+$0xBFA8] =	vst.add.f32.msk @p1 $0xffff, v1  }
0x7f6: {  	v1 =	vld @p1 [tilespmem:$0xBF38];
	_ =	sdelay $0x2  }
0x7f7: {  	s5 =	smul.u32 @!p1 $0x140, s3;
	_ =	sdelay $0x1  }
0x7f8: {  	s5 =	smov.u32 @p1 s0;
	[tilespmem:s4+$0xBFB8] =	vst.add.f32.msk @p1 $0xffff, v1  }
0x7f9: {  	s0 =	sshra.s32 s5, $0x2;
	[tilespmem:s2+$0xBF58] =	vst.msk $0x1, v0  }
0x7fa: {  	v0 =	vld [tilespmem:s0+$0xBF78];
	_ =	sdelay $0x1  }
0x7fb: {  	s31 =	smul.u32 $0x140, s2;
	_ =	sdelay $0x1  }
0x7fc: {  	s4 =	sshra.s32 s31, $0x2  }
0x7fd: {  	[tilespmem:s4+$0xBF78] =	vst v0  }
0x7fe: {  	v0 =	vld [tilespmem:s0+$0xBF88];
	_ =	sdelay $0x4  }
0x7ff: {  	[tilespmem:s4+$0xBF88] =	vst v0  }
0x800: {  	v0 =	vld [tilespmem:s0+$0xBF98];
	_ =	sdelay $0x4  }
0x801: {  	[tilespmem:s4+$0xBF98] =	vst v0  }
0x802: {  	v0 =	vld [tilespmem:s0+$0xBFA8];
	_ =	sdelay $0x4  }
0x803: {  	[tilespmem:s4+$0xBFA8] =	vst v0  }
0x804: {  	v0 =	vld [tilespmem:s0+$0xBFB8];
	_ =	sdelay $0x4  }
0x805: {  	s2 =	sadd.s32 $0x1, s2;
	[tilespmem:s4+$0xBFB8] =	vst v0  }
.LBB2_52:
0x806: {  	s3 =	sadd.s32 $0x1, s3  }
0x807: {  	p1 =	sne.s32 s3, $0x20  }
.Ltmp37:
0x808: {  	_ = 	snop;
	(pc) =	sbr.rel @!p1 .LBB2_53-.Ltmp37, $1  }
0x809: {  	_ =	sdelay $0x3  }
.LBB2_45:
0x80a: {  	v0 =	vld.msk [tilespmem:s3+$0xBF58], $0x1;
	_ =	sdelay $0x4  }
0x80b: {  	(v2sf) =	vpush v0, $0x0;
	_ =	sdelay $0xe  }
0x80c: {  	s0 =	spop (v2sf)  }
0x80d: {  	p1 =	seq.s32 s0, $0xFFFFFFFF  }
.Ltmp38:
0x80e: {  	_ = 	snop;
	(pc) =	sbr.rel @p1 .LBB2_52-.Ltmp38, $1  }
0x80f: {  	_ =	sdelay $0x3  }
0x810: {  	p1 =	slt.s32 s2, $0x1  }
.Ltmp39:
0x811: {  	_ = 	snop;
	(pc) =	sbr.rel @p1 .LBB2_51-.Ltmp39, $1  }
0x812: {  	_ =	sdelay $0x3  }
0x813: {  	s4 =	simm.s32 $0xBF58;
	p1 =	por $0x0, $0x0  }
0x814: {  	v1 =	vld.msk @!p1 [tilespmem:s4+$0x0], $0x1;
	_ =	sdelay $0x4  }
0x815: {  	(v2sf) =	vpush @!p1 v1, $0x0;
	_ =	sdelay $0xd  }
0x816: {  	p3 =	sne.s32 s2, $0x1  }
.Ltmp40:
0x817: {  	s5 =	spop @!p1 (v2sf);
	(pc) =	sbr.rel @!p3 .LBB2_49-.Ltmp40, $4  }
0x818: {  	p2 =	seq.s32 @!p1 s0, s5  }
0x819: {  	s5 =	simm.s32 $0x0;
	p2 =	por !p2, p1  }
0x81a: {  	s7 =	simm.s32 $0xFFFFFFFF;
	s5 =	simm.s32 @p2 $0xFFFFFFFF  }
0x81b: {  	s6 =	simm.s32 $0x1;
	s5 =	smov.u32 @p1 s7  }
.LBB2_48:
0x81c: {  	s7 =	smov.u32 s5;
	p1 =	sne.s32 s5, $0xFFFFFFFF  }
0x81d: {  	s4 =	sadd.s32 $0x1, s4;
	s5 =	smov.u32 s6;
	s6 =	sadd.s32 $0x1, s6  }
0x81e: {  	p2 =	sne.s32 s2, s6;
	v1 =	vld.msk @!p1 [tilespmem:s4+$0x0], $0x1;
	_ =	sdelay $0x4  }
0x81f: {  	(v2sf) =	vpush @!p1 v1, $0x0;
	_ =	sdelay $0xe  }
.Ltmp41:
0x820: {  	s8 =	spop @!p1 (v2sf);
	(pc) =	sbr.rel @p2 .LBB2_48-.Ltmp41, $4  }
0x821: {  	p3 =	seq.s32 @!p1 s0, s8  }
0x822: {  	p3 =	por !p3, p1  }
0x823: {  	s5 =	simm.s32 @p3 $0xFFFFFFFF  }
0x824: {  	s5 =	smov.u32 @p1 s7  }
.LBB2_49:
0x825: {  	p1 =	seq.s32 s5, $0xFFFFFFFF  }
.Ltmp42:
0x826: {  	_ = 	snop;
	(pc) =	sbr.rel @p1 .LBB2_51-.Ltmp42, $1  }
0x827: {  	_ =	sdelay $0x3  }
0x828: {  	s0 =	smul.u32 $0x140, s3;
	_ =	sdelay $0x1  }
0x829: {  	s0 =	sshra.s32 s0, $0x2  }
0x82a: {  	v0 =	vld [tilespmem:s0+$0xBF78];
	_ =	sdelay $0x1  }
0x82b: {  	s4 =	smul.u32 $0x140, s5;
	_ =	sdelay $0x1  }
0x82c: {  	s4 =	sshra.s32 s4, $0x2  }
0x82d: {  	[tilespmem:s4+$0xBF78] =	vst.add.f32.msk $0xffff, v0  }
0x82e: {  	v0 =	vld [tilespmem:s0+$0xBF88];
	_ =	sdelay $0x4  }
0x82f: {  	[tilespmem:s4+$0xBF88] =	vst.add.f32.msk $0xffff, v0  }
0x830: {  	v0 =	vld [tilespmem:s0+$0xBF98];
	_ =	sdelay $0x4  }
0x831: {  	[tilespmem:s4+$0xBF98] =	vst.add.f32.msk $0xffff, v0  }
0x832: {  	v0 =	vld [tilespmem:s0+$0xBFA8];
	_ =	sdelay $0x4  }
0x833: {  	[tilespmem:s4+$0xBFA8] =	vst.add.f32.msk $0xffff, v0  }
0x834: {  	v0 =	vld [tilespmem:s0+$0xBFB8]  }
.Ltmp43:
0x835: {  	_ = 	snop;
	(pc) =	sbr.rel .LBB2_52-.Ltmp43, $2  }
0x836: {  	_ =	sdelay $0x2  }
0x837: {  	[tilespmem:s4+$0xBFB8] =	vst.add.f32.msk $0xffff, v0  }
.LBB2_53:
0x838: {  	p1 =	slt.s32 s2, $0x1  }
.Ltmp44:
0x839: {  	_ = 	snop;
	(pc) =	sbr.rel @p1 .LBB2_57-.Ltmp44, $3  }
0x83a: {  	_ =	sdelay $0x1  }
0x83b: {  	s0 =	simm.s32 $0x8  }
0x83c: {  	[sflag:s0] =	ssyncpa.u1 $0x1;
	s0 =	simm.s32 $0x0  }
0x83d: {  	s3 =	simm.s32 $0xBF58  }
0x83e: {  	v0 =	vld.msk [tilespmem:s3+$0x0], $0x1;
	_ =	sdelay $0x4  }
0x83f: {  	(v2sf) =	vpush v0, $0x0;
	_ =	sdelay $0xe  }
0x840: {  	s2 =	sadd.s32 $0xFFFFFFFF, s2;
	s4 =	spop (v2sf)  }
0x841: {  	p2 =	sne.s32 s2, $0x0;
	p1 =	sgt.u32 s4, $0x1FF7  }
.Ltmp45:
0x842: {  	s5 =	sand.u32 @!p1 $0x1FF8, s4;
	(pc) =	sbr.rel @!p2 .LBB2_56-.Ltmp45, $4  }
0x843: {  	s3 =	simm.s32 $0xBF78;
	s4 =	sand.u32 @!p1 $0x7, s4;
	s5 =	sadd.s32 @!p1 s1, s5  }
0x844: {  	[hbm4b:s5+s4] =	stream.linear.scatter @!p1 [tilespmem:s3], [sflag:$0x7], $0x42, $0x38;
	[tilespmem:$0x1FF78] =	vst v63  }
0x845: {  	s5 =	simm.s32 $0x0  }
0x846: {  	s4 =	simm.s32 $0xBF59;
	s5 =	simm.s32 @!p1 $0x108  }
.LBB2_55:
0x847: {  	v0 =	vld.msk [tilespmem:s4+$0x0], $0x1;
	s2 =	sadd.s32 $0xFFFFFFFF, s2;
	s0 =	sadd.s32 s0, s5  }
0x848: {  	p1 =	sne.s32 s2, $0x0;
	_ =	sdelay $0x3  }
0x849: {  	(v2sf) =	vpush v0, $0x0;
	_ =	sdelay $0xe  }
.Ltmp46:
0x84a: {  	s6 =	spop (v2sf);
	(pc) =	sbr.rel @p1 .LBB2_55-.Ltmp46, $4  }
0x84b: {  	s5 =	simm.s32 $0x0;
	p2 =	sgt.u32 s6, $0x1FF7  }
0x84c: {  	s3 =	sadd.s32 $0x50, s3;
	s5 =	simm.s32 @!p2 $0x108;
	s7 =	sand.u32 @!p2 $0x1FF8, s6  }
0x84d: {  	s4 =	sadd.s32 $0x1, s4;
	s6 =	sand.u32 @!p2 $0x7, s6;
	s7 =	sadd.s32 @!p2 s1, s7  }
0x84e: {  	[hbm4b:s7+s6] =	stream.linear.scatter @!p2 [tilespmem:s3], [sflag:$0x7], $0x42, $0x38;
	[tilespmem:$0x1FF78] =	vst v63  }
.LBB2_56:
0x84f: {  	s0 =	sadd.s32 s0, s5  }
0x850: {  	s0 =	sshrl.u32 s0, $0x2  }
.LBB2_57:
0x851: {  	s1 =	simm.s32 $0x7  }
0x852: {  	_ =	swait.ge [sflag:s1], s0  }
0x853: {  	s31 =	ssub.s32 $0x0, s0;
	[sflag:s1] =	ssyncset.done $0x0  }
0x854: {  	[sflag:s1] =	ssyncadd.s32 s31  }
0x855: {  	[sflag:s1] =	ssyncpa.u1 $0x1  }
.LBB2_58:
0x856: {  	_ =	sfence;
	s0 =	simm.s32 $0x1  }
0x857: {  	[sflag:s0] =	ssyncpa.u1 $0x1  }
0x858: {  	_ =	strace $0x90000047  }
0x859: {  	[bflag:$0x2] =	sbarrier.arrive $0xFFFF  }
0x85a: {  	s0 =	rddreg [dreg:$0x6]  }
0x85b: {  	s0 =	sadd.s32 @!p0 $0x100000, s0  }
0x85c: {  	[sflag:s0] =	ssyncadd.tile.s32 @!p0 $0x1;
	_ =	shalt  }
.Lfunc_end2:
_tile_overlayer_lowered:
.L_overlay_start_2:
0x85d: {  	(tag) =	ssettag $0x2  }
0x85e: {  	s0 =	rddreg [dreg:$0x0];
	s2 =	stileid.u32  }
0x85f: {  	s1 =	rddreg [dreg:$0x1];
	p0 =	sne.s32 s2, $0x0  }
0x860: {  	s3 =	rddreg [dreg:$0x2];
	[bflag:$0x3] =	sbarrier.arrive $0xFFFF;
	s2 =	simm.s32 @!p0 $0x1C01  }
0x861: {  	[timem:s3], [sflag:s2] =	dma.local @!p0 [hbm:s0], s1  }
0x862: {  	s0 =	simm.s32 @!p0 $0x1  }
0x863: {  	_ =	swait.ge @!p0 [sflag:s0], s1  }
0x864: {  	s1 =	ssub.s32 @!p0 $0x0, s1;
	[sflag:s0] =	ssyncset.done @!p0 $0x0  }
0x865: {  	[sflag:s0] =	ssyncadd.s32 @!p0 s1  }
0x866: {  	[bflag:$0x3] =	sbarrier.arrive $0xFFFF  }
0x867: {  	_ =	shalt  }

// kernel: scatter_offload_async_start
scs
__scs_entry_jumppad:
0x0: {  	(pc) =	sbr.rel $0x88, $3  }
0x1: {  	(tag) =	ssettag $0x0;
	lr =	simm.s32 $0x1  }
0x2: {  	[smem:$0x3F9B] =	sst lr;
	_ =	strace $0xD0000000  }
0x3: {  	_ = 	snop  }
0x4: {  	_ = 	snop  }
0x5: {  	_ = 	snop  }
0x6: {  	_ = 	snop  }
0x7: {  	_ = 	snop  }
__scs_overlays_trampoline_lowered:
0x8: {  	[smem:$0x3FAA] =	sst s0  }
0x9: {  	[smem:$0x3FAB] =	sst s1  }
0xa: {  	[smem:$0x3FAC] =	sst s2  }
0xb: {  	[smem:$0x3FAD] =	sst s3  }
0xc: {  	[smem:$0x3FAE] =	sst s4  }
0xd: {  	[smem:$0x3FAF] =	sst s5  }
0xe: {  	[smem:$0x3FB0] =	sst s6  }
0xf: {  	[smem:$0x3FB1] =	sst s7  }
0x10: {  	[smem:$0x3FB2] =	sst s8  }
0x11: {  	[smem:$0x3FB3] =	sst s9;
	s0 =	simm.s32 @!p0 $0x0  }
0x12: {  	s1 =	sld [smem:$0x3F99];
	s0 =	simm.s32 @p0 $0x1  }
0x13: {  	[smem:$0x3FB4] =	sst s0;
	s0 =	simm.s32 @!p1 $0x0  }
0x14: {  	s2 =	sld [smem:$0x3F98];
	s0 =	simm.s32 @p1 $0x1  }
0x15: {  	[smem:$0x3FB5] =	sst s0;
	s0 =	simm.s32 @!p2 $0x0  }
0x16: {  	s3 =	sld [smem:$0x3FDB];
	s0 =	simm.s32 @p2 $0x1  }
0x17: {  	s4 =	simm.s32 $0x1BF5;
	[smem:$0x3FB7] =	sst s0  }
0x18: {  	s0 =	sld [smem:$0x3F9A];
	_ =	swait.ge [sflag:s4], $0x0  }
0x19: {  	s7 =	sld [smem:$0x3F9B]  }
0x1a: {  	s8 =	sadd.s32 $0xFFFFE003, lr  }
0x1b: {  	s9 =	sadd.s32 $0xFFFFFEF7, lr;
	s5 =	simm.s32 $0xFFFFFFFF;
	p2 =	slt.u32 s8, $0xFFFFF086  }
0x1c: {  	p1 =	slt.u32 s9, $0xF7A;
	s5 =	simm.s32 @!p2 $0x0  }
0x1d: {  	s5 =	simm.s32 @p1 $0x1;
	p0 =	seq.s32 s7, s2  }
0x1e: {  	s7 =	smul.u32 @!p0 $0xF7A, s2;
	p2 =	seq.s32 @!p0 s5, $0x0  }
0x1f: {  	s9 =	smul.u32 $0xF7A, s1;
	s8 =	simm.s32 @!p0 $0x1BF5;
	p2 =	por !p2, p0  }
0x20: {  	[sflag:s8] =	ssyncset.s32 @!p0 $0xFFFFF086;
	s6 =	sadd.s32 @!p0 s3, s7;
	s7 =	simm.s32 @!p0 $0x108  }
0x21: {  	s3 =	sadd.s32 s3, s9;
	s6 =	sadd.s32 @!p0 $0x88, s6;
	s7 =	simm.s32 @p2 $0x1082  }
0x22: {  	[simem:s7], [sflag:s8] =	dma.local @!p0 [hbm:s6], $0xF7A  }
0x23: {  	s9 =	sor.u32 $0xD0000000, s2;
	s6 =	simm.s32 $0x108;
	_ =	swait.ge @!p0 [sflag:s8], $0x0  }
0x24: {  	s3 =	sadd.s32 $0x88, s3;
	s6 =	simm.s32 @!p1 $0x1082;
	[sflag:s4] =	ssyncset.s32 $0xFFFFF086  }
0x25: {  	[simem:s6], [sflag:s4] =	dma.local [hbm:s3], $0xF7A  }
0x26: {  	[smem:$0x3F9B] =	sst s1;
	(tag) =	ssettag s2;
	_ =	strace s9  }
0x27: {  	s1 =	sld [smem:$0x3FAB]  }
0x28: {  	s2 =	sld [smem:$0x3FAC]  }
0x29: {  	s4 =	sld [smem:$0x3FAE]  }
0x2a: {  	p0 =	seq.s32 s5, $0x0;
	s5 =	sld [smem:$0x3FAF]  }
0x2b: {  	s6 =	sld [smem:$0x3FB0]  }
0x2c: {  	s7 =	sld [smem:$0x3FB1]  }
0x2d: {  	s3 =	simm.s32 $0x108;
	s8 =	sld [smem:$0x3FB2]  }
0x2e: {  	s3 =	simm.s32 @!p0 $0x1082;
	s9 =	sld [smem:$0x3FB3]  }
0x2f: {  	lr =	sadd.s32 s0, s3;
	s0 =	sld [smem:$0x3FAA]  }
0x30: {  	s3 =	sld [smem:$0x3FAD]  }
0x31: {  	[smem:$0x3FB6] =	sst s10  }
0x32: {  	s10 =	sld [smem:$0x3FB4];
	_ =	sdelay $0x3  }
0x33: {  	p0 =	seq.s32 s10, $0x1;
	s10 =	sld [smem:$0x3FB6];
	_ =	sdelay $0x3  }
0x34: {  	[smem:$0x3FB6] =	sst s10  }
0x35: {  	s10 =	sld [smem:$0x3FB5];
	_ =	sdelay $0x3  }
0x36: {  	p1 =	seq.s32 s10, $0x1;
	s10 =	sld [smem:$0x3FB6];
	_ =	sdelay $0x3  }
0x37: {  	[smem:$0x3FB6] =	sst s10  }
0x38: {  	s10 =	sld [smem:$0x3FB7]  }
0x39: {  	_ = 	snop;
	(pc) =	sbr.ind lr, $3  }
0x3a: {  	_ = 	snop  }
0x3b: {  	_ = 	snop  }
0x3c: {  	p2 =	seq.s32 s10, $0x1;
	s10 =	sld [smem:$0x3FB6]  }
0x3d: {  	_ =	shalt  }
0x3e: {  	_ =	shalt  }
0x3f: {  	_ =	shalt  }
0x40: {  	_ =	shalt  }
0x41: {  	_ =	shalt  }
0x42: {  	_ =	shalt  }
0x43: {  	_ =	shalt  }
0x44: {  	_ =	shalt  }
0x45: {  	_ =	shalt  }
0x46: {  	_ =	shalt  }
0x47: {  	_ =	shalt  }
0x48: {  	_ =	shalt  }
0x49: {  	_ =	shalt  }
0x4a: {  	_ =	shalt  }
0x4b: {  	_ =	shalt  }
0x4c: {  	_ =	shalt  }
0x4d: {  	_ =	shalt  }
0x4e: {  	_ =	shalt  }
0x4f: {  	_ =	shalt  }
0x50: {  	_ =	shalt  }
0x51: {  	_ =	shalt  }
0x52: {  	_ =	shalt  }
0x53: {  	_ =	shalt  }
0x54: {  	_ =	shalt  }
0x55: {  	_ =	shalt  }
0x56: {  	_ =	shalt  }
0x57: {  	_ =	shalt  }
0x58: {  	_ =	shalt  }
0x59: {  	_ =	shalt  }
0x5a: {  	_ =	shalt  }
0x5b: {  	_ =	shalt  }
0x5c: {  	_ =	shalt  }
0x5d: {  	_ =	shalt  }
0x5e: {  	_ =	shalt  }
0x5f: {  	_ =	shalt  }
0x60: {  	_ =	shalt  }
0x61: {  	_ =	shalt  }
0x62: {  	_ =	shalt  }
0x63: {  	_ =	shalt  }
0x64: {  	_ =	shalt  }
0x65: {  	_ =	shalt  }
0x66: {  	_ =	shalt  }
0x67: {  	_ =	shalt  }
0x68: {  	_ =	shalt  }
0x69: {  	_ =	shalt  }
0x6a: {  	_ =	shalt  }
0x6b: {  	_ =	shalt  }
0x6c: {  	_ =	shalt  }
0x6d: {  	_ =	shalt  }
0x6e: {  	_ =	shalt  }
0x6f: {  	_ =	shalt  }
0x70: {  	_ =	shalt  }
0x71: {  	_ =	shalt  }
0x72: {  	_ =	shalt  }
0x73: {  	_ =	shalt  }
0x74: {  	_ =	shalt  }
0x75: {  	_ =	shalt  }
0x76: {  	_ =	shalt  }
0x77: {  	_ =	shalt  }
0x78: {  	_ =	shalt  }
0x79: {  	_ =	shalt  }
0x7a: {  	_ =	shalt  }
0x7b: {  	_ =	shalt  }
0x7c: {  	_ =	shalt  }
0x7d: {  	_ =	shalt  }
0x7e: {  	_ =	shalt  }
0x7f: {  	_ =	shalt  }
0x80: {  	_ =	shalt  }
0x81: {  	_ =	shalt  }
0x82: {  	_ =	shalt  }
0x83: {  	_ =	shalt  }
0x84: {  	_ =	shalt  }
0x85: {  	_ =	shalt  }
0x86: {  	_ =	shalt  }
0x87: {  	_ =	shalt  }
.Lfunc_end0:
.L_simem_size_0:
called_computation_lowered:
.L_overlay_start_0:
0x88: {  	s0 =	sld [smem:$0x3FD9]  }
0x89: {  	s1 =	sld [smem:$0x3FFE];
	_ =	sdelay $0x3  }
0x8a: {  	s0 =	sadd.s32 s1, s0  }
0x8b: {  	[smem:$0x3FC2] =	sst s0  }
0x8c: {  	_ = 	snop  }
0x8d: {  	s0 =	sld [smem:$0x3FD0];
	_ =	sdelay $0x2  }
0x8e: {  	s13 =	simm.s32 $0xB;
	s2 =	simm.s32 $0x10  }
0x8f: {  	[smem:s2], [sflag:s13] =	dma.local [hbm:s0], $0x1  }
0x90: {  	_ =	swait.eq [sflag:s13], $0x1  }
0x91: {  	[sflag:s13] =	ssyncset.done $0x0  }
0x92: {  	s14 =	sld [smem:$0x16];
	[sflag:s13] =	ssyncadd.s32 $0xFFFFFFFF  }
0x93: {  	s15 =	sld [smem:$0x17];
	(tm) =	ssettm $0x1  }
0x94: {  	s16 =	sld [smem:$0x3FFB];
	_ =	sdelay $0x3  }
0x95: {  	_ =	strace s16  }
0x96: {  	s2 =	sld [smem:$0x3FFC];
	_ =	sdelay $0x3  }
0x97: {  	_ =	strace s2  }
0x98: {  	s2 =	sld [smem:$0x3FFD];
	_ =	sdelay $0x3  }
0x99: {  	_ =	strace s2  }
0x9a: {  	_ =	strace $0x8FFFFFFF  }
0x9b: {  	s17 =	sld [smem:$0x3FDB];
	_ =	sdelay $0x1  }
0x9c: {  	s3 =	simm.s32 $_scs_section_size  }
0x9d: {  	s4 =	simm.s32 $_size__tile_overlayer_lowered;
	s5 =	simm.s32 $_tile_overlayer_lowered  }
0x9e: {  	s20 =	simm.s32 $0x1BFF;
	s19 =	sshll.u32 s5, $0x1;
	s2 =	sadd.s32 s3, s17  }
0x9f: {  	s6 =	simm.s32 $0x0;
	s18 =	sshll.u32 s4, $0x1;
	s4 =	sadd.s32 s19, s2  }
0xa0: {  	[timem:s6], [sflag:s20] =	dma.local [hbm:s4], s18  }
0xa1: {  	_ =	swait.ge [sflag:s20], s18  }
0xa2: {  	s3 =	ssub.s32 $0x0, s18;
	[sflag:s20] =	ssyncset.done $0x0  }
0xa3: {  	[sflag:s20] =	ssyncadd.s32 s3;
	_ =	sdelay $0x1  }
0xa4: {  	s21 =	simm.s32 $0x1B8B  }
0xa5: {  	_ =	swait.ge [sflag:s21], $0x1  }
0xa6: {  	[sflag:s21] =	ssyncset.done $0x0  }
0xa7: {  	s23 =	simm.s32 $0x1B8E;
	s22 =	sld [smem:$0x3FFE];
	[sflag:s21] =	ssyncadd.s32 $0xFFFFFFFF  }
0xa8: {  	s24 =	simm.s32 $execute0_lowered;
	[smem:$0x3FD2] =	sst s23  }
0xa9: {  	s4 =	sshll.u32 s24, $0x1;
	_ =	strace $0x80000049;
	[dreg:$0x1] =	wrdreg $0xFFFFFFFF  }
0xaa: {  	s25 =	simm.s32 $_size_execute0_lowered;
	s2 =	sadd.s32 s2, s4;
	[dreg:$0x0] =	wrdreg $0x0  }
0xab: {  	s4 =	sshll.u32 s25, $0x1;
	[dreg:$0x2] =	wrdreg s2  }
0xac: {  	[dreg:$0x3] =	wrdreg s4  }
0xad: {  	[dreg:$0x4] =	wrdreg $0xC0  }
0xae: {  	_ =	task [dreg:s6], $0x5FFFF  }
0xaf: {  	[dreg:$0x1] =	wrdreg $0xFFFFFFFF  }
0xb0: {  	[dreg:$0x0] =	wrdreg $0x60  }
0xb1: {  	[dreg:$0x2] =	wrdreg s14  }
0xb2: {  	[dreg:$0x3] =	wrdreg s15  }
0xb3: {  	[dreg:$0x4] =	wrdreg s22  }
0xb4: {  	[dreg:$0x5] =	wrdreg $0x9  }
0xb5: {  	_ =	task.clear_ibuf [dreg:s6], $0x6FFFF;
	_ =	strace $0x90000049  }
0xb6: {  	s26 =	simm.s32 $0x9;
	_ =	strace $0x8000004B  }
0xb7: {  	_ =	swait.ge [sflag:s26], $0x1  }
0xb8: {  	[sflag:s26] =	ssyncadd.s32 $0xFFFFFFFF  }
0xb9: {  	_ =	strace $0x9000004B  }
0xba: {  	_ =	sfence  }
0xbb: {  	s28 =	sld [smem:$0x0];
	_ =	sdelay $0x1  }
0xbc: {  	s29 =	srdreg.scid  }
0xbd: {  	s30 =	sshll.u32 s29, $0xD;
	s31 =	sshrl.u32 s29, $0x2  }
0xbe: {  	s1 =	sand.u32 $0x1, s29;
	s2 =	sand.u32 $0x4000, s30;
	s0 =	sadd.s32 s31, s28  }
0xbf: {  	s1 =	sor.u32 s2, s1;
	s0 =	sshll.u32 s0, $0x11  }
0xc0: {  	s0 =	sor.u32 s0, s1  }
0xc1: {  	s0 =	sadd.s32 $0x8F2B, s0  }
0xc2: {  	[sflag:s0] =	ssyncadd.remote.s32 $0x1  }
0xc3: {  	_ =	sfence.sel $0xFFFF  }
0xc4: {  	[dreg:$0x0] =	wrdreg $0xFFFFFFFF;
	(pc) =	sbr.abs _section_cstart, $3  }
0xc5: {  	[dreg:$0x1] =	wrdreg $0xFFFFFFFF  }
0xc6: {  	_ =	task.clear_ibuf [dreg:s6], $0x2FFFF;
	_ =	strace $0x9FFFFFFF  }
0xc7: {  	(tm) =	ssettm $0x7FFFFFFF  }
tec
execute0_lowered:
.L_overlay_start_1:
0x0: {  	(tag) =	ssettag $0x1  }
0x1: {  	s1 =	rddreg [dreg:$0x0]  }
0x2: {  	s0 =	rddreg [dreg:$0x2];
	_ =	strace $0x8000004A;
	s4 =	simm.s32 $0x1  }
0x3: {  	v1 =	vimm.s32 $0xFFFFFFFF;
	[sflag:s4] =	ssyncpa.u1 $0x0  }
0x4: {  	[tilespmem:$0x10] =	vst v1  }
0x5: {  	v0 =	vimm.f32 $0.0e+00;
	[tilespmem:$0x20] =	vst v1  }
0x6: {  	[tilespmem:$0x30] =	vst v0  }
0x7: {  	s2 =	simm.s32 $0x2;
	s26 =	stileid.u32;
	[tilespmem:$0x40] =	vst v0  }
0x8: {  	s5 =	simm.s32 $0x7;
	s7 =	simm.s32 $0x8;
	s31 =	simm.s32 $0x9;
	[tilespmem:$0x50] =	vst v0  }
0x9: {  	s14 =	simm.s32 $0x0;
	s15 =	simm.s32 $0x100;
	s17 =	simm.s32 $0xD3F;
	[tilespmem:$0x60] =	vst v1  }
0xa: {  	s18 =	simm.s32 $0x10;
	s19 =	simm.s32 $0x6F40;
	s20 =	simm.s32 $0xF;
	[tilespmem:$0x70] =	vst v1  }
0xb: {  	s21 =	simm.s32 $0x50;
	s22 =	simm.s32 $0x31FF;
	s23 =	simm.s32 $0x20;
	[tilespmem:$0x80] =	vst v1  }
0xc: {  	s24 =	simm.s32 $0x30;
	s25 =	simm.s32 $0x62FF;
	s6 =	smul.u32 $0xC40, s26;
	v1 =	vimm.s32 $0x0;
	[tilespmem:$0xB0] =	vst v0  }
.Ltmp0:
0xd: {  	s30 =	simm.s32 $0x0;
	s29 =	simm.s32 $0x0;
	[tilespmem:$0x90] =	vst v1;
	(pc) =	sbr.rel .LBB2_1-.Ltmp0, $4  }
0xe: {  	s8 =	sadd.s32 $0x2C00, s0;
	s10 =	sshll.u32 s26, $0x1;
	[tilespmem:$0xA0] =	vst v1;
	[sflag:s2] =	ssyncpa.u1 $0x0  }
0xf: {  	s12 =	sshllo.u32 s26, $0x1;
	s26 =	simm.s32 $0x80;
	[sflag:s5] =	ssyncpa.u1 $0x0  }
0x10: {  	vm0 =	vmmov $0xffff;
	v2 =	vlaneseq.u32;
	s11 =	sor.u32 $0x81, s10;
	s13 =	sor.u32 $0x80, s10;
	[sflag:s7] =	ssyncpa.u1 $0x0  }
0x11: {  	vm1 =	vmxor vm1, vm1;
	vm2 =	vmmov $0x1;
	vm3 =	vcmask $0x3F3C;
	s9 =	sadd.s32 $0xC40, s6;
	s28 =	smov.u32 s6;
	[sflag:s31] =	ssyncpa.u1 $0x0  }
.LBB2_3:
0x12: {  	s0 =	sshrl.u32 s28, $0x3;
	s2 =	rddreg [dreg:$0x1]  }
0x13: {  	s31 =	sand.u32 $0x7, s28;
	s0 =	sadd.s32 s2, s0  }
0x14: {  	[tilespmem:s15], [sflag:$0x7] =	stream.linear.gather [hbm4b:s0+s31], $0xC40, $0x38;
	[tilespmem:$0x6F60] =	vst v63  }
.LBB2_4:
0x15: {  	s0 =	sadd.s32 $0xC40, s28  }
0x16: {  	s2 =	smov.u32 s6;
	s29 =	sadd.s32 $0x1, s29;
	p0 =	slt.s32 s0, s9  }
0x17: {  	s2 =	smov.u32 @p0 s0;
	p0 =	sne.s32 s29, $0x4  }
.Ltmp1:
0x18: {  	_ = 	snop;
	(pc) =	sbr.rel @!p0 .LBB2_13-.Ltmp1, $2  }
0x19: {  	_ =	sdelay $0x2  }
0x1a: {  	s30 =	smov.u32 s28;
	s28 =	smov.u32 s2  }
.LBB2_1:
0x1b: {  	p0 =	sgt.s32 s29, $0x1  }
.Ltmp2:
0x1c: {  	_ = 	snop;
	(pc) =	sbr.rel @p0 .LBB2_11-.Ltmp2, $1  }
0x1d: {  	_ =	sdelay $0x3  }
0x1e: {  	p0 =	seq.s32 s29, $0x0  }
.Ltmp3:
0x1f: {  	_ = 	snop;
	(pc) =	sbr.rel @p0 .LBB2_3-.Ltmp3, $1  }
0x20: {  	_ =	sdelay $0x3  }
0x21: {  	_ =	swait.ge [sflag:s5], $0xC40  }
0x22: {  	[sflag:s5] =	ssyncset.done $0x0  }
0x23: {  	[sflag:s5] =	ssyncadd.s32 $0xFFFFF3C0;
	(ifvalue) =	ssetifvalue $0xFFFFFFFF;
	v3 =	vld.msk [tilespmem:s15+$0x0 ss:$0x1], $0xffff;
	_ =	sdelay $0x4  }
0x24: {  	v4 =	vperm.xlane v3, v1  }
0x25: {  	vm4 =	vlt.u32 v3, $0x200  }
0x26: {  	v3 =	vnsel vm4, $0xFFFFFFFE, v3;
	vm4 =	vlt.u32 v4, $0x200  }
0x27: {  	[tilespmem:$0x70] =	vst v3;
	v3 =	vnsel vm4, $0xFFFFFFFE, v4  }
0x28: {  	s16 =	simm.s32 $0xD30;
	[tilespmem:$0x80] =	vst v3  }
0x29: {  	v3 =	vld.msk [tilespmem:s16+$0x0 ss:$0x1], $0xffff;
	_ =	sdelay $0x4  }
0x2a: {  	(xrf1) =	vunique.msk.u32 $0xffff, v3;
	_ =	sdelay $0xd  }
0x2b: {  	v4 =	vimm.s32 $0xFFFFFFFF;
	v5, _, _ =	vpop (xrf1)  }
0x2c: {  	vm5 =	vne.s32 v3, v4;
	vm4 =	veq.s32 v5, v2  }
0x2d: {  	vm6 =	vlt.u32 v3, $0x200;
	vm4 =	vmand vm5, vm4  }
0x2e: {  	vm4 =	vmand vm6, vm4  }
0x2f: {  	v4 =	vnsel vm4, $0xFFFFFFFF, v3;
	_ =	sdelay $0x3  }
0x30: {  	s0 =	simm.s32 $0x31F0;
	(ifvalue) =	ssetifvalue $0xFFFFFFFF  }
0x31: {  	v3 =	vperm.xlane v3, v1;
	[tilespmem:s0], [sflag:$0x8] =	stream.indirect_vreg.gather [hbm4b:s1+s14], $0x1, v4, vm0, $0x4038;
	v4 =	vnsel vm6, $0xFFFFFFFE, v4;
	[tilespmem:$0x6F60] =	vst v63  }
0x32: {  	s2 =	simm.s32 $0x0;
	s3 =	simm.s32 $0xD20;
	[tilespmem:s16+$0x0] =	vst v4  }
.LBB2_6:
0x33: {  	v4 =	vld.msk [tilespmem:s3+$0x0 ss:$0x1], $0xffff;
	s2 =	sadd.s32 $0x10, s2;
	v5 =	vmov v3;
	s16 =	smov.u32 s3  }
0x34: {  	p0 =	slt.u32 s2, $0xC30;
	_ =	sdelay $0x4  }
0x35: {  	v3 =	vperm.xlane v4, v1;
	(xrf1) =	vunique.msk.u32 $0xffff, v4;
	_ =	sdelay $0xd  }
0x36: {  	v6, _, _ =	vpop (xrf1)  }
0x37: {  	vm5 =	vne.s32 v4, v5;
	vm4 =	veq.s32 v6, v2  }
0x38: {  	vm6 =	vlt.u32 v4, $0x200;
	vm4 =	vmand vm5, vm4  }
0x39: {  	vm4 =	vmand vm6, vm4  }
0x3a: {  	v4 =	vnsel vm4, $0xFFFFFFFF, v4  }
.Ltmp4:
0x3b: {  	v5 =	vnsel vm6, $0xFFFFFFFE, v4;
	(pc) =	sbr.rel @p0 .LBB2_6-.Ltmp4, $3  }
0x3c: {  	_ =	sdelay $0x1  }
0x3d: {  	s3 =	sadd.s32 $0xFFFFFFF0, s3;
	s0 =	sadd.s32 $0xFFFFFFF0, s0;
	(ifvalue) =	ssetifvalue $0xFFFFFFFF  }
0x3e: {  	[tilespmem:s0], [sflag:$0x8] =	stream.indirect_vreg.gather [hbm4b:s1+s14], $0x1, v4, vm0, $0x4038;
	[tilespmem:s16+$0x0] =	vst v5  }
.Ltmp5:
0x3f: {  	(pc) =	sbr.rel .LBB2_4-.Ltmp5, $4  }
0x40: {  	_ = 	snop  }
0x41: {  	s0 =	sshrl.u32 s30, $0x3  }
0x42: {  	s2 =	simm.s32 $0x3E40;
	s0 =	sadd.s32 s8, s0  }
0x43: {  	[tilespmem:s2], [sflag:$0x8] =	stream.linear.gather [hbm:s0], $0xC40, $0x38;
	[tilespmem:$0x6F60] =	vst v63  }
.LBB2_11:
0x44: {  	p0 =	seq.s32 s29, $0x2  }
.Ltmp6:
0x45: {  	_ = 	snop;
	(pc) =	sbr.rel @!p0 .LBB2_12-.Ltmp6, $1  }
0x46: {  	_ =	sdelay $0x3  }
0x47: {  	_ =	swait.ge [sflag:s7], $0x1880  }
0x48: {  	[sflag:s7] =	ssyncset.done $0x0  }
0x49: {  	[sflag:s7] =	ssyncadd.s32 $0xFFFFE780  }
0x4a: {  	[spmem:s11] =	stream.linear.scatter [tilespmem:s17], [sflag:$0x1], $0x1, $0x38;
	[tilespmem:$0x6F60] =	vst v63  }
0x4b: {  	_ =	swait.ge [sflag:s4], $0x1  }
0x4c: {  	[sflag:s4] =	ssyncset.done $0x0  }
0x4d: {  	[sflag:s4] =	ssyncadd.s32 $0xFFFFFFFF  }
0x4e: {  	v4 =	vld [tilespmem:$0x10]  }
0x4f: {  	v5 =	vld [tilespmem:$0x70]  }
0x50: {  	v3 =	vld [tilespmem:$0x80];
	_ =	sdelay $0x2  }
0x51: {  	(v2sf) =	vpush v4, $0x0  }
0x52: {  	(v2sf) =	vpush v5, $0x0  }
0x53: {  	(v2sf) =	vpush v3, $0x0;
	_ =	sdelay $0xc  }
0x54: {  	s0 =	spop (v2sf)  }
0x55: {  	s2 =	spop (v2sf)  }
0x56: {  	s30 =	spop (v2sf)  }
0x57: {  	p0 =	seq.s32 s0, s2;
	p1 =	seq.s32 s30, s0  }
0x58: {  	p1 =	por p0, p1  }
0x59: {  	v4 =	vpsel p1, $0xFFFFFFFF, v4  }
0x5a: {  	[tilespmem:s18+$0x0] =	vst.msk $0x1, v4  }
0x5b: {  	v4 =	vld [tilespmem:$0x30]  }
0x5c: {  	v5 =	vld [tilespmem:$0x3E40]  }
0x5d: {  	v6 =	vld [tilespmem:$0x40];
	_ =	sdelay $0x3  }
0x5e: {  	vm4 =	vmmov vm1;
	v5 =	vadd.f32 v5, v4  }
0x5f: {  	vm5 =	vmmov vm2;
	s31 =	simm.s32 $0x3E40;
	vm4 =	vmmov @p0 vm2;
	v4 =	vadd.f32 v6, v4  }
0x60: {  	vm5 =	vmmov @p1 vm1;
	[tilespmem:s31+$0x0] =	vst.msk vm4, v5  }
0x61: {  	[tilespmem:s19+$0x0] =	vst.msk vm5, v4  }
0x62: {  	v4 =	vld [tilespmem:$0x31F0];
	_ =	sdelay $0x3  }
0x63: {  	v5 =	vimm.f32 $0.0e+00  }
0x64: {  	v4 =	vshift.insert v4, v5, s20;
	_ =	sdelay $0x1  }
0x65: {  	[tilespmem:s21+$0x0] =	vst.msk $0x1, v4  }
0x66: {  	[tilespmem:s22+$0x0] =	vst.msk $0x1, v5  }
0x67: {  	v4 =	vld [tilespmem:$0xD30];
	_ =	sdelay $0x4  }
0x68: {  	v4 =	vshift.insert v4, v1, s20;
	_ =	sdelay $0x1  }
0x69: {  	[tilespmem:s23+$0x0] =	vst.msk $0x1, v4  }
0x6a: {  	s16 =	simm.s32 $0x100;
	v6 =	vld [tilespmem:s31+$0x0]  }
0x6b: {  	v7 =	vld [tilespmem:s16+$0x0];
	_ =	sdelay $0x3  }
0x6c: {  	v5 =	vadd.f32 v6, v5  }
0x6d: {  	vm4 =	vne.s32 v7, $0xFFFFFFFF  }
0x6e: {  	(xrf2) =	vadd.seg.scan.f32 vm4, v5;
	_ =	sdelay $0x3  }
0x6f: {  	s0 =	simm.s32 $0x25C0;
	v5 =	vperm.xlane v4, v1  }
0x70: {  	v6 =	vld [tilespmem:s0+$0x0]  }
0x71: {  	vm5 =	veq.s32 v7, v3;
	vm6 =	veq.s32 v7, v5  }
0x72: {  	vm7 =	vgt.u32 v7, $0xFFFFFFFD;
	vm6 =	vmor vm6, vm5  }
0x73: {  	vm6 =	vmor vm6, vm7  }
0x74: {  	v9 =	vld [tilespmem:$0xA0];
	v7 =	vsel vm6, $0xFFFFFFFF, v7  }
0x75: {  	v10 =	vld [tilespmem:$0x90];
	v6 =	vsel vm5, $0x0, v6;
	v8, _, _ =	vpop (xrf2)  }
0x76: {  	v6 =	vadd.f32 v8, v6  }
0x77: {  	s2 =	simm.s32 $0x56C0  }
0x78: {  	vm4 =	vmand vm4, vm3;
	[tilespmem:s2+$0x0] =	vst v6;
	(ifvalue) =	ssetifvalue $0xFFFFFFFF  }
0x79: {  	vm6 =	veq.s32 v9, $0x1;
	[hbm4b:s1+s14] =	stream.indirect_vreg.scatter [tilespmem:s2], [sflag:$0x2], $0x1, v7, vm0, $0x4038;
	v7 =	vsel vm4, $0x0, v8;
	[tilespmem:$0x6F60] =	vst v63  }
0x7a: {  	s3 =	simm.s32 $0x0;
	s16 =	simm.s32 $0x110;
	vm4 =	vmor vm6, vm5;
	v6 =	vsel vm5, v8, v10;
	v7 =	vshift.insert v7, v0, s20  }
.LBB2_9:
0x7b: {  	v8 =	vld [tilespmem:s16+$0x0];
	s31 =	sadd.s32 $0x10, s31  }
0x7c: {  	s0 =	sadd.s32 $0x10, s0;
	v9 =	vld [tilespmem:s31+$0x0]  }
0x7d: {  	s3 =	sadd.s32 $0x10, s3;
	v10 =	vld [tilespmem:s0+$0x0]  }
0x7e: {  	p0 =	slt.u32 s3, $0xC30;
	_ =	sdelay $0x2  }
0x7f: {  	v7 =	vadd.f32 v9, v7  }
0x80: {  	vm5 =	vne.s32 v8, $0xFFFFFFFF  }
0x81: {  	vm6 =	vmand vm5, vm3;
	(xrf2) =	vadd.seg.scan.f32 vm5, v7;
	_ =	sdelay $0x5  }
0x82: {  	vm7 =	veq.s32 v8, v5;
	vm5 =	veq.s32 v8, v3  }
0x83: {  	vm8 =	vgt.u32 v8, $0xFFFFFFFD;
	vm4 =	vmor vm4, vm5;
	vm7 =	vmor vm7, vm5  }
0x84: {  	vm7 =	vmor vm7, vm8  }
0x85: {  	v8 =	vsel vm7, $0xFFFFFFFF, v8  }
.Ltmp7:
0x86: {  	v7 =	vsel vm5, $0x0, v10;
	v9, _, _ =	vpop (xrf2);
	(pc) =	sbr.rel @p0 .LBB2_9-.Ltmp7, $4  }
0x87: {  	v6 =	vsel vm5, v9, v6;
	v10 =	vadd.f32 v9, v7;
	v7 =	vsel vm6, $0x0, v9  }
0x88: {  	s2 =	sadd.s32 $0x10, s2;
	v7 =	vshift.insert v7, v0, s20  }
0x89: {  	s16 =	sadd.s32 $0x10, s16;
	[tilespmem:s2+$0x0] =	vst v10;
	(ifvalue) =	ssetifvalue $0xFFFFFFFF  }
0x8a: {  	[hbm4b:s1+s14] =	stream.indirect_vreg.scatter [tilespmem:s2], [sflag:$0x2], $0x1, v8, vm0, $0x4038;
	[tilespmem:$0x6F60] =	vst v63  }
0x8b: {  	v3 =	vld [tilespmem:$0x62F0];
	_ =	sdelay $0x4  }
0x8c: {  	v3 =	vshift.insert v3, v0, s20;
	_ =	sdelay $0x1  }
0x8d: {  	[tilespmem:s24+$0x0] =	vst.msk $0x1, v3  }
0x8e: {  	v3 =	vsel vm4, $0x1, v1;
	[tilespmem:$0x90] =	vst v6  }
0x8f: {  	[tilespmem:$0xA0] =	vst v3  }
0x90: {  	[spmem:s12] =	stream.linear.scatter [tilespmem:s25], [sflag:$0x1], $0x1, $0x38;
	[tilespmem:$0x6F60] =	vst v63  }
0x91: {  	v3 =	vmctz.xlane vm4;
	_ =	swait.ge [sflag:s4], $0x1  }
0x92: {  	(v2sf) =	vpush v4, $0x0  }
0x93: {  	(v2sf) =	vpush v3, $0x0;
	_ =	sdelay $0xd  }
0x94: {  	s0 =	spop (v2sf)  }
0x95: {  	s2 =	spop (v2sf)  }
0x96: {  	[sflag:s4] =	ssyncset.done $0x0;
	p0 =	sne.s32 s30, s0;
	p1 =	slt.s32 s2, $0xF  }
0x97: {  	[sflag:s4] =	ssyncadd.s32 $0xFFFFFFFF;
	v3 =	vimm.s32 @!p0 $0xFFFFFFFF;
	s2 =	simm.s32 @!p1 $0xF  }
0x98: {  	[tilespmem:$0x80] =	vst @!p0 v3;
	s31 =	sadd.s32 $0x90, s2  }
0x99: {  	[spmem:s10] =	stream.linear.scatter [tilespmem:s31], [sflag:$0x1], $0x1, $0x38;
	[tilespmem:$0x6F60] =	vst v63  }
0x9a: {  	_ =	swait.ge [sflag:s4], $0x1  }
0x9b: {  	[sflag:s4] =	ssyncset.done $0x0  }
0x9c: {  	[sflag:s4] =	ssyncadd.s32 $0xFFFFFFFF  }
0x9d: {  	[spmem:s13] =	stream.linear.scatter [tilespmem:s26], [sflag:$0x1], $0x1, $0x38;
	[tilespmem:$0x6F60] =	vst v63  }
0x9e: {  	_ =	swait.ge [sflag:s4], $0x1  }
0x9f: {  	[sflag:s4] =	ssyncset.done $0x0  }
0xa0: {  	[sflag:s4] =	ssyncadd.s32 $0xFFFFFFFF;
	(ifvalue) =	ssetifvalue $0xFFFFFFFF;
	v3 =	vld [tilespmem:$0x10];
	_ =	sdelay $0x3  }
.Ltmp8:
0xa1: {  	_ = 	snop;
	(pc) =	sbr.rel .LBB2_4-.Ltmp8, $3  }
0xa2: {  	_ =	sdelay $0x1  }
0xa3: {  	(ifvalue) =	ssetifvalue $0xFFFFFFFF  }
0xa4: {  	[hbm4b:s1+s14] =	stream.indirect_vreg.scatter [tilespmem:s19], [sflag:$0x9], $0x1, v3, vm0, $0x4038;
	[tilespmem:$0x6F60] =	vst v63  }
.LBB2_12:
0xa5: {  	s0 =	simm.s32 $0x2  }
0xa6: {  	_ =	swait.ge [sflag:s0], $0xC40  }
0xa7: {  	[sflag:s0] =	ssyncset.done $0x0  }
0xa8: {  	s31 =	simm.s32 $0x9;
	[sflag:s0] =	ssyncadd.s32 $0xFFFFF3C0  }
0xa9: {  	_ =	swait.ge [sflag:s31], $0x10  }
0xaa: {  	[sflag:s31] =	ssyncset.done $0x0  }
0xab: {  	[sflag:s31] =	ssyncadd.s32 $0xFFFFFFF0  }
.LBB2_13:
0xac: {  	_ =	sfence.sel $0x180000  }
0xad: {  	s0 =	simm.s32 $0x7;
	[bflag:$0x0] =	sbarrier.arrive $0xFFFF  }
0xae: {  	s26 =	simm.s32 $0x8;
	[sflag:s0] =	ssyncpa.u1 $0x1  }
0xaf: {  	s28 =	simm.s32 $0x9;
	[sflag:s26] =	ssyncpa.u1 $0x1  }
0xb0: {  	[sflag:s28] =	ssyncpa.u1 $0x1  }
0xb1: {  	_ =	sfence.stream.spmem  }
0xb2: {  	s29 =	simm.s32 $0x3;
	[bflag:$0x0] =	sbarrier.arrive $0xFFFF  }
0xb3: {  	s30 =	simm.s32 $0x4;
	[sflag:s29] =	ssyncpa.u1 $0x1  }
0xb4: {  	s31 =	simm.s32 $0x3C;
	s2 =	stileid.u32;
	[sflag:s30] =	ssyncpa.u1 $0x1  }
0xb5: {  	p0 =	sne.s32 s2, $0x0;
	[sflag:s31] =	ssyncpa.u1 $0x1  }
0xb6: {  	s0 =	simm.s32 @p0 $0x1;
	_ =	sfence @p0  }
0xb7: {  	[sflag:s0] =	ssyncpa.u1 @p0 $0x1;
	s0 =	simm.s32 @p0 $0x2  }
0xb8: {  	[sflag:s0] =	ssyncpa.u1 @p0 $0x1  }
0xb9: {  	_ =	strace @p0 $0x9000004A  }
0xba: {  	[bflag:$0x2] =	sbarrier.arrive @p0 $0xFFFF  }
0xbb: {  	_ =	shalt @p0  }
.LBB2_14:
0xbc: {  	_ =	sfence.stream.spmem;
	s0 =	simm.s32 $0x5  }
0xbd: {  	s2 =	simm.s32 $0x80;
	s3 =	simm.s32 $0xC0;
	[sflag:s0] =	ssyncpa.u1 $0x0  }
0xbe: {  	[tilespmem:s3], [sflag:$0x5] =	stream.linear.gather [spmem:s2], $0x20, $0x38;
	[tilespmem:$0x6F60] =	vst v63  }
0xbf: {  	s2 =	simm.s32 $0x0;
	s3 =	simm.s32 $0xE0  }
0xc0: {  	[tilespmem:s3], [sflag:$0x5] =	stream.linear.gather [spmem:s2], $0x20, $0x38;
	[tilespmem:$0x6F60] =	vst v63  }
.Ltmp9:
0xc1: {  	_ = 	snop;
	(pc) =	sbr.rel .LBB2_15-.Ltmp9, $4  }
0xc2: {  	_ =	swait.ge [sflag:s0], $0x40  }
0xc3: {  	[sflag:s0] =	ssyncset.done $0x0  }
0xc4: {  	s31 =	simm.s32 $0x6;
	[sflag:s0] =	ssyncadd.s32 $0xFFFFFFC0  }
0xc5: {  	s4 =	simm.s32 $0x0;
	[sflag:s31] =	ssyncpa.u1 $0x0  }
.LBB2_20:
0xc6: {  	p0 =	sgt.u32 s0, $0x1FF  }
0xc7: {  	s5 =	sshrl.u32 @!p0 s0, $0x3  }
0xc8: {  	s0 =	sand.u32 @!p0 $0x7, s0;
	s6 =	simm.s32 @!p0 $0xB0;
	s5 =	sadd.s32 @!p0 s1, s5  }
0xc9: {  	[tilespmem:s6], [sflag:$0x6] =	stream.linear.gather @!p0 [hbm4b:s5+s0], $0x1, $0x38;
	[tilespmem:$0x6F60] =	vst v63  }
0xca: {  	s0 =	simm.s32 @!p0 $0x6  }
0xcb: {  	_ =	swait.ge @!p0 [sflag:s0], $0x1  }
0xcc: {  	[sflag:s0] =	ssyncset.done @!p0 $0x0  }
0xcd: {  	[sflag:s0] =	ssyncadd.s32 @!p0 $0xFFFFFFFF  }
0xce: {  	v2 =	vmov @!p0 s4;
	v1 =	vld.msk @!p0 [tilespmem:$0xB0], $0x1;
	_ =	sdelay $0x3  }
0xcf: {  	s0 =	simm.s32 @!p0 $0xE0  }
0xd0: {  	[tilespmem:v2+s0+$0x0], v1 =	vst.idx.ret.add.f32.msk @!p0 $0x1, v1  }
0xd1: {  	[tilespmem:s2+$0xC0] =	vst.msk $0x1, v0  }
0xd2: {  	v0 =	vld.msk [tilespmem:s4+$0xE0], $0x1;
	_ =	sdelay $0x4  }
0xd3: {  	[tilespmem:s2+$0xE0] =	vst.msk $0x1, v0;
	s2 =	sadd.s32 $0x1, s2  }
.LBB2_22:
0xd4: {  	s4 =	sadd.s32 $0x1, s4  }
0xd5: {  	p0 =	sne.s32 s4, $0x20  }
.Ltmp10:
0xd6: {  	_ = 	snop;
	(pc) =	sbr.rel @!p0 .LBB2_23-.Ltmp10, $1  }
0xd7: {  	_ =	sdelay $0x3  }
.LBB2_15:
0xd8: {  	v0 =	vld.msk [tilespmem:s4+$0xC0], $0x1;
	_ =	sdelay $0x4  }
0xd9: {  	(v2sf) =	vpush v0, $0x0;
	_ =	sdelay $0xe  }
0xda: {  	s0 =	spop (v2sf)  }
0xdb: {  	p0 =	seq.s32 s0, $0xFFFFFFFF  }
.Ltmp11:
0xdc: {  	_ = 	snop;
	(pc) =	sbr.rel @p0 .LBB2_22-.Ltmp11, $1  }
0xdd: {  	_ =	sdelay $0x3  }
0xde: {  	p0 =	slt.s32 s2, $0x1  }
.Ltmp12:
0xdf: {  	_ = 	snop;
	(pc) =	sbr.rel @p0 .LBB2_20-.Ltmp12, $1  }
0xe0: {  	_ =	sdelay $0x3  }
0xe1: {  	s5 =	simm.s32 $0xC0;
	p0 =	por $0x0, $0x0  }
0xe2: {  	v1 =	vld.msk @!p0 [tilespmem:s5+$0x0], $0x1;
	_ =	sdelay $0x4  }
0xe3: {  	(v2sf) =	vpush @!p0 v1, $0x0;
	_ =	sdelay $0xd  }
0xe4: {  	p2 =	sne.s32 s2, $0x1  }
.Ltmp13:
0xe5: {  	s6 =	spop @!p0 (v2sf);
	(pc) =	sbr.rel @!p2 .LBB2_19-.Ltmp13, $4  }
0xe6: {  	p1 =	seq.s32 @!p0 s0, s6  }
0xe7: {  	s6 =	simm.s32 $0x0;
	p1 =	por !p1, p0  }
0xe8: {  	s8 =	simm.s32 $0xFFFFFFFF;
	s6 =	simm.s32 @p1 $0xFFFFFFFF  }
0xe9: {  	s7 =	simm.s32 $0x1;
	s6 =	smov.u32 @p0 s8  }
.LBB2_18:
0xea: {  	s8 =	smov.u32 s6;
	p0 =	sne.s32 s6, $0xFFFFFFFF  }
0xeb: {  	s5 =	sadd.s32 $0x1, s5;
	s6 =	smov.u32 s7;
	s7 =	sadd.s32 $0x1, s7  }
0xec: {  	p1 =	sne.s32 s2, s7;
	v1 =	vld.msk @!p0 [tilespmem:s5+$0x0], $0x1;
	_ =	sdelay $0x4  }
0xed: {  	(v2sf) =	vpush @!p0 v1, $0x0;
	_ =	sdelay $0xe  }
.Ltmp14:
0xee: {  	s9 =	spop @!p0 (v2sf);
	(pc) =	sbr.rel @p1 .LBB2_18-.Ltmp14, $4  }
0xef: {  	p2 =	seq.s32 @!p0 s0, s9  }
0xf0: {  	p2 =	por !p2, p0  }
0xf1: {  	s6 =	simm.s32 @p2 $0xFFFFFFFF  }
0xf2: {  	s6 =	smov.u32 @p0 s8  }
.LBB2_19:
0xf3: {  	p0 =	sne.s32 s6, $0xFFFFFFFF  }
.Ltmp15:
0xf4: {  	_ = 	snop;
	(pc) =	sbr.rel @!p0 .LBB2_20-.Ltmp15, $1  }
0xf5: {  	_ =	sdelay $0x3  }
0xf6: {  	v0 =	vld.msk [tilespmem:s4+$0xE0], $0x1;
	v1 =	vmov s6  }
.Ltmp16:
0xf7: {  	_ = 	snop;
	(pc) =	sbr.rel .LBB2_22-.Ltmp16, $2  }
0xf8: {  	_ =	sdelay $0x2  }
0xf9: {  	[tilespmem:v1+s3+$0x0], v0 =	vst.idx.ret.add.f32.msk $0x1, v0  }
.LBB2_23:
0xfa: {  	p0 =	slt.s32 s2, $0x1  }
.Ltmp17:
0xfb: {  	_ = 	snop;
	(pc) =	sbr.rel @p0 .LBB2_27-.Ltmp17, $3  }
0xfc: {  	_ =	sdelay $0x1  }
0xfd: {  	s0 =	simm.s32 $0x6  }
0xfe: {  	[sflag:s0] =	ssyncpa.u1 $0x1;
	s0 =	simm.s32 $0x0  }
0xff: {  	s3 =	simm.s32 $0xC0  }
0x100: {  	v0 =	vld.msk [tilespmem:s3+$0x0], $0x1;
	_ =	sdelay $0x4  }
0x101: {  	(v2sf) =	vpush v0, $0x0;
	_ =	sdelay $0xe  }
0x102: {  	s2 =	sadd.s32 $0xFFFFFFFF, s2;
	s4 =	spop (v2sf)  }
0x103: {  	p1 =	sne.s32 s2, $0x0;
	p0 =	sgt.u32 s4, $0x1FF  }
.Ltmp18:
0x104: {  	s5 =	sshrl.u32 @!p0 s4, $0x3;
	(pc) =	sbr.rel @!p1 .LBB2_26-.Ltmp18, $4  }
0x105: {  	s3 =	simm.s32 $0xE0;
	s4 =	sand.u32 @!p0 $0x7, s4;
	s5 =	sadd.s32 @!p0 s1, s5  }
0x106: {  	[hbm4b:s5+s4] =	stream.linear.scatter @!p0 [tilespmem:s3], [sflag:$0x5], $0x1, $0x38;
	[tilespmem:$0x6F60] =	vst v63  }
0x107: {  	s5 =	simm.s32 $0x0  }
0x108: {  	s4 =	simm.s32 $0xC1;
	s5 =	simm.s32 @!p0 $0x4  }
.LBB2_25:
0x109: {  	v0 =	vld.msk [tilespmem:s4+$0x0], $0x1;
	s2 =	sadd.s32 $0xFFFFFFFF, s2;
	s0 =	sadd.s32 s0, s5  }
0x10a: {  	p0 =	sne.s32 s2, $0x0;
	_ =	sdelay $0x3  }
0x10b: {  	(v2sf) =	vpush v0, $0x0;
	_ =	sdelay $0xe  }
.Ltmp19:
0x10c: {  	s6 =	spop (v2sf);
	(pc) =	sbr.rel @p0 .LBB2_25-.Ltmp19, $4  }
0x10d: {  	s5 =	simm.s32 $0x0;
	p1 =	sgt.u32 s6, $0x1FF  }
0x10e: {  	s3 =	sadd.s32 $0x1, s3;
	s5 =	simm.s32 @!p1 $0x4;
	s7 =	sshrl.u32 @!p1 s6, $0x3  }
0x10f: {  	s4 =	sadd.s32 $0x1, s4;
	s6 =	sand.u32 @!p1 $0x7, s6;
	s7 =	sadd.s32 @!p1 s1, s7  }
0x110: {  	[hbm4b:s7+s6] =	stream.linear.scatter @!p1 [tilespmem:s3], [sflag:$0x5], $0x1, $0x38;
	[tilespmem:$0x6F60] =	vst v63  }
.LBB2_26:
0x111: {  	s0 =	sadd.s32 s0, s5  }
0x112: {  	s0 =	sshrl.u32 s0, $0x2  }
.LBB2_27:
0x113: {  	s1 =	simm.s32 $0x5  }
0x114: {  	_ =	swait.ge [sflag:s1], s0  }
0x115: {  	s28 =	ssub.s32 $0x0, s0;
	[sflag:s1] =	ssyncset.done $0x0  }
0x116: {  	[sflag:s1] =	ssyncadd.s32 s28  }
0x117: {  	[sflag:s1] =	ssyncpa.u1 $0x1  }
0x118: {  	s29 =	simm.s32 $0x1;
	_ =	sfence  }
0x119: {  	s30 =	simm.s32 $0x2;
	[sflag:s29] =	ssyncpa.u1 $0x1  }
0x11a: {  	[sflag:s30] =	ssyncpa.u1 $0x1  }
0x11b: {  	_ =	strace $0x9000004A  }
0x11c: {  	[bflag:$0x2] =	sbarrier.arrive $0xFFFF  }
0x11d: {  	s31 =	rddreg [dreg:$0x3]  }
0x11e: {  	s0 =	sadd.s32 $0x100000, s31  }
0x11f: {  	[sflag:s0] =	ssyncadd.tile.s32 $0x1;
	_ =	shalt  }
.Lfunc_end2:
_tile_overlayer_lowered:
.L_overlay_start_2:
0x120: {  	(tag) =	ssettag $0x2  }
0x121: {  	s0 =	rddreg [dreg:$0x0];
	s2 =	stileid.u32  }
0x122: {  	s1 =	rddreg [dreg:$0x1];
	p0 =	sne.s32 s2, $0x0  }
0x123: {  	s3 =	rddreg [dreg:$0x2];
	[bflag:$0x3] =	sbarrier.arrive $0xFFFF;
	s2 =	simm.s32 @!p0 $0x1C01  }
0x124: {  	[timem:s3], [sflag:s2] =	dma.local @!p0 [hbm:s0], s1  }
0x125: {  	s0 =	simm.s32 @!p0 $0x1  }
0x126: {  	_ =	swait.ge @!p0 [sflag:s0], s1  }
0x127: {  	s1 =	ssub.s32 @!p0 $0x0, s1;
	[sflag:s0] =	ssyncset.done @!p0 $0x0  }
0x128: {  	[sflag:s0] =	ssyncadd.s32 @!p0 s1  }
0x129: {  	[bflag:$0x3] =	sbarrier.arrive $0xFFFF  }
0x12a: {  	_ =	shalt  }

</sc_bundles>
